<compile_context>
chip_gen: v7x
topology: tpu7x:2x2x1
jax: 0.10.2.dev20260603
libtpu: 0.0.44.dev20260713+nightly
codegen_flags: <defaults>
</compile_context>

<pallas_src>
import jax
import jax.numpy as jnp
from jax import lax
from jax.experimental import pallas as pl
from jax.experimental.pallas import tpu as pltpu
from jax.experimental.pallas import tpu_sc as plsc

N_NODES = 1_000_000
NUM_RELS = 32
D = 64
B = 16384
K = 10
L = 16
NC, NS = 2, 16
NW = NC * NS
BPW = B // NW
SUB = 128
NSUB = BPW // SUB
SL = 62512
SL2 = SL // 2
EB = 16
MAXE = 2 * SUB


def _iota16():
    return lax.iota(jnp.int32, L)


def _body(node2, rel2, head_idx, tail_idx, rel_t, deg, sim_f, nid_f,
          score_hbm, owner_sh, head_full, owner_sl, relv_v, hidx_v, tidx_v,
          hidx2_v, tidx2_v, rl_v, wh_v, wt_v, wtc_v, relw_v, went_v, qref_v,
          eidx_v, kidx_v, sims_e, deg_e, nflat_v, parn_v, neigh_v, hn_v,
          tn_v, scores_v, sem):
    cid = lax.axis_index("c")
    sid = lax.axis_index("s")
    wid = cid * NS + sid
    pltpu.sync_copy(head_idx, head_full)
    pltpu.sync_copy(rel2, relv_v)

    for p in range(2):
        base = sid * SL + p * SL2

        def oscan(g, _, base=base):
            hv = head_full[pl.ds(g * L, L)]
            j = g * L + _iota16()
            local = hv - base
            m = (local >= 0) & (local < SL2)
            lc = jnp.minimum(jnp.maximum(local, 0), SL2 - 1)
            plsc.store_scatter(owner_sl, [lc], j, mask=m)
            g2 = plsc.load_gather(owner_sl, [lc], mask=m)
            plsc.store_scatter(owner_sl, [lc], j, mask=m & (g2 < j))
            g3 = plsc.load_gather(owner_sl, [lc], mask=m)
            plsc.store_scatter(owner_sl, [lc], j, mask=m & (g3 < j))
            return 0
        lax.fori_loop(0, B // L, oscan, 0)
        pltpu.sync_copy(owner_sl, owner_sh.at[pl.ds(base, SL2)])
    plsc.subcore_barrier()

    def sub(s, _):
        rowbase = wid * BPW + s * SUB
        pltpu.sync_copy(head_idx.at[pl.ds(rowbase, SUB)], hidx_v)
        pltpu.sync_copy(tail_idx.at[pl.ds(rowbase, SUB)], tidx_v)
        pltpu.sync_copy(rel_t.at[pl.ds(rowbase, SUB)], rl_v)
        for g in range(SUB // L):
            sl_ = pl.ds(g * L, L)
            hidx2_v[sl_] = hidx_v[sl_] >> 1
            tidx2_v[sl_] = tidx_v[sl_] >> 1
        c1 = pltpu.async_copy(owner_sh.at[hidx_v], wh_v, sem)
        c2 = pltpu.async_copy(owner_sh.at[tidx_v], wt_v, sem)
        c3 = pltpu.async_copy(node2.at[hidx2_v], hn_v, sem)
        c4 = pltpu.async_copy(node2.at[tidx2_v], tn_v, sem)
        c1.wait()
        c2.wait()
        c3.wait()
        c4.wait()
        for g in range(SUB // L):
            sl_ = pl.ds(g * L, L)
            wt = wt_v[sl_]
            wtc_v[sl_] = jnp.minimum(jnp.maximum(wt, 0), B - 1)
        c5 = pltpu.async_copy(rel_t.at[wh_v], relw_v, sem)
        c6 = pltpu.async_copy(rel_t.at[wtc_v], wt_v, sem)
        c5.wait()
        c6.wait()

        def centry(g, cnt):
            sl_ = pl.ds(g * L, L)
            qpos = g * L + _iota16()
            mh = (relw_v[sl_] >= 2) & (relw_v[sl_] <= 4)
            pos = cnt + plsc.cumsum(mh.astype(jnp.int32)) - 1
            plsc.store_scatter(went_v, [pos], wh_v[sl_], mask=mh)
            plsc.store_scatter(qref_v, [pos], qpos, mask=mh)
            cnt = cnt + jnp.sum(mh.astype(jnp.int32))
            wt0 = plsc.load_gather(head_full, [wtc_v[sl_]])
            ok = (wt_v[sl_] >= 2) & (wt_v[sl_] <= 4) & (wt0 == tidx_v[sl_])
            pos = cnt + plsc.cumsum(ok.astype(jnp.int32)) - 1
            plsc.store_scatter(went_v, [pos], wtc_v[sl_], mask=ok)
            plsc.store_scatter(qref_v, [pos], qpos + SUB, mask=ok)
            return cnt + jnp.sum(ok.astype(jnp.int32))
        nent = lax.fori_loop(0, SUB // L, centry, jnp.int32(0))

        def eblock(b, _):
            ei = b * EB + _iota16()
            elane = ei < nent
            eic = jnp.minimum(ei, MAXE - 1)
            went = plsc.load_gather(went_v, [eic], mask=elane)
            went = jnp.where(elane, went, _iota16())
            qref = plsc.load_gather(qref_v, [eic], mask=elane)
            qref = jnp.where(elane, qref, 0)
            eidx_v[pl.ds(0, L)] = went
            for k in range(K):
                plsc.store_scatter(kidx_v, [_iota16() * K + k], went * K + k)
            ce1 = pltpu.async_copy(sim_f.at[kidx_v.at[pl.ds(0, 128)]],
                                   sims_e.at[pl.ds(0, 128)], sem)
            ce2 = pltpu.async_copy(sim_f.at[kidx_v.at[pl.ds(128, 32)]],
                                   sims_e.at[pl.ds(128, 32)], sem)
            ce3 = pltpu.async_copy(nid_f.at[kidx_v.at[pl.ds(0, 128)]],
                                   nflat_v.at[pl.ds(0, 128)], sem)
            ce4 = pltpu.async_copy(nid_f.at[kidx_v.at[pl.ds(128, 32)]],
                                   nflat_v.at[pl.ds(128, 32)], sem)
            ce5 = pltpu.async_copy(deg.at[eidx_v], deg_e, sem)
            ce1.wait()
            ce2.wait()
            ce3.wait()
            ce4.wait()
            ce5.wait()
            for j in range(EB * K // L):
                sl_ = pl.ds(j * L, L)
                v = nflat_v[sl_]
                parn_v[sl_] = (v & 1) * D
                nflat_v[sl_] = v >> 1
            cn1 = pltpu.async_copy(node2.at[nflat_v.at[pl.ds(0, 128)]],
                                   neigh_v.at[pl.ds(0, 128)], sem)
            cn2 = pltpu.async_copy(node2.at[nflat_v.at[pl.ds(128, 32)]],
                                   neigh_v.at[pl.ds(128, 32)], sem)
            dge = deg_e[pl.ds(0, L)]
            cc = 0.7 * jnp.exp(-0.7 * dge.astype(jnp.float32)) + 0.2
            cn1.wait()
            cn2.wait()
            sk = [plsc.load_gather(sims_e, [_iota16() * K + k])
                  for k in range(K)]
            pk = [plsc.load_gather(parn_v, [_iota16() * K + k])
                  for k in range(K)]
            ishead = qref < SUB
            qp = jnp.minimum(qref, SUB - 1)
            qp2 = jnp.minimum(jnp.maximum(qref - SUB, 0), SUB - 1)
            ph = (plsc.load_gather(hidx_v, [qp]) & 1) * D
            pt = (plsc.load_gather(tidx_v, [qp2]) & 1) * D
            colp = jnp.where(ishead, ph, pt)

            def dbody(d, _, sk=sk, pk=pk, cc=cc, ishead=ishead, qp=qp,
                      qp2=qp2, colp=colp, elane=elane):
                dv = jnp.full((L,), d, jnp.int32)
                acc = jnp.zeros((L,), jnp.float32)
                for k in range(K):
                    acc += sk[k] * plsc.load_gather(
                        neigh_v, [_iota16() * K + k, dv + pk[k]])
                col = dv + colp
                oh = jnp.where(ishead,
                               plsc.load_gather(hn_v, [qp, col]),
                               plsc.load_gather(tn_v, [qp2, col]))
                val = cc * acc + (1.0 - cc) * oh
                plsc.store_scatter(hn_v, [qp, col], val, mask=ishead & elane)
                plsc.store_scatter(tn_v, [qp2, col], val,
                                   mask=(~ishead) & elane)
                return 0
            lax.fori_loop(0, D, dbody, 0)
            return 0
        nblk = (nent + EB - 1) // EB
        lax.fori_loop(0, nblk, eblock, 0)

        for g in range(SUB // L):
            row = g * L + _iota16()
            rl = rl_v[pl.ds(g * L, L)]
            hcol0 = (hidx_v[pl.ds(g * L, L)] & 1) * D
            tcol0 = (tidx_v[pl.ds(g * L, L)] & 1) * D
            rrow = rl >> 1
            rcol0 = (rl & 1) * D

            def sbody(d, acc, row=row, rrow=rrow, hcol0=hcol0, tcol0=tcol0,
                      rcol0=rcol0):
                dv = jnp.full((L,), d, jnp.int32)
                h = plsc.load_gather(hn_v, [row, dv + hcol0])
                t = plsc.load_gather(tn_v, [row, dv + tcol0])
                r = plsc.load_gather(relv_v, [rrow, dv + rcol0])
                return acc + h * r * t
            acc = lax.fori_loop(0, D, sbody, jnp.zeros((L,), jnp.float32))
            scores_v[pl.ds(s * SUB + g * L, L)] = 1.0 / (1.0 + jnp.exp(-acc))
        return 0
    lax.fori_loop(0, NSUB, sub, 0)
    pltpu.sync_copy(scores_v, score_hbm.at[pl.ds(wid * BPW, BPW)])


def kernel(node_emb, rel_emb, head_indices, rel_types, tail_indices,
           sim_scores, neighbor_idx, degrees):
    head_i = head_indices.astype(jnp.int32)
    tail_i = tail_indices.astype(jnp.int32)
    rel_i = rel_types.astype(jnp.int32)
    deg_i = degrees.astype(jnp.int32)
    sim_f = sim_scores.reshape(B * K)
    nid_f = neighbor_idx.astype(jnp.int32).reshape(B * K)
    node2 = node_emb.reshape(N_NODES // 2, 2 * D)
    rel2 = rel_emb.reshape(NUM_RELS // 2, 2 * D)

    mesh = plsc.VectorSubcoreMesh(core_axis_name="c", subcore_axis_name="s")
    k = pl.kernel(
        _body,
        out_type=(jax.ShapeDtypeStruct((B,), jnp.float32),
                  jax.ShapeDtypeStruct((NS * SL,), jnp.int32)),
        mesh=mesh,
        compiler_params=pltpu.CompilerParams(
            needs_layout_passes=False, use_tc_tiling_on_sc=True),
        scratch_types=[
            pltpu.VMEM((B,), jnp.int32),
            pltpu.VMEM((SL2,), jnp.int32),
            pltpu.VMEM((NUM_RELS // 2, 2 * D), jnp.float32),
            pltpu.VMEM((SUB,), jnp.int32),
            pltpu.VMEM((SUB,), jnp.int32),
            pltpu.VMEM((SUB,), jnp.int32),
            pltpu.VMEM((SUB,), jnp.int32),
            pltpu.VMEM((SUB,), jnp.int32),
            pltpu.VMEM((SUB,), jnp.int32),
            pltpu.VMEM((SUB,), jnp.int32),
            pltpu.VMEM((SUB,), jnp.int32),
            pltpu.VMEM((SUB,), jnp.int32),
            pltpu.VMEM((MAXE,), jnp.int32),
            pltpu.VMEM((MAXE,), jnp.int32),
            pltpu.VMEM((L,), jnp.int32),
            pltpu.VMEM((EB * K,), jnp.int32),
            pltpu.VMEM((EB * K,), jnp.float32),
            pltpu.VMEM((L,), jnp.int32),
            pltpu.VMEM((EB * K,), jnp.int32),
            pltpu.VMEM((EB * K,), jnp.int32),
            pltpu.VMEM((EB * K, 2 * D), jnp.float32),
            pltpu.VMEM((SUB, 2 * D), jnp.float32),
            pltpu.VMEM((SUB, 2 * D), jnp.float32),
            pltpu.VMEM((BPW,), jnp.float32),
            pltpu.SemaphoreType.DMA,
        ],
    )
    return k(node2, rel2, head_i, tail_i, rel_i, deg_i, sim_f, nid_f)[0]

# --- scband reference (transcript-rebuilt; emitter-appended) ---
"""Pipeline reference for scband-kglink-predictor-85521388798577 (READ-ONLY COPY).

The authoritative reference and input builder live on the scoring server;
editing this copy changes nothing except your own understanding.
"""

import jax, jax.numpy as jnp
import numpy as np

NUM_NODES = 1000000
NUM_RELS = 32
D = 64
B = 16384
K = 10


def setup_inputs(seed: int = 0) -> dict:
    key = jax.random.key(seed)
    ks = jax.random.split(key, 8)
    node_emb = jax.random.normal(ks[0], (NUM_NODES, D), dtype=jnp.float32)
    rel_emb = jax.random.normal(ks[1], (NUM_RELS, D), dtype=jnp.float32)
    head_indices = jax.random.randint(ks[2], (B,), 0, NUM_NODES, dtype=jnp.int64)
    rel_types = jax.random.randint(ks[3], (B,), 0, NUM_RELS, dtype=jnp.int64)
    tail_indices = jax.random.randint(ks[4], (B,), 0, NUM_NODES, dtype=jnp.int64)
    sim_scores = jax.random.uniform(ks[5], (B, K), dtype=jnp.float32)
    neighbor_idx = jax.random.randint(ks[6], (B, K), 0, NUM_NODES, dtype=jnp.int64)
    degrees = jax.random.randint(ks[7], (B,), 0, 64, dtype=jnp.int64)
    return {
        'node_emb': node_emb,
        'rel_emb': rel_emb,
        'head_indices': head_indices,
        'rel_types': rel_types,
        'tail_indices': tail_indices,
        'sim_scores': sim_scores,
        'neighbor_idx': neighbor_idx,
        'degrees': degrees,
    }


def reference(node_emb, rel_emb, head_indices, rel_types, tail_indices, sim_scores, neighbor_idx, degrees):
    # DistMultMod.forward with disease-embedding modification, vectorized.
    # Relations 2,3,4 ('contraindication','indication','off_label_use') trigger
    # an embedding rewrite of the head node before scoring.
    l = 0.7
    mask = (rel_types >= 2) & (rel_types <= 4)  # [B]
    # disease_constant = l * exp(-l * degree_in_relation) + 0.2
    c = l * jnp.exp(-l * degrees.astype(jnp.float32)) + 0.2  # [B]
    # neighbor gather + similarity-weighted sum (memory-bound gather)
    neigh_emb = jnp.take(node_emb, neighbor_idx, axis=0)  # [B, K, D]
    disease_vec = jnp.sum(sim_scores[:, :, None] * neigh_emb, axis=1)  # [B, D]
    old_head = jnp.take(node_emb, head_indices, axis=0)  # [B, D]
    new_head = c[:, None] * disease_vec + (1.0 - c)[:, None] * old_head
    upd = jnp.where(mask[:, None], new_head, old_head)
    # scatter-overwrite of node memory (self.node_emb[head_index] = ...)
    node_emb2 = node_emb.at[head_indices].set(upd)
    head = jnp.take(node_emb2, head_indices, axis=0)
    tail = jnp.take(node_emb2, tail_indices, axis=0)
    rel = jnp.take(rel_emb, rel_types, axis=0)
    score = jnp.sum(head * rel * tail, axis=-1)
    return jax.nn.sigmoid(score)

if __name__ == "__main__":
    import jax
    _d = setup_inputs()
    print(jax.jit(kernel)(*tuple(_d.values())))

</pallas_src>

<mosaic_0001>
#map = affine_map<(d0, d1) -> (0, 0)>
#map1 = affine_map<(d0, d1) -> (0)>
module attributes {stable_mosaic.version = 14 : i64} {
  func.func @_body(%arg0: i32, %arg1: i32, %arg2: memref<500000x128xf32, #tpu.memory_space<hbm>>, %arg3: memref<16x128xf32, #tpu.memory_space<hbm>>, %arg4: memref<16384xi32, #tpu.memory_space<hbm>>, %arg5: memref<16384xi32, #tpu.memory_space<hbm>>, %arg6: memref<16384xi32, #tpu.memory_space<hbm>>, %arg7: memref<16384xi32, #tpu.memory_space<hbm>>, %arg8: memref<163840xf32, #tpu.memory_space<hbm>>, %arg9: memref<163840xi32, #tpu.memory_space<hbm>>, %arg10: memref<16384xf32, #tpu.memory_space<hbm>>, %arg11: memref<1000192xi32, #tpu.memory_space<hbm>>, %arg12: memref<16384xi32, #tpu.memory_space<vmem>>, %arg13: memref<31256xi32, #tpu.memory_space<vmem>>, %arg14: memref<16x128xf32, #tpu.memory_space<vmem>>, %arg15: memref<128xi32, #tpu.memory_space<vmem>>, %arg16: memref<128xi32, #tpu.memory_space<vmem>>, %arg17: memref<128xi32, #tpu.memory_space<vmem>>, %arg18: memref<128xi32, #tpu.memory_space<vmem>>, %arg19: memref<128xi32, #tpu.memory_space<vmem>>, %arg20: memref<128xi32, #tpu.memory_space<vmem>>, %arg21: memref<128xi32, #tpu.memory_space<vmem>>, %arg22: memref<128xi32, #tpu.memory_space<vmem>>, %arg23: memref<128xi32, #tpu.memory_space<vmem>>, %arg24: memref<256xi32, #tpu.memory_space<vmem>>, %arg25: memref<256xi32, #tpu.memory_space<vmem>>, %arg26: memref<16xi32, #tpu.memory_space<vmem>>, %arg27: memref<160xi32, #tpu.memory_space<vmem>>, %arg28: memref<160xf32, #tpu.memory_space<vmem>>, %arg29: memref<16xi32, #tpu.memory_space<vmem>>, %arg30: memref<160xi32, #tpu.memory_space<vmem>>, %arg31: memref<160xi32, #tpu.memory_space<vmem>>, %arg32: memref<160x128xf32, #tpu.memory_space<vmem>>, %arg33: memref<128x128xf32, #tpu.memory_space<vmem>>, %arg34: memref<128x128xf32, #tpu.memory_space<vmem>>, %arg35: memref<512xf32, #tpu.memory_space<vmem>>, %arg36: memref<!tpu.dma_semaphore, #tpu.memory_space<semaphore_mem>>) attributes {dimension_semantics = [#tpu.dimension_semantics<core_parallel>, #tpu.dimension_semantics<subcore_parallel>], iteration_bounds = array<i64: 2, 16>, scalar_prefetch = 0 : i64, scratch_operands = 25 : i64, tpu.core_type = #tpu.core_type<sc_vector_subcore>, window_params = [{transform_indices = #map}, {transform_indices = #map}, {transform_indices = #map1}, {transform_indices = #map1}, {transform_indices = #map1}, {transform_indices = #map1}, {transform_indices = #map1}, {transform_indices = #map1}, {transform_indices = #map1}, {transform_indices = #map1}]} {
    %mul3A = arith.constant 16 : i32
    %mul3A_0 = arith.muli %arg0, %mul3A : i32
    %add3A = arith.addi %mul3A_0, %arg1 : i32
    "tpu.region"() ({
      %run_scoped3A = tpu.sem_alloc : memref<!tpu.dma_semaphore, #tpu.memory_space<semaphore_mem>>
      tpu.enqueue_dma source(%arg4 : memref<16384xi32, #tpu.memory_space<hbm>>) target(%arg12 : memref<16384xi32, #tpu.memory_space<vmem>>) target_semaphore(%run_scoped3A : memref<!tpu.dma_semaphore, #tpu.memory_space<semaphore_mem>>)
      tpu.wait_dma2 semaphore(%run_scoped3A : memref<!tpu.dma_semaphore, #tpu.memory_space<semaphore_mem>>) src(%arg4 : memref<16384xi32, #tpu.memory_space<hbm>>) dst(%arg12 : memref<16384xi32, #tpu.memory_space<vmem>>)
      tpu.yield
    }) : () -> ()
    "tpu.region"() ({
      %run_scoped3A = tpu.sem_alloc : memref<!tpu.dma_semaphore, #tpu.memory_space<semaphore_mem>>
      tpu.enqueue_dma source(%arg3 : memref<16x128xf32, #tpu.memory_space<hbm>>) target(%arg14 : memref<16x128xf32, #tpu.memory_space<vmem>>) target_semaphore(%run_scoped3A : memref<!tpu.dma_semaphore, #tpu.memory_space<semaphore_mem>>)
      tpu.wait_dma2 semaphore(%run_scoped3A : memref<!tpu.dma_semaphore, #tpu.memory_space<semaphore_mem>>) src(%arg3 : memref<16x128xf32, #tpu.memory_space<hbm>>) dst(%arg14 : memref<16x128xf32, #tpu.memory_space<vmem>>)
      tpu.yield
    }) : () -> ()
    %mul3A_1 = arith.constant 62512 : i32
    %mul3A_2 = arith.muli %arg1, %mul3A_1 : i32
    %add3A_3 = arith.constant 0 : i32
    %add3A_4 = arith.addi %mul3A_2, %add3A_3 : i32
    %scan3A = arith.constant 0 : i32
    %scan3A_5 = arith.constant 0 : i32
    %scan3A_6 = arith.constant 1024 : i32
    %scan3A_7 = arith.addi %scan3A_5, %scan3A_6 : i32
    %scan3A_8 = arith.constant 1 : i32
    %scan3A_9 = scf.for %scan3A_31 = %scan3A_5 to %scan3A_7 step %scan3A_8 iter_args(%scan3A_32 = %scan3A) -> (i32)  : i32 {
      %mul3A_33 = arith.constant 16 : i32
      %mul3A_34 = arith.muli %scan3A_31, %mul3A_33 : i32
      %get3A = arith.index_cast %mul3A_34 : i32 to index
      %get3A_35 = tpu.vector_load %arg12[%get3A] {strides = array<i32>} : memref<16384xi32, #tpu.memory_space<vmem>>, vector<16xi32>,
      %mul3A_36 = arith.constant 16 : i32
      %mul3A_37 = arith.muli %scan3A_31, %mul3A_36 : i32
      %iota3A = tpu.iota {dimensions = array<i32: 0>} : vector<16xi32>
      %add3A_38 = vector.broadcast %mul3A_37 : i32 to vector<16xi32>
      %add3A_39 = arith.addi %add3A_38, %iota3A : vector<16xi32>
      %sub3A = vector.broadcast %add3A_4 : i32 to vector<16xi32>
      %sub3A_40 = arith.subi %get3A_35, %sub3A : vector<16xi32>
      %ge3A = arith.constant 0 : i32
      %ge3A_41 = vector.broadcast %ge3A : i32 to vector<16xi32>
      %ge3A_42 = arith.cmpi sge, %sub3A_40, %ge3A_41 : vector<16xi32>
      %lt3A = arith.constant 31256 : i32
      %lt3A_43 = vector.broadcast %lt3A : i32 to vector<16xi32>
      %lt3A_44 = arith.cmpi slt, %sub3A_40, %lt3A_43 : vector<16xi32>
      %and3A = arith.andi %ge3A_42, %lt3A_44 : vector<16xi1>
      %max3A = arith.constant 0 : i32
      %max3A_45 = vector.broadcast %max3A : i32 to vector<16xi32>
      %max3A_46 = arith.maxsi %sub3A_40, %max3A_45 : vector<16xi32>
      %min3A = arith.constant 31255 : i32
      %min3A_47 = vector.broadcast %min3A : i32 to vector<16xi32>
      %min3A_48 = arith.minsi %max3A_46, %min3A_47 : vector<16xi32>
      tpu.vector_store_idx %arg13[%min3A_48], %add3A_39 masked %and3A : memref<31256xi32, #tpu.memory_space<vmem>>[vector<16xi32>], vector<16xi32>, vector<16xi1>
      %gather3A = tpu.vector_load_idx %arg13[%min3A_48] masked %and3A : memref<31256xi32, #tpu.memory_space<vmem>>[vector<16xi32>], vector<16xi32>, vector<16xi1>
      %lt3A_49 = arith.cmpi slt, %gather3A, %add3A_39 : vector<16xi32>
      %and3A_50 = arith.andi %and3A, %lt3A_49 : vector<16xi1>
      tpu.vector_store_idx %arg13[%min3A_48], %add3A_39 masked %and3A_50 : memref<31256xi32, #tpu.memory_space<vmem>>[vector<16xi32>], vector<16xi32>, vector<16xi1>
      %gather3A_51 = tpu.vector_load_idx %arg13[%min3A_48] masked %and3A : memref<31256xi32, #tpu.memory_space<vmem>>[vector<16xi32>], vector<16xi32>, vector<16xi1>
      %lt3A_52 = arith.cmpi slt, %gather3A_51, %add3A_39 : vector<16xi32>
      %and3A_53 = arith.andi %and3A, %lt3A_52 : vector<16xi1>
      tpu.vector_store_idx %arg13[%min3A_48], %add3A_39 masked %and3A_53 : memref<31256xi32, #tpu.memory_space<vmem>>[vector<16xi32>], vector<16xi32>, vector<16xi1>
      %scan3A_54 = arith.constant 0 : i32
      scf.yield %scan3A_54 : i32
    }
    %scan3A_10 = arith.constant 1024 : i32
    "tpu.region"() ({
      %run_scoped3A = tpu.sem_alloc : memref<!tpu.dma_semaphore, #tpu.memory_space<semaphore_mem>>
      %dma_start3A = tpu.memref_slice %arg11[%add3A_4] : memref<1000192xi32, #tpu.memory_space<hbm>> -> memref<31256xi32, #tpu.memory_space<hbm>>
      %dma_start3A_31 = tpu.memref_slice %arg11[%add3A_4] : memref<1000192xi32, #tpu.memory_space<hbm>> -> memref<31256xi32, #tpu.memory_space<hbm>>
      tpu.enqueue_dma source(%arg13 : memref<31256xi32, #tpu.memory_space<vmem>>) target(%dma_start3A_31 : memref<31256xi32, #tpu.memory_space<hbm>>) target_semaphore(%run_scoped3A : memref<!tpu.dma_semaphore, #tpu.memory_space<semaphore_mem>>)
      %dma_wait3A = tpu.memref_slice %arg11[%add3A_4] : memref<1000192xi32, #tpu.memory_space<hbm>> -> memref<31256xi32, #tpu.memory_space<hbm>>
      %dma_wait3A_32 = tpu.memref_slice %arg11[%add3A_4] : memref<1000192xi32, #tpu.memory_space<hbm>> -> memref<31256xi32, #tpu.memory_space<hbm>>
      tpu.wait_dma2 semaphore(%run_scoped3A : memref<!tpu.dma_semaphore, #tpu.memory_space<semaphore_mem>>) src(%arg13 : memref<31256xi32, #tpu.memory_space<vmem>>) dst(%dma_wait3A_32 : memref<31256xi32, #tpu.memory_space<hbm>>)
      tpu.yield
    }) : () -> ()
    %mul3A_11 = arith.constant 62512 : i32
    %mul3A_12 = arith.muli %arg1, %mul3A_11 : i32
    %add3A_13 = arith.constant 31256 : i32
    %add3A_14 = arith.addi %mul3A_12, %add3A_13 : i32
    %scan3A_15 = arith.constant 0 : i32
    %scan3A_16 = arith.constant 0 : i32
    %scan3A_17 = arith.constant 1024 : i32
    %scan3A_18 = arith.addi %scan3A_16, %scan3A_17 : i32
    %scan3A_19 = arith.constant 1 : i32
    %scan3A_20 = scf.for %scan3A_31 = %scan3A_16 to %scan3A_18 step %scan3A_19 iter_args(%scan3A_32 = %scan3A_15) -> (i32)  : i32 {
      %mul3A_33 = arith.constant 16 : i32
      %mul3A_34 = arith.muli %scan3A_31, %mul3A_33 : i32
      %get3A = arith.index_cast %mul3A_34 : i32 to index
      %get3A_35 = tpu.vector_load %arg12[%get3A] {strides = array<i32>} : memref<16384xi32, #tpu.memory_space<vmem>>, vector<16xi32>,
      %mul3A_36 = arith.constant 16 : i32
      %mul3A_37 = arith.muli %scan3A_31, %mul3A_36 : i32
      %iota3A = tpu.iota {dimensions = array<i32: 0>} : vector<16xi32>
      %add3A_38 = vector.broadcast %mul3A_37 : i32 to vector<16xi32>
      %add3A_39 = arith.addi %add3A_38, %iota3A : vector<16xi32>
      %sub3A = vector.broadcast %add3A_14 : i32 to vector<16xi32>
      %sub3A_40 = arith.subi %get3A_35, %sub3A : vector<16xi32>
      %ge3A = arith.constant 0 : i32
      %ge3A_41 = vector.broadcast %ge3A : i32 to vector<16xi32>
      %ge3A_42 = arith.cmpi sge, %sub3A_40, %ge3A_41 : vector<16xi32>
      %lt3A = arith.constant 31256 : i32
      %lt3A_43 = vector.broadcast %lt3A : i32 to vector<16xi32>
      %lt3A_44 = arith.cmpi slt, %sub3A_40, %lt3A_43 : vector<16xi32>
      %and3A = arith.andi %ge3A_42, %lt3A_44 : vector<16xi1>
      %max3A = arith.constant 0 : i32
      %max3A_45 = vector.broadcast %max3A : i32 to vector<16xi32>
      %max3A_46 = arith.maxsi %sub3A_40, %max3A_45 : vector<16xi32>
      %min3A = arith.constant 31255 : i32
      %min3A_47 = vector.broadcast %min3A : i32 to vector<16xi32>
      %min3A_48 = arith.minsi %max3A_46, %min3A_47 : vector<16xi32>
      tpu.vector_store_idx %arg13[%min3A_48], %add3A_39 masked %and3A : memref<31256xi32, #tpu.memory_space<vmem>>[vector<16xi32>], vector<16xi32>, vector<16xi1>
      %gather3A = tpu.vector_load_idx %arg13[%min3A_48] masked %and3A : memref<31256xi32, #tpu.memory_space<vmem>>[vector<16xi32>], vector<16xi32>, vector<16xi1>
      %lt3A_49 = arith.cmpi slt, %gather3A, %add3A_39 : vector<16xi32>
      %and3A_50 = arith.andi %and3A, %lt3A_49 : vector<16xi1>
      tpu.vector_store_idx %arg13[%min3A_48], %add3A_39 masked %and3A_50 : memref<31256xi32, #tpu.memory_space<vmem>>[vector<16xi32>], vector<16xi32>, vector<16xi1>
      %gather3A_51 = tpu.vector_load_idx %arg13[%min3A_48] masked %and3A : memref<31256xi32, #tpu.memory_space<vmem>>[vector<16xi32>], vector<16xi32>, vector<16xi1>
      %lt3A_52 = arith.cmpi slt, %gather3A_51, %add3A_39 : vector<16xi32>
      %and3A_53 = arith.andi %and3A, %lt3A_52 : vector<16xi1>
      tpu.vector_store_idx %arg13[%min3A_48], %add3A_39 masked %and3A_53 : memref<31256xi32, #tpu.memory_space<vmem>>[vector<16xi32>], vector<16xi32>, vector<16xi1>
      %scan3A_54 = arith.constant 0 : i32
      scf.yield %scan3A_54 : i32
    }
    %scan3A_21 = arith.constant 1024 : i32
    "tpu.region"() ({
      %run_scoped3A = tpu.sem_alloc : memref<!tpu.dma_semaphore, #tpu.memory_space<semaphore_mem>>
      %dma_start3A = tpu.memref_slice %arg11[%add3A_14] : memref<1000192xi32, #tpu.memory_space<hbm>> -> memref<31256xi32, #tpu.memory_space<hbm>>
      %dma_start3A_31 = tpu.memref_slice %arg11[%add3A_14] : memref<1000192xi32, #tpu.memory_space<hbm>> -> memref<31256xi32, #tpu.memory_space<hbm>>
      tpu.enqueue_dma source(%arg13 : memref<31256xi32, #tpu.memory_space<vmem>>) target(%dma_start3A_31 : memref<31256xi32, #tpu.memory_space<hbm>>) target_semaphore(%run_scoped3A : memref<!tpu.dma_semaphore, #tpu.memory_space<semaphore_mem>>)
      %dma_wait3A = tpu.memref_slice %arg11[%add3A_14] : memref<1000192xi32, #tpu.memory_space<hbm>> -> memref<31256xi32, #tpu.memory_space<hbm>>
      %dma_wait3A_32 = tpu.memref_slice %arg11[%add3A_14] : memref<1000192xi32, #tpu.memory_space<hbm>> -> memref<31256xi32, #tpu.memory_space<hbm>>
      tpu.wait_dma2 semaphore(%run_scoped3A : memref<!tpu.dma_semaphore, #tpu.memory_space<semaphore_mem>>) src(%arg13 : memref<31256xi32, #tpu.memory_space<vmem>>) dst(%dma_wait3A_32 : memref<31256xi32, #tpu.memory_space<hbm>>)
      tpu.yield
    }) : () -> ()
    %barrier3A = arith.constant 0 : index
    tpu.barrier barrier_id(%barrier3A)
    %scan3A_22 = arith.constant 0 : i32
    %scan3A_23 = arith.constant 0 : i32
    %scan3A_24 = arith.constant 4 : i32
    %scan3A_25 = arith.addi %scan3A_23, %scan3A_24 : i32
    %scan3A_26 = arith.constant 1 : i32
    %scan3A_27 = scf.for %scan3A_31 = %scan3A_23 to %scan3A_25 step %scan3A_26 iter_args(%scan3A_32 = %scan3A_22) -> (i32)  : i32 {
      %mul3A_33 = arith.constant 512 : i32
      %mul3A_34 = arith.muli %add3A, %mul3A_33 : i32
      %mul3A_35 = arith.constant 128 : i32
      %mul3A_36 = arith.muli %scan3A_31, %mul3A_35 : i32
      %add3A_37 = arith.addi %mul3A_34, %mul3A_36 : i32
      "tpu.region"() ({
        %run_scoped3A = tpu.sem_alloc : memref<!tpu.dma_semaphore, #tpu.memory_space<semaphore_mem>>
        %dma_start3A_726 = tpu.memref_slice %arg4[%add3A_37] : memref<16384xi32, #tpu.memory_space<hbm>> -> memref<128xi32, #tpu.memory_space<hbm>>
        %dma_start3A_727 = tpu.memref_slice %arg4[%add3A_37] : memref<16384xi32, #tpu.memory_space<hbm>> -> memref<128xi32, #tpu.memory_space<hbm>>
        tpu.enqueue_dma source(%dma_start3A_727 : memref<128xi32, #tpu.memory_space<hbm>>) target(%arg15 : memref<128xi32, #tpu.memory_space<vmem>>) target_semaphore(%run_scoped3A : memref<!tpu.dma_semaphore, #tpu.memory_space<semaphore_mem>>)
        %dma_wait3A_728 = tpu.memref_slice %arg4[%add3A_37] : memref<16384xi32, #tpu.memory_space<hbm>> -> memref<128xi32, #tpu.memory_space<hbm>>
        %dma_wait3A_729 = tpu.memref_slice %arg4[%add3A_37] : memref<16384xi32, #tpu.memory_space<hbm>> -> memref<128xi32, #tpu.memory_space<hbm>>
        tpu.wait_dma2 semaphore(%run_scoped3A : memref<!tpu.dma_semaphore, #tpu.memory_space<semaphore_mem>>) src(%dma_wait3A_729 : memref<128xi32, #tpu.memory_space<hbm>>) dst(%arg15 : memref<128xi32, #tpu.memory_space<vmem>>)
        tpu.yield
      }) : () -> ()
      "tpu.region"() ({
        %run_scoped3A = tpu.sem_alloc : memref<!tpu.dma_semaphore, #tpu.memory_space<semaphore_mem>>
        %dma_start3A_726 = tpu.memref_slice %arg5[%add3A_37] : memref<16384xi32, #tpu.memory_space<hbm>> -> memref<128xi32, #tpu.memory_space<hbm>>
        %dma_start3A_727 = tpu.memref_slice %arg5[%add3A_37] : memref<16384xi32, #tpu.memory_space<hbm>> -> memref<128xi32, #tpu.memory_space<hbm>>
        tpu.enqueue_dma source(%dma_start3A_727 : memref<128xi32, #tpu.memory_space<hbm>>) target(%arg16 : memref<128xi32, #tpu.memory_space<vmem>>) target_semaphore(%run_scoped3A : memref<!tpu.dma_semaphore, #tpu.memory_space<semaphore_mem>>)
        %dma_wait3A_728 = tpu.memref_slice %arg5[%add3A_37] : memref<16384xi32, #tpu.memory_space<hbm>> -> memref<128xi32, #tpu.memory_space<hbm>>
        %dma_wait3A_729 = tpu.memref_slice %arg5[%add3A_37] : memref<16384xi32, #tpu.memory_space<hbm>> -> memref<128xi32, #tpu.memory_space<hbm>>
        tpu.wait_dma2 semaphore(%run_scoped3A : memref<!tpu.dma_semaphore, #tpu.memory_space<semaphore_mem>>) src(%dma_wait3A_729 : memref<128xi32, #tpu.memory_space<hbm>>) dst(%arg16 : memref<128xi32, #tpu.memory_space<vmem>>)
        tpu.yield
      }) : () -> ()
      "tpu.region"() ({
        %run_scoped3A = tpu.sem_alloc : memref<!tpu.dma_semaphore, #tpu.memory_space<semaphore_mem>>
        %dma_start3A_726 = tpu.memref_slice %arg6[%add3A_37] : memref<16384xi32, #tpu.memory_space<hbm>> -> memref<128xi32, #tpu.memory_space<hbm>>
        %dma_start3A_727 = tpu.memref_slice %arg6[%add3A_37] : memref<16384xi32, #tpu.memory_space<hbm>> -> memref<128xi32, #tpu.memory_space<hbm>>
        tpu.enqueue_dma source(%dma_start3A_727 : memref<128xi32, #tpu.memory_space<hbm>>) target(%arg19 : memref<128xi32, #tpu.memory_space<vmem>>) target_semaphore(%run_scoped3A : memref<!tpu.dma_semaphore, #tpu.memory_space<semaphore_mem>>)
        %dma_wait3A_728 = tpu.memref_slice %arg6[%add3A_37] : memref<16384xi32, #tpu.memory_space<hbm>> -> memref<128xi32, #tpu.memory_space<hbm>>
        %dma_wait3A_729 = tpu.memref_slice %arg6[%add3A_37] : memref<16384xi32, #tpu.memory_space<hbm>> -> memref<128xi32, #tpu.memory_space<hbm>>
        tpu.wait_dma2 semaphore(%run_scoped3A : memref<!tpu.dma_semaphore, #tpu.memory_space<semaphore_mem>>) src(%dma_wait3A_729 : memref<128xi32, #tpu.memory_space<hbm>>) dst(%arg19 : memref<128xi32, #tpu.memory_space<vmem>>)
        tpu.yield
      }) : () -> ()
      %get3A = arith.constant 0 : index
      %get3A_38 = tpu.vector_load %arg15[%get3A] {strides = array<i32>} : memref<128xi32, #tpu.memory_space<vmem>>, vector<16xi32>,
      %shift_right_arithmetic3A = arith.constant 1 : i32
      %shift_right_arithmetic3A_39 = vector.broadcast %shift_right_arithmetic3A : i32 to vector<16xi32>
      %shift_right_arithmetic3A_40 = arith.shrsi %get3A_38, %shift_right_arithmetic3A_39 : vector<16xi32>
      %swap3A = arith.constant 0 : index
      %swap3A_41 = tpu.vector_load %arg17[%swap3A] {strides = array<i32>} : memref<128xi32, #tpu.memory_space<vmem>>, vector<16xi32>,
      tpu.vector_store %arg17[%swap3A], %shift_right_arithmetic3A_40 {strides = array<i32>} : memref<128xi32, #tpu.memory_space<vmem>>, vector<16xi32>,
      %get3A_42 = arith.constant 0 : index
      %get3A_43 = tpu.vector_load %arg16[%get3A_42] {strides = array<i32>} : memref<128xi32, #tpu.memory_space<vmem>>, vector<16xi32>,
      %shift_right_arithmetic3A_44 = arith.constant 1 : i32
      %shift_right_arithmetic3A_45 = vector.broadcast %shift_right_arithmetic3A_44 : i32 to vector<16xi32>
      %shift_right_arithmetic3A_46 = arith.shrsi %get3A_43, %shift_right_arithmetic3A_45 : vector<16xi32>
      %swap3A_47 = arith.constant 0 : index
      %swap3A_48 = tpu.vector_load %arg18[%swap3A_47] {strides = array<i32>} : memref<128xi32, #tpu.memory_space<vmem>>, vector<16xi32>,
      tpu.vector_store %arg18[%swap3A_47], %shift_right_arithmetic3A_46 {strides = array<i32>} : memref<128xi32, #tpu.memory_space<vmem>>, vector<16xi32>,
      %get3A_49 = arith.constant 16 : index
      %get3A_50 = tpu.vector_load %arg15[%get3A_49] {strides = array<i32>} : memref<128xi32, #tpu.memory_space<vmem>>, vector<16xi32>,
      %shift_right_arithmetic3A_51 = arith.constant 1 : i32
      %shift_right_arithmetic3A_52 = vector.broadcast %shift_right_arithmetic3A_51 : i32 to vector<16xi32>
      %shift_right_arithmetic3A_53 = arith.shrsi %get3A_50, %shift_right_arithmetic3A_52 : vector<16xi32>
      %swap3A_54 = arith.constant 16 : index
      %swap3A_55 = tpu.vector_load %arg17[%swap3A_54] {strides = array<i32>} : memref<128xi32, #tpu.memory_space<vmem>>, vector<16xi32>,
      tpu.vector_store %arg17[%swap3A_54], %shift_right_arithmetic3A_53 {strides = array<i32>} : memref<128xi32, #tpu.memory_space<vmem>>, vector<16xi32>,
      %get3A_56 = arith.constant 16 : index
      %get3A_57 = tpu.vector_load %arg16[%get3A_56] {strides = array<i32>} : memref<128xi32, #tpu.memory_space<vmem>>, vector<16xi32>,
      %shift_right_arithmetic3A_58 = arith.constant 1 : i32
      %shift_right_arithmetic3A_59 = vector.broadcast %shift_right_arithmetic3A_58 : i32 to vector<16xi32>
      %shift_right_arithmetic3A_60 = arith.shrsi %get3A_57, %shift_right_arithmetic3A_59 : vector<16xi32>
      %swap3A_61 = arith.constant 16 : index
      %swap3A_62 = tpu.vector_load %arg18[%swap3A_61] {strides = array<i32>} : memref<128xi32, #tpu.memory_space<vmem>>, vector<16xi32>,
      tpu.vector_store %arg18[%swap3A_61], %shift_right_arithmetic3A_60 {strides = array<i32>} : memref<128xi32, #tpu.memory_space<vmem>>, vector<16xi32>,
      %get3A_63 = arith.constant 32 : index
      %get3A_64 = tpu.vector_load %arg15[%get3A_63] {strides = array<i32>} : memref<128xi32, #tpu.memory_space<vmem>>, vector<16xi32>,
      %shift_right_arithmetic3A_65 = arith.constant 1 : i32
      %shift_right_arithmetic3A_66 = vector.broadcast %shift_right_arithmetic3A_65 : i32 to vector<16xi32>
      %shift_right_arithmetic3A_67 = arith.shrsi %get3A_64, %shift_right_arithmetic3A_66 : vector<16xi32>
      %swap3A_68 = arith.constant 32 : index
      %swap3A_69 = tpu.vector_load %arg17[%swap3A_68] {strides = array<i32>} : memref<128xi32, #tpu.memory_space<vmem>>, vector<16xi32>,
      tpu.vector_store %arg17[%swap3A_68], %shift_right_arithmetic3A_67 {strides = array<i32>} : memref<128xi32, #tpu.memory_space<vmem>>, vector<16xi32>,
      %get3A_70 = arith.constant 32 : index
      %get3A_71 = tpu.vector_load %arg16[%get3A_70] {strides = array<i32>} : memref<128xi32, #tpu.memory_space<vmem>>, vector<16xi32>,
      %shift_right_arithmetic3A_72 = arith.constant 1 : i32
      %shift_right_arithmetic3A_73 = vector.broadcast %shift_right_arithmetic3A_72 : i32 to vector<16xi32>
      %shift_right_arithmetic3A_74 = arith.shrsi %get3A_71, %shift_right_arithmetic3A_73 : vector<16xi32>
      %swap3A_75 = arith.constant 32 : index
      %swap3A_76 = tpu.vector_load %arg18[%swap3A_75] {strides = array<i32>} : memref<128xi32, #tpu.memory_space<vmem>>, vector<16xi32>,
      tpu.vector_store %arg18[%swap3A_75], %shift_right_arithmetic3A_74 {strides = array<i32>} : memref<128xi32, #tpu.memory_space<vmem>>, vector<16xi32>,
      %get3A_77 = arith.constant 48 : index
      %get3A_78 = tpu.vector_load %arg15[%get3A_77] {strides = array<i32>} : memref<128xi32, #tpu.memory_space<vmem>>, vector<16xi32>,
      %shift_right_arithmetic3A_79 = arith.constant 1 : i32
      %shift_right_arithmetic3A_80 = vector.broadcast %shift_right_arithmetic3A_79 : i32 to vector<16xi32>
      %shift_right_arithmetic3A_81 = arith.shrsi %get3A_78, %shift_right_arithmetic3A_80 : vector<16xi32>
      %swap3A_82 = arith.constant 48 : index
      %swap3A_83 = tpu.vector_load %arg17[%swap3A_82] {strides = array<i32>} : memref<128xi32, #tpu.memory_space<vmem>>, vector<16xi32>,
      tpu.vector_store %arg17[%swap3A_82], %shift_right_arithmetic3A_81 {strides = array<i32>} : memref<128xi32, #tpu.memory_space<vmem>>, vector<16xi32>,
      %get3A_84 = arith.constant 48 : index
      %get3A_85 = tpu.vector_load %arg16[%get3A_84] {strides = array<i32>} : memref<128xi32, #tpu.memory_space<vmem>>, vector<16xi32>,
      %shift_right_arithmetic3A_86 = arith.constant 1 : i32
      %shift_right_arithmetic3A_87 = vector.broadcast %shift_right_arithmetic3A_86 : i32 to vector<16xi32>
      %shift_right_arithmetic3A_88 = arith.shrsi %get3A_85, %shift_right_arithmetic3A_87 : vector<16xi32>
      %swap3A_89 = arith.constant 48 : index
      %swap3A_90 = tpu.vector_load %arg18[%swap3A_89] {strides = array<i32>} : memref<128xi32, #tpu.memory_space<vmem>>, vector<16xi32>,
      tpu.vector_store %arg18[%swap3A_89], %shift_right_arithmetic3A_88 {strides = array<i32>} : memref<128xi32, #tpu.memory_space<vmem>>, vector<16xi32>,
      %get3A_91 = arith.constant 64 : index
      %get3A_92 = tpu.vector_load %arg15[%get3A_91] {strides = array<i32>} : memref<128xi32, #tpu.memory_space<vmem>>, vector<16xi32>,
      %shift_right_arithmetic3A_93 = arith.constant 1 : i32
      %shift_right_arithmetic3A_94 = vector.broadcast %shift_right_arithmetic3A_93 : i32 to vector<16xi32>
      %shift_right_arithmetic3A_95 = arith.shrsi %get3A_92, %shift_right_arithmetic3A_94 : vector<16xi32>
      %swap3A_96 = arith.constant 64 : index
      %swap3A_97 = tpu.vector_load %arg17[%swap3A_96] {strides = array<i32>} : memref<128xi32, #tpu.memory_space<vmem>>, vector<16xi32>,
      tpu.vector_store %arg17[%swap3A_96], %shift_right_arithmetic3A_95 {strides = array<i32>} : memref<128xi32, #tpu.memory_space<vmem>>, vector<16xi32>,
      %get3A_98 = arith.constant 64 : index
      %get3A_99 = tpu.vector_load %arg16[%get3A_98] {strides = array<i32>} : memref<128xi32, #tpu.memory_space<vmem>>, vector<16xi32>,
      %shift_right_arithmetic3A_100 = arith.constant 1 : i32
      %shift_right_arithmetic3A_101 = vector.broadcast %shift_right_arithmetic3A_100 : i32 to vector<16xi32>
      %shift_right_arithmetic3A_102 = arith.shrsi %get3A_99, %shift_right_arithmetic3A_101 : vector<16xi32>
      %swap3A_103 = arith.constant 64 : index
      %swap3A_104 = tpu.vector_load %arg18[%swap3A_103] {strides = array<i32>} : memref<128xi32, #tpu.memory_space<vmem>>, vector<16xi32>,
      tpu.vector_store %arg18[%swap3A_103], %shift_right_arithmetic3A_102 {strides = array<i32>} : memref<128xi32, #tpu.memory_space<vmem>>, vector<16xi32>,
      %get3A_105 = arith.constant 80 : index
      %get3A_106 = tpu.vector_load %arg15[%get3A_105] {strides = array<i32>} : memref<128xi32, #tpu.memory_space<vmem>>, vector<16xi32>,
      %shift_right_arithmetic3A_107 = arith.constant 1 : i32
      %shift_right_arithmetic3A_108 = vector.broadcast %shift_right_arithmetic3A_107 : i32 to vector<16xi32>
      %shift_right_arithmetic3A_109 = arith.shrsi %get3A_106, %shift_right_arithmetic3A_108 : vector<16xi32>
      %swap3A_110 = arith.constant 80 : index
      %swap3A_111 = tpu.vector_load %arg17[%swap3A_110] {strides = array<i32>} : memref<128xi32, #tpu.memory_space<vmem>>, vector<16xi32>,
      tpu.vector_store %arg17[%swap3A_110], %shift_right_arithmetic3A_109 {strides = array<i32>} : memref<128xi32, #tpu.memory_space<vmem>>, vector<16xi32>,
      %get3A_112 = arith.constant 80 : index
      %get3A_113 = tpu.vector_load %arg16[%get3A_112] {strides = array<i32>} : memref<128xi32, #tpu.memory_space<vmem>>, vector<16xi32>,
      %shift_right_arithmetic3A_114 = arith.constant 1 : i32
      %shift_right_arithmetic3A_115 = vector.broadcast %shift_right_arithmetic3A_114 : i32 to vector<16xi32>
      %shift_right_arithmetic3A_116 = arith.shrsi %get3A_113, %shift_right_arithmetic3A_115 : vector<16xi32>
      %swap3A_117 = arith.constant 80 : index
      %swap3A_118 = tpu.vector_load %arg18[%swap3A_117] {strides = array<i32>} : memref<128xi32, #tpu.memory_space<vmem>>, vector<16xi32>,
      tpu.vector_store %arg18[%swap3A_117], %shift_right_arithmetic3A_116 {strides = array<i32>} : memref<128xi32, #tpu.memory_space<vmem>>, vector<16xi32>,
      %get3A_119 = arith.constant 96 : index
      %get3A_120 = tpu.vector_load %arg15[%get3A_119] {strides = array<i32>} : memref<128xi32, #tpu.memory_space<vmem>>, vector<16xi32>,
      %shift_right_arithmetic3A_121 = arith.constant 1 : i32
      %shift_right_arithmetic3A_122 = vector.broadcast %shift_right_arithmetic3A_121 : i32 to vector<16xi32>
      %shift_right_arithmetic3A_123 = arith.shrsi %get3A_120, %shift_right_arithmetic3A_122 : vector<16xi32>
      %swap3A_124 = arith.constant 96 : index
      %swap3A_125 = tpu.vector_load %arg17[%swap3A_124] {strides = array<i32>} : memref<128xi32, #tpu.memory_space<vmem>>, vector<16xi32>,
      tpu.vector_store %arg17[%swap3A_124], %shift_right_arithmetic3A_123 {strides = array<i32>} : memref<128xi32, #tpu.memory_space<vmem>>, vector<16xi32>,
      %get3A_126 = arith.constant 96 : index
      %get3A_127 = tpu.vector_load %arg16[%get3A_126] {strides = array<i32>} : memref<128xi32, #tpu.memory_space<vmem>>, vector<16xi32>,
      %shift_right_arithmetic3A_128 = arith.constant 1 : i32
      %shift_right_arithmetic3A_129 = vector.broadcast %shift_right_arithmetic3A_128 : i32 to vector<16xi32>
      %shift_right_arithmetic3A_130 = arith.shrsi %get3A_127, %shift_right_arithmetic3A_129 : vector<16xi32>
      %swap3A_131 = arith.constant 96 : index
      %swap3A_132 = tpu.vector_load %arg18[%swap3A_131] {strides = array<i32>} : memref<128xi32, #tpu.memory_space<vmem>>, vector<16xi32>,
      tpu.vector_store %arg18[%swap3A_131], %shift_right_arithmetic3A_130 {strides = array<i32>} : memref<128xi32, #tpu.memory_space<vmem>>, vector<16xi32>,
      %get3A_133 = arith.constant 112 : index
      %get3A_134 = tpu.vector_load %arg15[%get3A_133] {strides = array<i32>} : memref<128xi32, #tpu.memory_space<vmem>>, vector<16xi32>,
      %shift_right_arithmetic3A_135 = arith.constant 1 : i32
      %shift_right_arithmetic3A_136 = vector.broadcast %shift_right_arithmetic3A_135 : i32 to vector<16xi32>
      %shift_right_arithmetic3A_137 = arith.shrsi %get3A_134, %shift_right_arithmetic3A_136 : vector<16xi32>
      %swap3A_138 = arith.constant 112 : index
      %swap3A_139 = tpu.vector_load %arg17[%swap3A_138] {strides = array<i32>} : memref<128xi32, #tpu.memory_space<vmem>>, vector<16xi32>,
      tpu.vector_store %arg17[%swap3A_138], %shift_right_arithmetic3A_137 {strides = array<i32>} : memref<128xi32, #tpu.memory_space<vmem>>, vector<16xi32>,
      %get3A_140 = arith.constant 112 : index
      %get3A_141 = tpu.vector_load %arg16[%get3A_140] {strides = array<i32>} : memref<128xi32, #tpu.memory_space<vmem>>, vector<16xi32>,
      %shift_right_arithmetic3A_142 = arith.constant 1 : i32
      %shift_right_arithmetic3A_143 = vector.broadcast %shift_right_arithmetic3A_142 : i32 to vector<16xi32>
      %shift_right_arithmetic3A_144 = arith.shrsi %get3A_141, %shift_right_arithmetic3A_143 : vector<16xi32>
      %swap3A_145 = arith.constant 112 : index
      %swap3A_146 = tpu.vector_load %arg18[%swap3A_145] {strides = array<i32>} : memref<128xi32, #tpu.memory_space<vmem>>, vector<16xi32>,
      tpu.vector_store %arg18[%swap3A_145], %shift_right_arithmetic3A_144 {strides = array<i32>} : memref<128xi32, #tpu.memory_space<vmem>>, vector<16xi32>,
      %dma_start3A = arith.constant 0 : i32
      %dma_start3A_147 = tpu.memref_slice %arg11[%dma_start3A] : memref<1000192xi32, #tpu.memory_space<hbm>> -> memref<1000192xi32, #tpu.memory_space<hbm>>
      tpu.enqueue_indirect_dma source(%dma_start3A_147 : memref<1000192xi32, #tpu.memory_space<hbm>>) target(%arg20 : memref<128xi32, #tpu.memory_space<vmem>>) offsets(%arg15 : memref<128xi32, #tpu.memory_space<vmem>>) semaphore(%arg36 : memref<!tpu.dma_semaphore, #tpu.memory_space<semaphore_mem>>)
      %dma_start3A_148 = arith.constant 0 : i32
      %dma_start3A_149 = tpu.memref_slice %arg11[%dma_start3A_148] : memref<1000192xi32, #tpu.memory_space<hbm>> -> memref<1000192xi32, #tpu.memory_space<hbm>>
      tpu.enqueue_indirect_dma source(%dma_start3A_149 : memref<1000192xi32, #tpu.memory_space<hbm>>) target(%arg21 : memref<128xi32, #tpu.memory_space<vmem>>) offsets(%arg16 : memref<128xi32, #tpu.memory_space<vmem>>) semaphore(%arg36 : memref<!tpu.dma_semaphore, #tpu.memory_space<semaphore_mem>>)
      %dma_start3A_150 = arith.constant 0 : i32
      %dma_start3A_151 = arith.constant 0 : i32
      %dma_start3A_152 = tpu.memref_slice %arg2[%dma_start3A_150, %dma_start3A_151] : memref<500000x128xf32, #tpu.memory_space<hbm>> -> memref<500000x128xf32, #tpu.memory_space<hbm>>
      tpu.enqueue_indirect_dma source(%dma_start3A_152 : memref<500000x128xf32, #tpu.memory_space<hbm>>) target(%arg33 : memref<128x128xf32, #tpu.memory_space<vmem>>) offsets(%arg17 : memref<128xi32, #tpu.memory_space<vmem>>) semaphore(%arg36 : memref<!tpu.dma_semaphore, #tpu.memory_space<semaphore_mem>>)
      %dma_start3A_153 = arith.constant 0 : i32
      %dma_start3A_154 = arith.constant 0 : i32
      %dma_start3A_155 = tpu.memref_slice %arg2[%dma_start3A_153, %dma_start3A_154] : memref<500000x128xf32, #tpu.memory_space<hbm>> -> memref<500000x128xf32, #tpu.memory_space<hbm>>
      tpu.enqueue_indirect_dma source(%dma_start3A_155 : memref<500000x128xf32, #tpu.memory_space<hbm>>) target(%arg34 : memref<128x128xf32, #tpu.memory_space<vmem>>) offsets(%arg18 : memref<128xi32, #tpu.memory_space<vmem>>) semaphore(%arg36 : memref<!tpu.dma_semaphore, #tpu.memory_space<semaphore_mem>>)
      %dma_wait3A = arith.constant 0 : i32
      %dma_wait3A_156 = tpu.memref_slice %arg11[%dma_wait3A] : memref<1000192xi32, #tpu.memory_space<hbm>> -> memref<1000192xi32, #tpu.memory_space<hbm>>
      tpu.wait_indirect_dma semaphore(%arg36 : memref<!tpu.dma_semaphore, #tpu.memory_space<semaphore_mem>>) src(%dma_wait3A_156 : memref<1000192xi32, #tpu.memory_space<hbm>>) dst(%arg20 : memref<128xi32, #tpu.memory_space<vmem>>)
      %dma_wait3A_157 = arith.constant 0 : i32
      %dma_wait3A_158 = tpu.memref_slice %arg11[%dma_wait3A_157] : memref<1000192xi32, #tpu.memory_space<hbm>> -> memref<1000192xi32, #tpu.memory_space<hbm>>
      tpu.wait_indirect_dma semaphore(%arg36 : memref<!tpu.dma_semaphore, #tpu.memory_space<semaphore_mem>>) src(%dma_wait3A_158 : memref<1000192xi32, #tpu.memory_space<hbm>>) dst(%arg21 : memref<128xi32, #tpu.memory_space<vmem>>)
      %dma_wait3A_159 = arith.constant 0 : i32
      %dma_wait3A_160 = arith.constant 0 : i32
      %dma_wait3A_161 = tpu.memref_slice %arg2[%dma_wait3A_159, %dma_wait3A_160] : memref<500000x128xf32, #tpu.memory_space<hbm>> -> memref<500000x128xf32, #tpu.memory_space<hbm>>
      tpu.wait_indirect_dma semaphore(%arg36 : memref<!tpu.dma_semaphore, #tpu.memory_space<semaphore_mem>>) src(%dma_wait3A_161 : memref<500000x128xf32, #tpu.memory_space<hbm>>) dst(%arg33 : memref<128x128xf32, #tpu.memory_space<vmem>>)
      %dma_wait3A_162 = arith.constant 0 : i32
      %dma_wait3A_163 = arith.constant 0 : i32
      %dma_wait3A_164 = tpu.memref_slice %arg2[%dma_wait3A_162, %dma_wait3A_163] : memref<500000x128xf32, #tpu.memory_space<hbm>> -> memref<500000x128xf32, #tpu.memory_space<hbm>>
      tpu.wait_indirect_dma semaphore(%arg36 : memref<!tpu.dma_semaphore, #tpu.memory_space<semaphore_mem>>) src(%dma_wait3A_164 : memref<500000x128xf32, #tpu.memory_space<hbm>>) dst(%arg34 : memref<128x128xf32, #tpu.memory_space<vmem>>)
      %get3A_165 = arith.constant 0 : index
      %get3A_166 = tpu.vector_load %arg21[%get3A_165] {strides = array<i32>} : memref<128xi32, #tpu.memory_space<vmem>>, vector<16xi32>,
      %max3A = arith.constant 0 : i32
      %max3A_167 = vector.broadcast %max3A : i32 to vector<16xi32>
      %max3A_168 = arith.maxsi %get3A_166, %max3A_167 : vector<16xi32>
      %min3A = arith.constant 16383 : i32
      %min3A_169 = vector.broadcast %min3A : i32 to vector<16xi32>
      %min3A_170 = arith.minsi %max3A_168, %min3A_169 : vector<16xi32>
      %swap3A_171 = arith.constant 0 : index
      %swap3A_172 = tpu.vector_load %arg22[%swap3A_171] {strides = array<i32>} : memref<128xi32, #tpu.memory_space<vmem>>, vector<16xi32>,
      tpu.vector_store %arg22[%swap3A_171], %min3A_170 {strides = array<i32>} : memref<128xi32, #tpu.memory_space<vmem>>, vector<16xi32>,
      %get3A_173 = arith.constant 16 : index
      %get3A_174 = tpu.vector_load %arg21[%get3A_173] {strides = array<i32>} : memref<128xi32, #tpu.memory_space<vmem>>, vector<16xi32>,
      %max3A_175 = arith.constant 0 : i32
      %max3A_176 = vector.broadcast %max3A_175 : i32 to vector<16xi32>
      %max3A_177 = arith.maxsi %get3A_174, %max3A_176 : vector<16xi32>
      %min3A_178 = arith.constant 16383 : i32
      %min3A_179 = vector.broadcast %min3A_178 : i32 to vector<16xi32>
      %min3A_180 = arith.minsi %max3A_177, %min3A_179 : vector<16xi32>
      %swap3A_181 = arith.constant 16 : index
      %swap3A_182 = tpu.vector_load %arg22[%swap3A_181] {strides = array<i32>} : memref<128xi32, #tpu.memory_space<vmem>>, vector<16xi32>,
      tpu.vector_store %arg22[%swap3A_181], %min3A_180 {strides = array<i32>} : memref<128xi32, #tpu.memory_space<vmem>>, vector<16xi32>,
      %get3A_183 = arith.constant 32 : index
      %get3A_184 = tpu.vector_load %arg21[%get3A_183] {strides = array<i32>} : memref<128xi32, #tpu.memory_space<vmem>>, vector<16xi32>,
      %max3A_185 = arith.constant 0 : i32
      %max3A_186 = vector.broadcast %max3A_185 : i32 to vector<16xi32>
      %max3A_187 = arith.maxsi %get3A_184, %max3A_186 : vector<16xi32>
      %min3A_188 = arith.constant 16383 : i32
      %min3A_189 = vector.broadcast %min3A_188 : i32 to vector<16xi32>
      %min3A_190 = arith.minsi %max3A_187, %min3A_189 : vector<16xi32>
      %swap3A_191 = arith.constant 32 : index
      %swap3A_192 = tpu.vector_load %arg22[%swap3A_191] {strides = array<i32>} : memref<128xi32, #tpu.memory_space<vmem>>, vector<16xi32>,
      tpu.vector_store %arg22[%swap3A_191], %min3A_190 {strides = array<i32>} : memref<128xi32, #tpu.memory_space<vmem>>, vector<16xi32>,
      %get3A_193 = arith.constant 48 : index
      %get3A_194 = tpu.vector_load %arg21[%get3A_193] {strides = array<i32>} : memref<128xi32, #tpu.memory_space<vmem>>, vector<16xi32>,
      %max3A_195 = arith.constant 0 : i32
      %max3A_196 = vector.broadcast %max3A_195 : i32 to vector<16xi32>
      %max3A_197 = arith.maxsi %get3A_194, %max3A_196 : vector<16xi32>
      %min3A_198 = arith.constant 16383 : i32
      %min3A_199 = vector.broadcast %min3A_198 : i32 to vector<16xi32>
      %min3A_200 = arith.minsi %max3A_197, %min3A_199 : vector<16xi32>
      %swap3A_201 = arith.constant 48 : index
      %swap3A_202 = tpu.vector_load %arg22[%swap3A_201] {strides = array<i32>} : memref<128xi32, #tpu.memory_space<vmem>>, vector<16xi32>,
      tpu.vector_store %arg22[%swap3A_201], %min3A_200 {strides = array<i32>} : memref<128xi32, #tpu.memory_space<vmem>>, vector<16xi32>,
      %get3A_203 = arith.constant 64 : index
      %get3A_204 = tpu.vector_load %arg21[%get3A_203] {strides = array<i32>} : memref<128xi32, #tpu.memory_space<vmem>>, vector<16xi32>,
      %max3A_205 = arith.constant 0 : i32
      %max3A_206 = vector.broadcast %max3A_205 : i32 to vector<16xi32>
      %max3A_207 = arith.maxsi %get3A_204, %max3A_206 : vector<16xi32>
      %min3A_208 = arith.constant 16383 : i32
      %min3A_209 = vector.broadcast %min3A_208 : i32 to vector<16xi32>
      %min3A_210 = arith.minsi %max3A_207, %min3A_209 : vector<16xi32>
      %swap3A_211 = arith.constant 64 : index
      %swap3A_212 = tpu.vector_load %arg22[%swap3A_211] {strides = array<i32>} : memref<128xi32, #tpu.memory_space<vmem>>, vector<16xi32>,
      tpu.vector_store %arg22[%swap3A_211], %min3A_210 {strides = array<i32>} : memref<128xi32, #tpu.memory_space<vmem>>, vector<16xi32>,
      %get3A_213 = arith.constant 80 : index
      %get3A_214 = tpu.vector_load %arg21[%get3A_213] {strides = array<i32>} : memref<128xi32, #tpu.memory_space<vmem>>, vector<16xi32>,
      %max3A_215 = arith.constant 0 : i32
      %max3A_216 = vector.broadcast %max3A_215 : i32 to vector<16xi32>
      %max3A_217 = arith.maxsi %get3A_214, %max3A_216 : vector<16xi32>
      %min3A_218 = arith.constant 16383 : i32
      %min3A_219 = vector.broadcast %min3A_218 : i32 to vector<16xi32>
      %min3A_220 = arith.minsi %max3A_217, %min3A_219 : vector<16xi32>
      %swap3A_221 = arith.constant 80 : index
      %swap3A_222 = tpu.vector_load %arg22[%swap3A_221] {strides = array<i32>} : memref<128xi32, #tpu.memory_space<vmem>>, vector<16xi32>,
      tpu.vector_store %arg22[%swap3A_221], %min3A_220 {strides = array<i32>} : memref<128xi32, #tpu.memory_space<vmem>>, vector<16xi32>,
      %get3A_223 = arith.constant 96 : index
      %get3A_224 = tpu.vector_load %arg21[%get3A_223] {strides = array<i32>} : memref<128xi32, #tpu.memory_space<vmem>>, vector<16xi32>,
      %max3A_225 = arith.constant 0 : i32
      %max3A_226 = vector.broadcast %max3A_225 : i32 to vector<16xi32>
      %max3A_227 = arith.maxsi %get3A_224, %max3A_226 : vector<16xi32>
      %min3A_228 = arith.constant 16383 : i32
      %min3A_229 = vector.broadcast %min3A_228 : i32 to vector<16xi32>
      %min3A_230 = arith.minsi %max3A_227, %min3A_229 : vector<16xi32>
      %swap3A_231 = arith.constant 96 : index
      %swap3A_232 = tpu.vector_load %arg22[%swap3A_231] {strides = array<i32>} : memref<128xi32, #tpu.memory_space<vmem>>, vector<16xi32>,
      tpu.vector_store %arg22[%swap3A_231], %min3A_230 {strides = array<i32>} : memref<128xi32, #tpu.memory_space<vmem>>, vector<16xi32>,
      %get3A_233 = arith.constant 112 : index
      %get3A_234 = tpu.vector_load %arg21[%get3A_233] {strides = array<i32>} : memref<128xi32, #tpu.memory_space<vmem>>, vector<16xi32>,
      %max3A_235 = arith.constant 0 : i32
      %max3A_236 = vector.broadcast %max3A_235 : i32 to vector<16xi32>
      %max3A_237 = arith.maxsi %get3A_234, %max3A_236 : vector<16xi32>
      %min3A_238 = arith.constant 16383 : i32
      %min3A_239 = vector.broadcast %min3A_238 : i32 to vector<16xi32>
      %min3A_240 = arith.minsi %max3A_237, %min3A_239 : vector<16xi32>
      %swap3A_241 = arith.constant 112 : index
      %swap3A_242 = tpu.vector_load %arg22[%swap3A_241] {strides = array<i32>} : memref<128xi32, #tpu.memory_space<vmem>>, vector<16xi32>,
      tpu.vector_store %arg22[%swap3A_241], %min3A_240 {strides = array<i32>} : memref<128xi32, #tpu.memory_space<vmem>>, vector<16xi32>,
      %dma_start3A_243 = arith.constant 0 : i32
      %dma_start3A_244 = tpu.memref_slice %arg6[%dma_start3A_243] : memref<16384xi32, #tpu.memory_space<hbm>> -> memref<16384xi32, #tpu.memory_space<hbm>>
      tpu.enqueue_indirect_dma source(%dma_start3A_244 : memref<16384xi32, #tpu.memory_space<hbm>>) target(%arg23 : memref<128xi32, #tpu.memory_space<vmem>>) offsets(%arg20 : memref<128xi32, #tpu.memory_space<vmem>>) semaphore(%arg36 : memref<!tpu.dma_semaphore, #tpu.memory_space<semaphore_mem>>)
      %dma_start3A_245 = arith.constant 0 : i32
      %dma_start3A_246 = tpu.memref_slice %arg6[%dma_start3A_245] : memref<16384xi32, #tpu.memory_space<hbm>> -> memref<16384xi32, #tpu.memory_space<hbm>>
      tpu.enqueue_indirect_dma source(%dma_start3A_246 : memref<16384xi32, #tpu.memory_space<hbm>>) target(%arg21 : memref<128xi32, #tpu.memory_space<vmem>>) offsets(%arg22 : memref<128xi32, #tpu.memory_space<vmem>>) semaphore(%arg36 : memref<!tpu.dma_semaphore, #tpu.memory_space<semaphore_mem>>)
      %dma_wait3A_247 = arith.constant 0 : i32
      %dma_wait3A_248 = tpu.memref_slice %arg6[%dma_wait3A_247] : memref<16384xi32, #tpu.memory_space<hbm>> -> memref<16384xi32, #tpu.memory_space<hbm>>
      tpu.wait_indirect_dma semaphore(%arg36 : memref<!tpu.dma_semaphore, #tpu.memory_space<semaphore_mem>>) src(%dma_wait3A_248 : memref<16384xi32, #tpu.memory_space<hbm>>) dst(%arg23 : memref<128xi32, #tpu.memory_space<vmem>>)
      %dma_wait3A_249 = arith.constant 0 : i32
      %dma_wait3A_250 = tpu.memref_slice %arg6[%dma_wait3A_249] : memref<16384xi32, #tpu.memory_space<hbm>> -> memref<16384xi32, #tpu.memory_space<hbm>>
      tpu.wait_indirect_dma semaphore(%arg36 : memref<!tpu.dma_semaphore, #tpu.memory_space<semaphore_mem>>) src(%dma_wait3A_250 : memref<16384xi32, #tpu.memory_space<hbm>>) dst(%arg21 : memref<128xi32, #tpu.memory_space<vmem>>)
      %scan3A_251 = arith.constant 0 : i32
      %scan3A_252 = arith.constant 0 : i32
      %scan3A_253 = arith.constant 8 : i32
      %scan3A_254 = arith.addi %scan3A_252, %scan3A_253 : i32
      %scan3A_255 = arith.constant 1 : i32
      %scan3A_256 = scf.for %scan3A_726 = %scan3A_252 to %scan3A_254 step %scan3A_255 iter_args(%scan3A_727 = %scan3A_251) -> (i32)  : i32 {
        %mul3A_728 = arith.constant 16 : i32
        %mul3A_729 = arith.muli %scan3A_726, %mul3A_728 : i32
        %mul3A_730 = arith.constant 16 : i32
        %mul3A_731 = arith.muli %scan3A_726, %mul3A_730 : i32
        %iota3A_732 = tpu.iota {dimensions = array<i32: 0>} : vector<16xi32>
        %add3A_733 = vector.broadcast %mul3A_731 : i32 to vector<16xi32>
        %add3A_734 = arith.addi %add3A_733, %iota3A_732 : vector<16xi32>
        %get3A_735 = arith.index_cast %mul3A_729 : i32 to index
        %get3A_736 = tpu.vector_load %arg23[%get3A_735] {strides = array<i32>} : memref<128xi32, #tpu.memory_space<vmem>>, vector<16xi32>,
        %ge3A = arith.constant 2 : i32
        %ge3A_737 = vector.broadcast %ge3A : i32 to vector<16xi32>
        %ge3A_738 = arith.cmpi sge, %get3A_736, %ge3A_737 : vector<16xi32>
        %get3A_739 = arith.index_cast %mul3A_729 : i32 to index
        %get3A_740 = tpu.vector_load %arg23[%get3A_739] {strides = array<i32>} : memref<128xi32, #tpu.memory_space<vmem>>, vector<16xi32>,
        %le3A = arith.constant 4 : i32
        %le3A_741 = vector.broadcast %le3A : i32 to vector<16xi32>
        %le3A_742 = arith.cmpi sle, %get3A_740, %le3A_741 : vector<16xi32>
        %and3A_743 = arith.andi %ge3A_738, %le3A_742 : vector<16xi1>
        %convert_element_type3A = arith.extui %and3A_743 : vector<16xi1> to vector<16xi32>
        %broadcast_in_dim3A_744 = arith.constant true
        %broadcast_in_dim3A_745 = vector.broadcast %broadcast_in_dim3A_744 : i1 to vector<16xi1>
        %masked_cumsum3A = tpu.scan <sum>, %convert_element_type3A masked %broadcast_in_dim3A_745 : vector<16xi32>, vector<16xi1> -> vector<16xi32>
        %add3A_746 = vector.broadcast %scan3A_727 : i32 to vector<16xi32>
        %add3A_747 = arith.addi %add3A_746, %masked_cumsum3A : vector<16xi32>
        %sub3A_748 = arith.constant 1 : i32
        %sub3A_749 = vector.broadcast %sub3A_748 : i32 to vector<16xi32>
        %sub3A_750 = arith.subi %add3A_747, %sub3A_749 : vector<16xi32>
        %get3A_751 = arith.index_cast %mul3A_729 : i32 to index
        %get3A_752 = tpu.vector_load %arg20[%get3A_751] {strides = array<i32>} : memref<128xi32, #tpu.memory_space<vmem>>, vector<16xi32>,
        tpu.vector_store_idx %arg24[%sub3A_750], %get3A_752 masked %and3A_743 : memref<256xi32, #tpu.memory_space<vmem>>[vector<16xi32>], vector<16xi32>, vector<16xi1>
        tpu.vector_store_idx %arg25[%sub3A_750], %add3A_734 masked %and3A_743 : memref<256xi32, #tpu.memory_space<vmem>>[vector<16xi32>], vector<16xi32>, vector<16xi1>
        %convert_element_type3A_753 = arith.extui %and3A_743 : vector<16xi1> to vector<16xi32>
        %reduce_sum3A = arith.constant true
        %reduce_sum3A_754 = vector.broadcast %reduce_sum3A : i1 to vector<16xi1>
        %reduce_sum3A_755 = tpu.scan <sum>, %convert_element_type3A_753 masked %reduce_sum3A_754 : vector<16xi32>, vector<16xi1> -> vector<16xi32>
        %reduce_sum3A_756 = vector.extract %reduce_sum3A_755[15] : i32 from vector<16xi32>
        %add3A_757 = arith.addi %scan3A_727, %reduce_sum3A_756 : i32
        %get3A_758 = arith.index_cast %mul3A_729 : i32 to index
        %get3A_759 = tpu.vector_load %arg22[%get3A_758] {strides = array<i32>} : memref<128xi32, #tpu.memory_space<vmem>>, vector<16xi32>,
        %gather3A = tpu.vector_load_idx %arg12[%get3A_759] : memref<16384xi32, #tpu.memory_space<vmem>>[vector<16xi32>], vector<16xi32>,
        %get3A_760 = arith.index_cast %mul3A_729 : i32 to index
        %get3A_761 = tpu.vector_load %arg21[%get3A_760] {strides = array<i32>} : memref<128xi32, #tpu.memory_space<vmem>>, vector<16xi32>,
        %ge3A_762 = arith.constant 2 : i32
        %ge3A_763 = vector.broadcast %ge3A_762 : i32 to vector<16xi32>
        %ge3A_764 = arith.cmpi sge, %get3A_761, %ge3A_763 : vector<16xi32>
        %get3A_765 = arith.index_cast %mul3A_729 : i32 to index
        %get3A_766 = tpu.vector_load %arg21[%get3A_765] {strides = array<i32>} : memref<128xi32, #tpu.memory_space<vmem>>, vector<16xi32>,
        %le3A_767 = arith.constant 4 : i32
        %le3A_768 = vector.broadcast %le3A_767 : i32 to vector<16xi32>
        %le3A_769 = arith.cmpi sle, %get3A_766, %le3A_768 : vector<16xi32>
        %and3A_770 = arith.andi %ge3A_764, %le3A_769 : vector<16xi1>
        %get3A_771 = arith.index_cast %mul3A_729 : i32 to index
        %get3A_772 = tpu.vector_load %arg16[%get3A_771] {strides = array<i32>} : memref<128xi32, #tpu.memory_space<vmem>>, vector<16xi32>,
        %eq3A = arith.cmpi eq, %gather3A, %get3A_772 : vector<16xi32>
        %and3A_773 = arith.andi %and3A_770, %eq3A : vector<16xi1>
        %convert_element_type3A_774 = arith.extui %and3A_773 : vector<16xi1> to vector<16xi32>
        %broadcast_in_dim3A_775 = arith.constant true
        %broadcast_in_dim3A_776 = vector.broadcast %broadcast_in_dim3A_775 : i1 to vector<16xi1>
        %masked_cumsum3A_777 = tpu.scan <sum>, %convert_element_type3A_774 masked %broadcast_in_dim3A_776 : vector<16xi32>, vector<16xi1> -> vector<16xi32>
        %add3A_778 = vector.broadcast %add3A_757 : i32 to vector<16xi32>
        %add3A_779 = arith.addi %add3A_778, %masked_cumsum3A_777 : vector<16xi32>
        %sub3A_780 = arith.constant 1 : i32
        %sub3A_781 = vector.broadcast %sub3A_780 : i32 to vector<16xi32>
        %sub3A_782 = arith.subi %add3A_779, %sub3A_781 : vector<16xi32>
        %get3A_783 = arith.index_cast %mul3A_729 : i32 to index
        %get3A_784 = tpu.vector_load %arg22[%get3A_783] {strides = array<i32>} : memref<128xi32, #tpu.memory_space<vmem>>, vector<16xi32>,
        tpu.vector_store_idx %arg24[%sub3A_782], %get3A_784 masked %and3A_773 : memref<256xi32, #tpu.memory_space<vmem>>[vector<16xi32>], vector<16xi32>, vector<16xi1>
        %add3A_785 = arith.constant 128 : i32
        %add3A_786 = vector.broadcast %add3A_785 : i32 to vector<16xi32>
        %add3A_787 = arith.addi %add3A_734, %add3A_786 : vector<16xi32>
        tpu.vector_store_idx %arg25[%sub3A_782], %add3A_787 masked %and3A_773 : memref<256xi32, #tpu.memory_space<vmem>>[vector<16xi32>], vector<16xi32>, vector<16xi1>
        %convert_element_type3A_788 = arith.extui %and3A_773 : vector<16xi1> to vector<16xi32>
        %reduce_sum3A_789 = arith.constant true
        %reduce_sum3A_790 = vector.broadcast %reduce_sum3A_789 : i1 to vector<16xi1>
        %reduce_sum3A_791 = tpu.scan <sum>, %convert_element_type3A_788 masked %reduce_sum3A_790 : vector<16xi32>, vector<16xi1> -> vector<16xi32>
        %reduce_sum3A_792 = vector.extract %reduce_sum3A_791[15] : i32 from vector<16xi32>
        %add3A_793 = arith.addi %add3A_757, %reduce_sum3A_792 : i32
        scf.yield %add3A_793 : i32
      }
      %scan3A_257 = arith.constant 8 : i32
      %add3A_258 = arith.constant 16 : i32
      %add3A_259 = arith.addi %scan3A_256, %add3A_258 : i32
      %sub3A = arith.constant 1 : i32
      %sub3A_260 = arith.subi %add3A_259, %sub3A : i32
      %jit3A = arith.constant 16 : i32
      %div3A = arith.divsi %sub3A_260, %jit3A : i32
      %sign3A = arith.constant 0 : i32
      %sign3A_261 = arith.cmpi sgt, %sub3A_260, %sign3A : i32
      %sign3A_262 = arith.extui %sign3A_261 : i1 to i32
      %sign3A_263 = arith.constant 0 : i32
      %sign3A_264 = arith.cmpi slt, %sub3A_260, %sign3A_263 : i32
      %sign3A_265 = arith.extui %sign3A_264 : i1 to i32
      %sign3A_266 = arith.subi %sign3A_262, %sign3A_265 : i32
      %sign3A_267 = arith.constant 0 : i32
      %sign3A_268 = arith.cmpi sgt, %jit3A, %sign3A_267 : i32
      %sign3A_269 = arith.extui %sign3A_268 : i1 to i32
      %sign3A_270 = arith.constant 0 : i32
      %sign3A_271 = arith.cmpi slt, %jit3A, %sign3A_270 : i32
      %sign3A_272 = arith.extui %sign3A_271 : i1 to i32
      %sign3A_273 = arith.subi %sign3A_269, %sign3A_272 : i32
      %ne3A = arith.cmpi ne, %sign3A_266, %sign3A_273 : i32
      %rem3A = arith.remsi %sub3A_260, %jit3A : i32
      %ne3A_274 = arith.constant 0 : i32
      %ne3A_275 = arith.cmpi ne, %rem3A, %ne3A_274 : i32
      %and3A = arith.andi %ne3A, %ne3A_275 : i1
      %sub3A_276 = arith.constant 1 : i32
      %sub3A_277 = arith.subi %div3A, %sub3A_276 : i32
      %select_n3A = arith.select %and3A, %sub3A_277, %div3A : i32
      %while3A = arith.constant 0 : i32
      %while3A_278 = arith.constant 0 : i32
      %while3A_279 = arith.subi %select_n3A, %while3A : i32
      %while3A_280 = arith.addi %while3A, %while3A_279 : i32
      %while3A_281 = arith.constant 1 : i32
      %while3A_282 = arith.divsi %while3A_279, %while3A_281 : i32
      %while3A_283 = arith.muli %while3A_282, %while3A_281 : i32
      %while3A_284 = arith.addi %while3A, %while3A_283 : i32
      %while3A_285 = arith.constant 1 : i32
      %while3A_286 = scf.for %while3A_726 = %while3A to %while3A_284 step %while3A_285 iter_args(%while3A_727 = %while3A_278) -> (i32)  : i32 {
        %mul3A_728 = arith.constant 16 : i32
        %mul3A_729 = arith.muli %while3A_726, %mul3A_728 : i32
        %iota3A_730 = tpu.iota {dimensions = array<i32: 0>} : vector<16xi32>
        %add3A_731 = vector.broadcast %mul3A_729 : i32 to vector<16xi32>
        %add3A_732 = arith.addi %add3A_731, %iota3A_730 : vector<16xi32>
        %lt3A = vector.broadcast %scan3A_256 : i32 to vector<16xi32>
        %lt3A_733 = arith.cmpi slt, %add3A_732, %lt3A : vector<16xi32>
        %min3A_734 = arith.constant 255 : i32
        %min3A_735 = vector.broadcast %min3A_734 : i32 to vector<16xi32>
        %min3A_736 = arith.minsi %add3A_732, %min3A_735 : vector<16xi32>
        %gather3A = tpu.vector_load_idx %arg24[%min3A_736] masked %lt3A_733 : memref<256xi32, #tpu.memory_space<vmem>>[vector<16xi32>], vector<16xi32>, vector<16xi1>
        %iota3A_737 = tpu.iota {dimensions = array<i32: 0>} : vector<16xi32>
        %select_n3A_738 = arith.select %lt3A_733, %gather3A, %iota3A_737 : vector<16xi1>, vector<16xi32>
        %gather3A_739 = tpu.vector_load_idx %arg25[%min3A_736] masked %lt3A_733 : memref<256xi32, #tpu.memory_space<vmem>>[vector<16xi32>], vector<16xi32>, vector<16xi1>
        %jit3A_740 = arith.constant 0 : i32
        %broadcast_in_dim3A_741 = vector.broadcast %jit3A_740 : i32 to vector<16xi32>
        %select_n3A_742 = arith.select %lt3A_733, %gather3A_739, %broadcast_in_dim3A_741 : vector<16xi1>, vector<16xi32>
        %swap3A_743 = arith.constant 0 : index
        %swap3A_744 = tpu.vector_load %arg26[%swap3A_743] {strides = array<i32>} : memref<16xi32, #tpu.memory_space<vmem>>, vector<16xi32>,
        tpu.vector_store %arg26[%swap3A_743], %select_n3A_738 {strides = array<i32>} : memref<16xi32, #tpu.memory_space<vmem>>, vector<16xi32>,
        %iota3A_745 = tpu.iota {dimensions = array<i32: 0>} : vector<16xi32>
        %mul3A_746 = arith.constant 10 : i32
        %mul3A_747 = vector.broadcast %mul3A_746 : i32 to vector<16xi32>
        %mul3A_748 = arith.muli %iota3A_745, %mul3A_747 : vector<16xi32>
        %add3A_749 = arith.constant 0 : i32
        %add3A_750 = vector.broadcast %add3A_749 : i32 to vector<16xi32>
        %add3A_751 = arith.addi %mul3A_748, %add3A_750 : vector<16xi32>
        %mul3A_752 = arith.constant 10 : i32
        %mul3A_753 = vector.broadcast %mul3A_752 : i32 to vector<16xi32>
        %mul3A_754 = arith.muli %select_n3A_738, %mul3A_753 : vector<16xi32>
        %add3A_755 = arith.constant 0 : i32
        %add3A_756 = vector.broadcast %add3A_755 : i32 to vector<16xi32>
        %add3A_757 = arith.addi %mul3A_754, %add3A_756 : vector<16xi32>
        tpu.vector_store_idx %arg27[%add3A_751], %add3A_757 : memref<160xi32, #tpu.memory_space<vmem>>[vector<16xi32>], vector<16xi32>,
        %iota3A_758 = tpu.iota {dimensions = array<i32: 0>} : vector<16xi32>
        %mul3A_759 = arith.constant 10 : i32
        %mul3A_760 = vector.broadcast %mul3A_759 : i32 to vector<16xi32>
        %mul3A_761 = arith.muli %iota3A_758, %mul3A_760 : vector<16xi32>
        %add3A_762 = arith.constant 1 : i32
        %add3A_763 = vector.broadcast %add3A_762 : i32 to vector<16xi32>
        %add3A_764 = arith.addi %mul3A_761, %add3A_763 : vector<16xi32>
        %mul3A_765 = arith.constant 10 : i32
        %mul3A_766 = vector.broadcast %mul3A_765 : i32 to vector<16xi32>
        %mul3A_767 = arith.muli %select_n3A_738, %mul3A_766 : vector<16xi32>
        %add3A_768 = arith.constant 1 : i32
        %add3A_769 = vector.broadcast %add3A_768 : i32 to vector<16xi32>
        %add3A_770 = arith.addi %mul3A_767, %add3A_769 : vector<16xi32>
        tpu.vector_store_idx %arg27[%add3A_764], %add3A_770 : memref<160xi32, #tpu.memory_space<vmem>>[vector<16xi32>], vector<16xi32>,
        %iota3A_771 = tpu.iota {dimensions = array<i32: 0>} : vector<16xi32>
        %mul3A_772 = arith.constant 10 : i32
        %mul3A_773 = vector.broadcast %mul3A_772 : i32 to vector<16xi32>
        %mul3A_774 = arith.muli %iota3A_771, %mul3A_773 : vector<16xi32>
        %add3A_775 = arith.constant 2 : i32
        %add3A_776 = vector.broadcast %add3A_775 : i32 to vector<16xi32>
        %add3A_777 = arith.addi %mul3A_774, %add3A_776 : vector<16xi32>
        %mul3A_778 = arith.constant 10 : i32
        %mul3A_779 = vector.broadcast %mul3A_778 : i32 to vector<16xi32>
        %mul3A_780 = arith.muli %select_n3A_738, %mul3A_779 : vector<16xi32>
        %add3A_781 = arith.constant 2 : i32
        %add3A_782 = vector.broadcast %add3A_781 : i32 to vector<16xi32>
        %add3A_783 = arith.addi %mul3A_780, %add3A_782 : vector<16xi32>
        tpu.vector_store_idx %arg27[%add3A_777], %add3A_783 : memref<160xi32, #tpu.memory_space<vmem>>[vector<16xi32>], vector<16xi32>,
        %iota3A_784 = tpu.iota {dimensions = array<i32: 0>} : vector<16xi32>
        %mul3A_785 = arith.constant 10 : i32
        %mul3A_786 = vector.broadcast %mul3A_785 : i32 to vector<16xi32>
        %mul3A_787 = arith.muli %iota3A_784, %mul3A_786 : vector<16xi32>
        %add3A_788 = arith.constant 3 : i32
        %add3A_789 = vector.broadcast %add3A_788 : i32 to vector<16xi32>
        %add3A_790 = arith.addi %mul3A_787, %add3A_789 : vector<16xi32>
        %mul3A_791 = arith.constant 10 : i32
        %mul3A_792 = vector.broadcast %mul3A_791 : i32 to vector<16xi32>
        %mul3A_793 = arith.muli %select_n3A_738, %mul3A_792 : vector<16xi32>
        %add3A_794 = arith.constant 3 : i32
        %add3A_795 = vector.broadcast %add3A_794 : i32 to vector<16xi32>
        %add3A_796 = arith.addi %mul3A_793, %add3A_795 : vector<16xi32>
        tpu.vector_store_idx %arg27[%add3A_790], %add3A_796 : memref<160xi32, #tpu.memory_space<vmem>>[vector<16xi32>], vector<16xi32>,
        %iota3A_797 = tpu.iota {dimensions = array<i32: 0>} : vector<16xi32>
        %mul3A_798 = arith.constant 10 : i32
        %mul3A_799 = vector.broadcast %mul3A_798 : i32 to vector<16xi32>
        %mul3A_800 = arith.muli %iota3A_797, %mul3A_799 : vector<16xi32>
        %add3A_801 = arith.constant 4 : i32
        %add3A_802 = vector.broadcast %add3A_801 : i32 to vector<16xi32>
        %add3A_803 = arith.addi %mul3A_800, %add3A_802 : vector<16xi32>
        %mul3A_804 = arith.constant 10 : i32
        %mul3A_805 = vector.broadcast %mul3A_804 : i32 to vector<16xi32>
        %mul3A_806 = arith.muli %select_n3A_738, %mul3A_805 : vector<16xi32>
        %add3A_807 = arith.constant 4 : i32
        %add3A_808 = vector.broadcast %add3A_807 : i32 to vector<16xi32>
        %add3A_809 = arith.addi %mul3A_806, %add3A_808 : vector<16xi32>
        tpu.vector_store_idx %arg27[%add3A_803], %add3A_809 : memref<160xi32, #tpu.memory_space<vmem>>[vector<16xi32>], vector<16xi32>,
        %iota3A_810 = tpu.iota {dimensions = array<i32: 0>} : vector<16xi32>
        %mul3A_811 = arith.constant 10 : i32
        %mul3A_812 = vector.broadcast %mul3A_811 : i32 to vector<16xi32>
        %mul3A_813 = arith.muli %iota3A_810, %mul3A_812 : vector<16xi32>
        %add3A_814 = arith.constant 5 : i32
        %add3A_815 = vector.broadcast %add3A_814 : i32 to vector<16xi32>
        %add3A_816 = arith.addi %mul3A_813, %add3A_815 : vector<16xi32>
        %mul3A_817 = arith.constant 10 : i32
        %mul3A_818 = vector.broadcast %mul3A_817 : i32 to vector<16xi32>
        %mul3A_819 = arith.muli %select_n3A_738, %mul3A_818 : vector<16xi32>
        %add3A_820 = arith.constant 5 : i32
        %add3A_821 = vector.broadcast %add3A_820 : i32 to vector<16xi32>
        %add3A_822 = arith.addi %mul3A_819, %add3A_821 : vector<16xi32>
        tpu.vector_store_idx %arg27[%add3A_816], %add3A_822 : memref<160xi32, #tpu.memory_space<vmem>>[vector<16xi32>], vector<16xi32>,
        %iota3A_823 = tpu.iota {dimensions = array<i32: 0>} : vector<16xi32>
        %mul3A_824 = arith.constant 10 : i32
        %mul3A_825 = vector.broadcast %mul3A_824 : i32 to vector<16xi32>
        %mul3A_826 = arith.muli %iota3A_823, %mul3A_825 : vector<16xi32>
        %add3A_827 = arith.constant 6 : i32
        %add3A_828 = vector.broadcast %add3A_827 : i32 to vector<16xi32>
        %add3A_829 = arith.addi %mul3A_826, %add3A_828 : vector<16xi32>
        %mul3A_830 = arith.constant 10 : i32
        %mul3A_831 = vector.broadcast %mul3A_830 : i32 to vector<16xi32>
        %mul3A_832 = arith.muli %select_n3A_738, %mul3A_831 : vector<16xi32>
        %add3A_833 = arith.constant 6 : i32
        %add3A_834 = vector.broadcast %add3A_833 : i32 to vector<16xi32>
        %add3A_835 = arith.addi %mul3A_832, %add3A_834 : vector<16xi32>
        tpu.vector_store_idx %arg27[%add3A_829], %add3A_835 : memref<160xi32, #tpu.memory_space<vmem>>[vector<16xi32>], vector<16xi32>,
        %iota3A_836 = tpu.iota {dimensions = array<i32: 0>} : vector<16xi32>
        %mul3A_837 = arith.constant 10 : i32
        %mul3A_838 = vector.broadcast %mul3A_837 : i32 to vector<16xi32>
        %mul3A_839 = arith.muli %iota3A_836, %mul3A_838 : vector<16xi32>
        %add3A_840 = arith.constant 7 : i32
        %add3A_841 = vector.broadcast %add3A_840 : i32 to vector<16xi32>
        %add3A_842 = arith.addi %mul3A_839, %add3A_841 : vector<16xi32>
        %mul3A_843 = arith.constant 10 : i32
        %mul3A_844 = vector.broadcast %mul3A_843 : i32 to vector<16xi32>
        %mul3A_845 = arith.muli %select_n3A_738, %mul3A_844 : vector<16xi32>
        %add3A_846 = arith.constant 7 : i32
        %add3A_847 = vector.broadcast %add3A_846 : i32 to vector<16xi32>
        %add3A_848 = arith.addi %mul3A_845, %add3A_847 : vector<16xi32>
        tpu.vector_store_idx %arg27[%add3A_842], %add3A_848 : memref<160xi32, #tpu.memory_space<vmem>>[vector<16xi32>], vector<16xi32>,
        %iota3A_849 = tpu.iota {dimensions = array<i32: 0>} : vector<16xi32>
        %mul3A_850 = arith.constant 10 : i32
        %mul3A_851 = vector.broadcast %mul3A_850 : i32 to vector<16xi32>
        %mul3A_852 = arith.muli %iota3A_849, %mul3A_851 : vector<16xi32>
        %add3A_853 = arith.constant 8 : i32
        %add3A_854 = vector.broadcast %add3A_853 : i32 to vector<16xi32>
        %add3A_855 = arith.addi %mul3A_852, %add3A_854 : vector<16xi32>
        %mul3A_856 = arith.constant 10 : i32
        %mul3A_857 = vector.broadcast %mul3A_856 : i32 to vector<16xi32>
        %mul3A_858 = arith.muli %select_n3A_738, %mul3A_857 : vector<16xi32>
        %add3A_859 = arith.constant 8 : i32
        %add3A_860 = vector.broadcast %add3A_859 : i32 to vector<16xi32>
        %add3A_861 = arith.addi %mul3A_858, %add3A_860 : vector<16xi32>
        tpu.vector_store_idx %arg27[%add3A_855], %add3A_861 : memref<160xi32, #tpu.memory_space<vmem>>[vector<16xi32>], vector<16xi32>,
        %iota3A_862 = tpu.iota {dimensions = array<i32: 0>} : vector<16xi32>
        %mul3A_863 = arith.constant 10 : i32
        %mul3A_864 = vector.broadcast %mul3A_863 : i32 to vector<16xi32>
        %mul3A_865 = arith.muli %iota3A_862, %mul3A_864 : vector<16xi32>
        %add3A_866 = arith.constant 9 : i32
        %add3A_867 = vector.broadcast %add3A_866 : i32 to vector<16xi32>
        %add3A_868 = arith.addi %mul3A_865, %add3A_867 : vector<16xi32>
        %mul3A_869 = arith.constant 10 : i32
        %mul3A_870 = vector.broadcast %mul3A_869 : i32 to vector<16xi32>
        %mul3A_871 = arith.muli %select_n3A_738, %mul3A_870 : vector<16xi32>
        %add3A_872 = arith.constant 9 : i32
        %add3A_873 = vector.broadcast %add3A_872 : i32 to vector<16xi32>
        %add3A_874 = arith.addi %mul3A_871, %add3A_873 : vector<16xi32>
        tpu.vector_store_idx %arg27[%add3A_868], %add3A_874 : memref<160xi32, #tpu.memory_space<vmem>>[vector<16xi32>], vector<16xi32>,
        %dma_start3A_875 = arith.constant 0 : i32
        %dma_start3A_876 = tpu.memref_slice %arg28[%dma_start3A_875] : memref<160xf32, #tpu.memory_space<vmem>> -> memref<128xf32, #tpu.memory_space<vmem>>
        %dma_start3A_877 = arith.constant 0 : i32
        %dma_start3A_878 = tpu.memref_slice %arg27[%dma_start3A_877] : memref<160xi32, #tpu.memory_space<vmem>> -> memref<128xi32, #tpu.memory_space<vmem>>
        %dma_start3A_879 = arith.constant 0 : i32
        %dma_start3A_880 = tpu.memref_slice %arg8[%dma_start3A_879] : memref<163840xf32, #tpu.memory_space<hbm>> -> memref<163840xf32, #tpu.memory_space<hbm>>
        tpu.enqueue_indirect_dma source(%dma_start3A_880 : memref<163840xf32, #tpu.memory_space<hbm>>) target(%dma_start3A_876 : memref<128xf32, #tpu.memory_space<vmem>>) offsets(%dma_start3A_878 : memref<128xi32, #tpu.memory_space<vmem>>) semaphore(%arg36 : memref<!tpu.dma_semaphore, #tpu.memory_space<semaphore_mem>>)
        %dma_start3A_881 = arith.constant 128 : i32
        %dma_start3A_882 = tpu.memref_slice %arg28[%dma_start3A_881] : memref<160xf32, #tpu.memory_space<vmem>> -> memref<32xf32, #tpu.memory_space<vmem>>
        %dma_start3A_883 = arith.constant 128 : i32
        %dma_start3A_884 = tpu.memref_slice %arg27[%dma_start3A_883] : memref<160xi32, #tpu.memory_space<vmem>> -> memref<32xi32, #tpu.memory_space<vmem>>
        %dma_start3A_885 = arith.constant 0 : i32
        %dma_start3A_886 = tpu.memref_slice %arg8[%dma_start3A_885] : memref<163840xf32, #tpu.memory_space<hbm>> -> memref<163840xf32, #tpu.memory_space<hbm>>
        tpu.enqueue_indirect_dma source(%dma_start3A_886 : memref<163840xf32, #tpu.memory_space<hbm>>) target(%dma_start3A_882 : memref<32xf32, #tpu.memory_space<vmem>>) offsets(%dma_start3A_884 : memref<32xi32, #tpu.memory_space<vmem>>) semaphore(%arg36 : memref<!tpu.dma_semaphore, #tpu.memory_space<semaphore_mem>>)
        %dma_start3A_887 = arith.constant 0 : i32
        %dma_start3A_888 = tpu.memref_slice %arg30[%dma_start3A_887] : memref<160xi32, #tpu.memory_space<vmem>> -> memref<128xi32, #tpu.memory_space<vmem>>
        %dma_start3A_889 = arith.constant 0 : i32
        %dma_start3A_890 = tpu.memref_slice %arg27[%dma_start3A_889] : memref<160xi32, #tpu.memory_space<vmem>> -> memref<128xi32, #tpu.memory_space<vmem>>
        %dma_start3A_891 = arith.constant 0 : i32
        %dma_start3A_892 = tpu.memref_slice %arg9[%dma_start3A_891] : memref<163840xi32, #tpu.memory_space<hbm>> -> memref<163840xi32, #tpu.memory_space<hbm>>
        tpu.enqueue_indirect_dma source(%dma_start3A_892 : memref<163840xi32, #tpu.memory_space<hbm>>) target(%dma_start3A_888 : memref<128xi32, #tpu.memory_space<vmem>>) offsets(%dma_start3A_890 : memref<128xi32, #tpu.memory_space<vmem>>) semaphore(%arg36 : memref<!tpu.dma_semaphore, #tpu.memory_space<semaphore_mem>>)
        %dma_start3A_893 = arith.constant 128 : i32
        %dma_start3A_894 = tpu.memref_slice %arg30[%dma_start3A_893] : memref<160xi32, #tpu.memory_space<vmem>> -> memref<32xi32, #tpu.memory_space<vmem>>
        %dma_start3A_895 = arith.constant 128 : i32
        %dma_start3A_896 = tpu.memref_slice %arg27[%dma_start3A_895] : memref<160xi32, #tpu.memory_space<vmem>> -> memref<32xi32, #tpu.memory_space<vmem>>
        %dma_start3A_897 = arith.constant 0 : i32
        %dma_start3A_898 = tpu.memref_slice %arg9[%dma_start3A_897] : memref<163840xi32, #tpu.memory_space<hbm>> -> memref<163840xi32, #tpu.memory_space<hbm>>
        tpu.enqueue_indirect_dma source(%dma_start3A_898 : memref<163840xi32, #tpu.memory_space<hbm>>) target(%dma_start3A_894 : memref<32xi32, #tpu.memory_space<vmem>>) offsets(%dma_start3A_896 : memref<32xi32, #tpu.memory_space<vmem>>) semaphore(%arg36 : memref<!tpu.dma_semaphore, #tpu.memory_space<semaphore_mem>>)
        %dma_start3A_899 = arith.constant 0 : i32
        %dma_start3A_900 = tpu.memref_slice %arg7[%dma_start3A_899] : memref<16384xi32, #tpu.memory_space<hbm>> -> memref<16384xi32, #tpu.memory_space<hbm>>
        tpu.enqueue_indirect_dma source(%dma_start3A_900 : memref<16384xi32, #tpu.memory_space<hbm>>) target(%arg29 : memref<16xi32, #tpu.memory_space<vmem>>) offsets(%arg26 : memref<16xi32, #tpu.memory_space<vmem>>) semaphore(%arg36 : memref<!tpu.dma_semaphore, #tpu.memory_space<semaphore_mem>>)
        %dma_wait3A_901 = arith.constant 0 : i32
        %dma_wait3A_902 = tpu.memref_slice %arg28[%dma_wait3A_901] : memref<160xf32, #tpu.memory_space<vmem>> -> memref<128xf32, #tpu.memory_space<vmem>>
        %dma_wait3A_903 = arith.constant 0 : i32
        %dma_wait3A_904 = tpu.memref_slice %arg27[%dma_wait3A_903] : memref<160xi32, #tpu.memory_space<vmem>> -> memref<128xi32, #tpu.memory_space<vmem>>
        %dma_wait3A_905 = arith.constant 0 : i32
        %dma_wait3A_906 = tpu.memref_slice %arg8[%dma_wait3A_905] : memref<163840xf32, #tpu.memory_space<hbm>> -> memref<163840xf32, #tpu.memory_space<hbm>>
        tpu.wait_indirect_dma semaphore(%arg36 : memref<!tpu.dma_semaphore, #tpu.memory_space<semaphore_mem>>) src(%dma_wait3A_906 : memref<163840xf32, #tpu.memory_space<hbm>>) dst(%dma_wait3A_902 : memref<128xf32, #tpu.memory_space<vmem>>)
        %dma_wait3A_907 = arith.constant 128 : i32
        %dma_wait3A_908 = tpu.memref_slice %arg28[%dma_wait3A_907] : memref<160xf32, #tpu.memory_space<vmem>> -> memref<32xf32, #tpu.memory_space<vmem>>
        %dma_wait3A_909 = arith.constant 128 : i32
        %dma_wait3A_910 = tpu.memref_slice %arg27[%dma_wait3A_909] : memref<160xi32, #tpu.memory_space<vmem>> -> memref<32xi32, #tpu.memory_space<vmem>>
        %dma_wait3A_911 = arith.constant 0 : i32
        %dma_wait3A_912 = tpu.memref_slice %arg8[%dma_wait3A_911] : memref<163840xf32, #tpu.memory_space<hbm>> -> memref<163840xf32, #tpu.memory_space<hbm>>
        tpu.wait_indirect_dma semaphore(%arg36 : memref<!tpu.dma_semaphore, #tpu.memory_space<semaphore_mem>>) src(%dma_wait3A_912 : memref<163840xf32, #tpu.memory_space<hbm>>) dst(%dma_wait3A_908 : memref<32xf32, #tpu.memory_space<vmem>>)
        %dma_wait3A_913 = arith.constant 0 : i32
        %dma_wait3A_914 = tpu.memref_slice %arg30[%dma_wait3A_913] : memref<160xi32, #tpu.memory_space<vmem>> -> memref<128xi32, #tpu.memory_space<vmem>>
        %dma_wait3A_915 = arith.constant 0 : i32
        %dma_wait3A_916 = tpu.memref_slice %arg27[%dma_wait3A_915] : memref<160xi32, #tpu.memory_space<vmem>> -> memref<128xi32, #tpu.memory_space<vmem>>
        %dma_wait3A_917 = arith.constant 0 : i32
        %dma_wait3A_918 = tpu.memref_slice %arg9[%dma_wait3A_917] : memref<163840xi32, #tpu.memory_space<hbm>> -> memref<163840xi32, #tpu.memory_space<hbm>>
        tpu.wait_indirect_dma semaphore(%arg36 : memref<!tpu.dma_semaphore, #tpu.memory_space<semaphore_mem>>) src(%dma_wait3A_918 : memref<163840xi32, #tpu.memory_space<hbm>>) dst(%dma_wait3A_914 : memref<128xi32, #tpu.memory_space<vmem>>)
        %dma_wait3A_919 = arith.constant 128 : i32
        %dma_wait3A_920 = tpu.memref_slice %arg30[%dma_wait3A_919] : memref<160xi32, #tpu.memory_space<vmem>> -> memref<32xi32, #tpu.memory_space<vmem>>
        %dma_wait3A_921 = arith.constant 128 : i32
        %dma_wait3A_922 = tpu.memref_slice %arg27[%dma_wait3A_921] : memref<160xi32, #tpu.memory_space<vmem>> -> memref<32xi32, #tpu.memory_space<vmem>>
        %dma_wait3A_923 = arith.constant 0 : i32
        %dma_wait3A_924 = tpu.memref_slice %arg9[%dma_wait3A_923] : memref<163840xi32, #tpu.memory_space<hbm>> -> memref<163840xi32, #tpu.memory_space<hbm>>
        tpu.wait_indirect_dma semaphore(%arg36 : memref<!tpu.dma_semaphore, #tpu.memory_space<semaphore_mem>>) src(%dma_wait3A_924 : memref<163840xi32, #tpu.memory_space<hbm>>) dst(%dma_wait3A_920 : memref<32xi32, #tpu.memory_space<vmem>>)
        %dma_wait3A_925 = arith.constant 0 : i32
        %dma_wait3A_926 = tpu.memref_slice %arg7[%dma_wait3A_925] : memref<16384xi32, #tpu.memory_space<hbm>> -> memref<16384xi32, #tpu.memory_space<hbm>>
        tpu.wait_indirect_dma semaphore(%arg36 : memref<!tpu.dma_semaphore, #tpu.memory_space<semaphore_mem>>) src(%dma_wait3A_926 : memref<16384xi32, #tpu.memory_space<hbm>>) dst(%arg29 : memref<16xi32, #tpu.memory_space<vmem>>)
        %get3A_927 = arith.constant 0 : index
        %get3A_928 = tpu.vector_load %arg30[%get3A_927] {strides = array<i32>} : memref<160xi32, #tpu.memory_space<vmem>>, vector<16xi32>,
        %and3A_929 = arith.constant 1 : i32
        %and3A_930 = vector.broadcast %and3A_929 : i32 to vector<16xi32>
        %and3A_931 = arith.andi %get3A_928, %and3A_930 : vector<16xi32>
        %mul3A_932 = arith.constant 64 : i32
        %mul3A_933 = vector.broadcast %mul3A_932 : i32 to vector<16xi32>
        %mul3A_934 = arith.muli %and3A_931, %mul3A_933 : vector<16xi32>
        %swap3A_935 = arith.constant 0 : index
        %swap3A_936 = tpu.vector_load %arg31[%swap3A_935] {strides = array<i32>} : memref<160xi32, #tpu.memory_space<vmem>>, vector<16xi32>,
        tpu.vector_store %arg31[%swap3A_935], %mul3A_934 {strides = array<i32>} : memref<160xi32, #tpu.memory_space<vmem>>, vector<16xi32>,
        %shift_right_arithmetic3A_937 = arith.constant 1 : i32
        %shift_right_arithmetic3A_938 = vector.broadcast %shift_right_arithmetic3A_937 : i32 to vector<16xi32>
        %shift_right_arithmetic3A_939 = arith.shrsi %get3A_928, %shift_right_arithmetic3A_938 : vector<16xi32>
        %swap3A_940 = arith.constant 0 : index
        %swap3A_941 = tpu.vector_load %arg30[%swap3A_940] {strides = array<i32>} : memref<160xi32, #tpu.memory_space<vmem>>, vector<16xi32>,
        tpu.vector_store %arg30[%swap3A_940], %shift_right_arithmetic3A_939 {strides = array<i32>} : memref<160xi32, #tpu.memory_space<vmem>>, vector<16xi32>,
        %get3A_942 = arith.constant 16 : index
        %get3A_943 = tpu.vector_load %arg30[%get3A_942] {strides = array<i32>} : memref<160xi32, #tpu.memory_space<vmem>>, vector<16xi32>,
        %and3A_944 = arith.constant 1 : i32
        %and3A_945 = vector.broadcast %and3A_944 : i32 to vector<16xi32>
        %and3A_946 = arith.andi %get3A_943, %and3A_945 : vector<16xi32>
        %mul3A_947 = arith.constant 64 : i32
        %mul3A_948 = vector.broadcast %mul3A_947 : i32 to vector<16xi32>
        %mul3A_949 = arith.muli %and3A_946, %mul3A_948 : vector<16xi32>
        %swap3A_950 = arith.constant 16 : index
        %swap3A_951 = tpu.vector_load %arg31[%swap3A_950] {strides = array<i32>} : memref<160xi32, #tpu.memory_space<vmem>>, vector<16xi32>,
        tpu.vector_store %arg31[%swap3A_950], %mul3A_949 {strides = array<i32>} : memref<160xi32, #tpu.memory_space<vmem>>, vector<16xi32>,
        %shift_right_arithmetic3A_952 = arith.constant 1 : i32
        %shift_right_arithmetic3A_953 = vector.broadcast %shift_right_arithmetic3A_952 : i32 to vector<16xi32>
        %shift_right_arithmetic3A_954 = arith.shrsi %get3A_943, %shift_right_arithmetic3A_953 : vector<16xi32>
        %swap3A_955 = arith.constant 16 : index
        %swap3A_956 = tpu.vector_load %arg30[%swap3A_955] {strides = array<i32>} : memref<160xi32, #tpu.memory_space<vmem>>, vector<16xi32>,
        tpu.vector_store %arg30[%swap3A_955], %shift_right_arithmetic3A_954 {strides = array<i32>} : memref<160xi32, #tpu.memory_space<vmem>>, vector<16xi32>,
        %get3A_957 = arith.constant 32 : index
        %get3A_958 = tpu.vector_load %arg30[%get3A_957] {strides = array<i32>} : memref<160xi32, #tpu.memory_space<vmem>>, vector<16xi32>,
        %and3A_959 = arith.constant 1 : i32
        %and3A_960 = vector.broadcast %and3A_959 : i32 to vector<16xi32>
        %and3A_961 = arith.andi %get3A_958, %and3A_960 : vector<16xi32>
        %mul3A_962 = arith.constant 64 : i32
        %mul3A_963 = vector.broadcast %mul3A_962 : i32 to vector<16xi32>
        %mul3A_964 = arith.muli %and3A_961, %mul3A_963 : vector<16xi32>
        %swap3A_965 = arith.constant 32 : index
        %swap3A_966 = tpu.vector_load %arg31[%swap3A_965] {strides = array<i32>} : memref<160xi32, #tpu.memory_space<vmem>>, vector<16xi32>,
        tpu.vector_store %arg31[%swap3A_965], %mul3A_964 {strides = array<i32>} : memref<160xi32, #tpu.memory_space<vmem>>, vector<16xi32>,
        %shift_right_arithmetic3A_967 = arith.constant 1 : i32
        %shift_right_arithmetic3A_968 = vector.broadcast %shift_right_arithmetic3A_967 : i32 to vector<16xi32>
        %shift_right_arithmetic3A_969 = arith.shrsi %get3A_958, %shift_right_arithmetic3A_968 : vector<16xi32>
        %swap3A_970 = arith.constant 32 : index
        %swap3A_971 = tpu.vector_load %arg30[%swap3A_970] {strides = array<i32>} : memref<160xi32, #tpu.memory_space<vmem>>, vector<16xi32>,
        tpu.vector_store %arg30[%swap3A_970], %shift_right_arithmetic3A_969 {strides = array<i32>} : memref<160xi32, #tpu.memory_space<vmem>>, vector<16xi32>,
        %get3A_972 = arith.constant 48 : index
        %get3A_973 = tpu.vector_load %arg30[%get3A_972] {strides = array<i32>} : memref<160xi32, #tpu.memory_space<vmem>>, vector<16xi32>,
        %and3A_974 = arith.constant 1 : i32
        %and3A_975 = vector.broadcast %and3A_974 : i32 to vector<16xi32>
        %and3A_976 = arith.andi %get3A_973, %and3A_975 : vector<16xi32>
        %mul3A_977 = arith.constant 64 : i32
        %mul3A_978 = vector.broadcast %mul3A_977 : i32 to vector<16xi32>
        %mul3A_979 = arith.muli %and3A_976, %mul3A_978 : vector<16xi32>
        %swap3A_980 = arith.constant 48 : index
        %swap3A_981 = tpu.vector_load %arg31[%swap3A_980] {strides = array<i32>} : memref<160xi32, #tpu.memory_space<vmem>>, vector<16xi32>,
        tpu.vector_store %arg31[%swap3A_980], %mul3A_979 {strides = array<i32>} : memref<160xi32, #tpu.memory_space<vmem>>, vector<16xi32>,
        %shift_right_arithmetic3A_982 = arith.constant 1 : i32
        %shift_right_arithmetic3A_983 = vector.broadcast %shift_right_arithmetic3A_982 : i32 to vector<16xi32>
        %shift_right_arithmetic3A_984 = arith.shrsi %get3A_973, %shift_right_arithmetic3A_983 : vector<16xi32>
        %swap3A_985 = arith.constant 48 : index
        %swap3A_986 = tpu.vector_load %arg30[%swap3A_985] {strides = array<i32>} : memref<160xi32, #tpu.memory_space<vmem>>, vector<16xi32>,
        tpu.vector_store %arg30[%swap3A_985], %shift_right_arithmetic3A_984 {strides = array<i32>} : memref<160xi32, #tpu.memory_space<vmem>>, vector<16xi32>,
        %get3A_987 = arith.constant 64 : index
        %get3A_988 = tpu.vector_load %arg30[%get3A_987] {strides = array<i32>} : memref<160xi32, #tpu.memory_space<vmem>>, vector<16xi32>,
        %and3A_989 = arith.constant 1 : i32
        %and3A_990 = vector.broadcast %and3A_989 : i32 to vector<16xi32>
        %and3A_991 = arith.andi %get3A_988, %and3A_990 : vector<16xi32>
        %mul3A_992 = arith.constant 64 : i32
        %mul3A_993 = vector.broadcast %mul3A_992 : i32 to vector<16xi32>
        %mul3A_994 = arith.muli %and3A_991, %mul3A_993 : vector<16xi32>
        %swap3A_995 = arith.constant 64 : index
        %swap3A_996 = tpu.vector_load %arg31[%swap3A_995] {strides = array<i32>} : memref<160xi32, #tpu.memory_space<vmem>>, vector<16xi32>,
        tpu.vector_store %arg31[%swap3A_995], %mul3A_994 {strides = array<i32>} : memref<160xi32, #tpu.memory_space<vmem>>, vector<16xi32>,
        %shift_right_arithmetic3A_997 = arith.constant 1 : i32
        %shift_right_arithmetic3A_998 = vector.broadcast %shift_right_arithmetic3A_997 : i32 to vector<16xi32>
        %shift_right_arithmetic3A_999 = arith.shrsi %get3A_988, %shift_right_arithmetic3A_998 : vector<16xi32>
        %swap3A_1000 = arith.constant 64 : index
        %swap3A_1001 = tpu.vector_load %arg30[%swap3A_1000] {strides = array<i32>} : memref<160xi32, #tpu.memory_space<vmem>>, vector<16xi32>,
        tpu.vector_store %arg30[%swap3A_1000], %shift_right_arithmetic3A_999 {strides = array<i32>} : memref<160xi32, #tpu.memory_space<vmem>>, vector<16xi32>,
        %get3A_1002 = arith.constant 80 : index
        %get3A_1003 = tpu.vector_load %arg30[%get3A_1002] {strides = array<i32>} : memref<160xi32, #tpu.memory_space<vmem>>, vector<16xi32>,
        %and3A_1004 = arith.constant 1 : i32
        %and3A_1005 = vector.broadcast %and3A_1004 : i32 to vector<16xi32>
        %and3A_1006 = arith.andi %get3A_1003, %and3A_1005 : vector<16xi32>
        %mul3A_1007 = arith.constant 64 : i32
        %mul3A_1008 = vector.broadcast %mul3A_1007 : i32 to vector<16xi32>
        %mul3A_1009 = arith.muli %and3A_1006, %mul3A_1008 : vector<16xi32>
        %swap3A_1010 = arith.constant 80 : index
        %swap3A_1011 = tpu.vector_load %arg31[%swap3A_1010] {strides = array<i32>} : memref<160xi32, #tpu.memory_space<vmem>>, vector<16xi32>,
        tpu.vector_store %arg31[%swap3A_1010], %mul3A_1009 {strides = array<i32>} : memref<160xi32, #tpu.memory_space<vmem>>, vector<16xi32>,
        %shift_right_arithmetic3A_1012 = arith.constant 1 : i32
        %shift_right_arithmetic3A_1013 = vector.broadcast %shift_right_arithmetic3A_1012 : i32 to vector<16xi32>
        %shift_right_arithmetic3A_1014 = arith.shrsi %get3A_1003, %shift_right_arithmetic3A_1013 : vector<16xi32>
        %swap3A_1015 = arith.constant 80 : index
        %swap3A_1016 = tpu.vector_load %arg30[%swap3A_1015] {strides = array<i32>} : memref<160xi32, #tpu.memory_space<vmem>>, vector<16xi32>,
        tpu.vector_store %arg30[%swap3A_1015], %shift_right_arithmetic3A_1014 {strides = array<i32>} : memref<160xi32, #tpu.memory_space<vmem>>, vector<16xi32>,
        %get3A_1017 = arith.constant 96 : index
        %get3A_1018 = tpu.vector_load %arg30[%get3A_1017] {strides = array<i32>} : memref<160xi32, #tpu.memory_space<vmem>>, vector<16xi32>,
        %and3A_1019 = arith.constant 1 : i32
        %and3A_1020 = vector.broadcast %and3A_1019 : i32 to vector<16xi32>
        %and3A_1021 = arith.andi %get3A_1018, %and3A_1020 : vector<16xi32>
        %mul3A_1022 = arith.constant 64 : i32
        %mul3A_1023 = vector.broadcast %mul3A_1022 : i32 to vector<16xi32>
        %mul3A_1024 = arith.muli %and3A_1021, %mul3A_1023 : vector<16xi32>
        %swap3A_1025 = arith.constant 96 : index
        %swap3A_1026 = tpu.vector_load %arg31[%swap3A_1025] {strides = array<i32>} : memref<160xi32, #tpu.memory_space<vmem>>, vector<16xi32>,
        tpu.vector_store %arg31[%swap3A_1025], %mul3A_1024 {strides = array<i32>} : memref<160xi32, #tpu.memory_space<vmem>>, vector<16xi32>,
        %shift_right_arithmetic3A_1027 = arith.constant 1 : i32
        %shift_right_arithmetic3A_1028 = vector.broadcast %shift_right_arithmetic3A_1027 : i32 to vector<16xi32>
        %shift_right_arithmetic3A_1029 = arith.shrsi %get3A_1018, %shift_right_arithmetic3A_1028 : vector<16xi32>
        %swap3A_1030 = arith.constant 96 : index
        %swap3A_1031 = tpu.vector_load %arg30[%swap3A_1030] {strides = array<i32>} : memref<160xi32, #tpu.memory_space<vmem>>, vector<16xi32>,
        tpu.vector_store %arg30[%swap3A_1030], %shift_right_arithmetic3A_1029 {strides = array<i32>} : memref<160xi32, #tpu.memory_space<vmem>>, vector<16xi32>,
        %get3A_1032 = arith.constant 112 : index
        %get3A_1033 = tpu.vector_load %arg30[%get3A_1032] {strides = array<i32>} : memref<160xi32, #tpu.memory_space<vmem>>, vector<16xi32>,
        %and3A_1034 = arith.constant 1 : i32
        %and3A_1035 = vector.broadcast %and3A_1034 : i32 to vector<16xi32>
        %and3A_1036 = arith.andi %get3A_1033, %and3A_1035 : vector<16xi32>
        %mul3A_1037 = arith.constant 64 : i32
        %mul3A_1038 = vector.broadcast %mul3A_1037 : i32 to vector<16xi32>
        %mul3A_1039 = arith.muli %and3A_1036, %mul3A_1038 : vector<16xi32>
        %swap3A_1040 = arith.constant 112 : index
        %swap3A_1041 = tpu.vector_load %arg31[%swap3A_1040] {strides = array<i32>} : memref<160xi32, #tpu.memory_space<vmem>>, vector<16xi32>,
        tpu.vector_store %arg31[%swap3A_1040], %mul3A_1039 {strides = array<i32>} : memref<160xi32, #tpu.memory_space<vmem>>, vector<16xi32>,
        %shift_right_arithmetic3A_1042 = arith.constant 1 : i32
        %shift_right_arithmetic3A_1043 = vector.broadcast %shift_right_arithmetic3A_1042 : i32 to vector<16xi32>
        %shift_right_arithmetic3A_1044 = arith.shrsi %get3A_1033, %shift_right_arithmetic3A_1043 : vector<16xi32>
        %swap3A_1045 = arith.constant 112 : index
        %swap3A_1046 = tpu.vector_load %arg30[%swap3A_1045] {strides = array<i32>} : memref<160xi32, #tpu.memory_space<vmem>>, vector<16xi32>,
        tpu.vector_store %arg30[%swap3A_1045], %shift_right_arithmetic3A_1044 {strides = array<i32>} : memref<160xi32, #tpu.memory_space<vmem>>, vector<16xi32>,
        %get3A_1047 = arith.constant 128 : index
        %get3A_1048 = tpu.vector_load %arg30[%get3A_1047] {strides = array<i32>} : memref<160xi32, #tpu.memory_space<vmem>>, vector<16xi32>,
        %and3A_1049 = arith.constant 1 : i32
        %and3A_1050 = vector.broadcast %and3A_1049 : i32 to vector<16xi32>
        %and3A_1051 = arith.andi %get3A_1048, %and3A_1050 : vector<16xi32>
        %mul3A_1052 = arith.constant 64 : i32
        %mul3A_1053 = vector.broadcast %mul3A_1052 : i32 to vector<16xi32>
        %mul3A_1054 = arith.muli %and3A_1051, %mul3A_1053 : vector<16xi32>
        %swap3A_1055 = arith.constant 128 : index
        %swap3A_1056 = tpu.vector_load %arg31[%swap3A_1055] {strides = array<i32>} : memref<160xi32, #tpu.memory_space<vmem>>, vector<16xi32>,
        tpu.vector_store %arg31[%swap3A_1055], %mul3A_1054 {strides = array<i32>} : memref<160xi32, #tpu.memory_space<vmem>>, vector<16xi32>,
        %shift_right_arithmetic3A_1057 = arith.constant 1 : i32
        %shift_right_arithmetic3A_1058 = vector.broadcast %shift_right_arithmetic3A_1057 : i32 to vector<16xi32>
        %shift_right_arithmetic3A_1059 = arith.shrsi %get3A_1048, %shift_right_arithmetic3A_1058 : vector<16xi32>
        %swap3A_1060 = arith.constant 128 : index
        %swap3A_1061 = tpu.vector_load %arg30[%swap3A_1060] {strides = array<i32>} : memref<160xi32, #tpu.memory_space<vmem>>, vector<16xi32>,
        tpu.vector_store %arg30[%swap3A_1060], %shift_right_arithmetic3A_1059 {strides = array<i32>} : memref<160xi32, #tpu.memory_space<vmem>>, vector<16xi32>,
        %get3A_1062 = arith.constant 144 : index
        %get3A_1063 = tpu.vector_load %arg30[%get3A_1062] {strides = array<i32>} : memref<160xi32, #tpu.memory_space<vmem>>, vector<16xi32>,
        %and3A_1064 = arith.constant 1 : i32
        %and3A_1065 = vector.broadcast %and3A_1064 : i32 to vector<16xi32>
        %and3A_1066 = arith.andi %get3A_1063, %and3A_1065 : vector<16xi32>
        %mul3A_1067 = arith.constant 64 : i32
        %mul3A_1068 = vector.broadcast %mul3A_1067 : i32 to vector<16xi32>
        %mul3A_1069 = arith.muli %and3A_1066, %mul3A_1068 : vector<16xi32>
        %swap3A_1070 = arith.constant 144 : index
        %swap3A_1071 = tpu.vector_load %arg31[%swap3A_1070] {strides = array<i32>} : memref<160xi32, #tpu.memory_space<vmem>>, vector<16xi32>,
        tpu.vector_store %arg31[%swap3A_1070], %mul3A_1069 {strides = array<i32>} : memref<160xi32, #tpu.memory_space<vmem>>, vector<16xi32>,
        %shift_right_arithmetic3A_1072 = arith.constant 1 : i32
        %shift_right_arithmetic3A_1073 = vector.broadcast %shift_right_arithmetic3A_1072 : i32 to vector<16xi32>
        %shift_right_arithmetic3A_1074 = arith.shrsi %get3A_1063, %shift_right_arithmetic3A_1073 : vector<16xi32>
        %swap3A_1075 = arith.constant 144 : index
        %swap3A_1076 = tpu.vector_load %arg30[%swap3A_1075] {strides = array<i32>} : memref<160xi32, #tpu.memory_space<vmem>>, vector<16xi32>,
        tpu.vector_store %arg30[%swap3A_1075], %shift_right_arithmetic3A_1074 {strides = array<i32>} : memref<160xi32, #tpu.memory_space<vmem>>, vector<16xi32>,
        %dma_start3A_1077 = arith.constant 0 : i32
        %dma_start3A_1078 = arith.constant 0 : i32
        %dma_start3A_1079 = tpu.memref_slice %arg32[%dma_start3A_1077, %dma_start3A_1078] : memref<160x128xf32, #tpu.memory_space<vmem>> -> memref<128x128xf32, #tpu.memory_space<vmem>>
        %dma_start3A_1080 = arith.constant 0 : i32
        %dma_start3A_1081 = tpu.memref_slice %arg30[%dma_start3A_1080] : memref<160xi32, #tpu.memory_space<vmem>> -> memref<128xi32, #tpu.memory_space<vmem>>
        %dma_start3A_1082 = arith.constant 0 : i32
        %dma_start3A_1083 = arith.constant 0 : i32
        %dma_start3A_1084 = tpu.memref_slice %arg2[%dma_start3A_1082, %dma_start3A_1083] : memref<500000x128xf32, #tpu.memory_space<hbm>> -> memref<500000x128xf32, #tpu.memory_space<hbm>>
        tpu.enqueue_indirect_dma source(%dma_start3A_1084 : memref<500000x128xf32, #tpu.memory_space<hbm>>) target(%dma_start3A_1079 : memref<128x128xf32, #tpu.memory_space<vmem>>) offsets(%dma_start3A_1081 : memref<128xi32, #tpu.memory_space<vmem>>) semaphore(%arg36 : memref<!tpu.dma_semaphore, #tpu.memory_space<semaphore_mem>>)
        %dma_start3A_1085 = arith.constant 128 : i32
        %dma_start3A_1086 = arith.constant 0 : i32
        %dma_start3A_1087 = tpu.memref_slice %arg32[%dma_start3A_1085, %dma_start3A_1086] : memref<160x128xf32, #tpu.memory_space<vmem>> -> memref<32x128xf32, #tpu.memory_space<vmem>>
        %dma_start3A_1088 = arith.constant 128 : i32
        %dma_start3A_1089 = tpu.memref_slice %arg30[%dma_start3A_1088] : memref<160xi32, #tpu.memory_space<vmem>> -> memref<32xi32, #tpu.memory_space<vmem>>
        %dma_start3A_1090 = arith.constant 0 : i32
        %dma_start3A_1091 = arith.constant 0 : i32
        %dma_start3A_1092 = tpu.memref_slice %arg2[%dma_start3A_1090, %dma_start3A_1091] : memref<500000x128xf32, #tpu.memory_space<hbm>> -> memref<500000x128xf32, #tpu.memory_space<hbm>>
        tpu.enqueue_indirect_dma source(%dma_start3A_1092 : memref<500000x128xf32, #tpu.memory_space<hbm>>) target(%dma_start3A_1087 : memref<32x128xf32, #tpu.memory_space<vmem>>) offsets(%dma_start3A_1089 : memref<32xi32, #tpu.memory_space<vmem>>) semaphore(%arg36 : memref<!tpu.dma_semaphore, #tpu.memory_space<semaphore_mem>>)
        %get3A_1093 = arith.constant 0 : index
        %get3A_1094 = tpu.vector_load %arg29[%get3A_1093] {strides = array<i32>} : memref<16xi32, #tpu.memory_space<vmem>>, vector<16xi32>,
        %convert_element_type3A = arith.sitofp %get3A_1094 : vector<16xi32> to vector<16xf32>
        %mul3A_1095 = arith.constant -0.699999988 : f32
        %mul3A_1096 = vector.broadcast %mul3A_1095 : f32 to vector<16xf32>
        %mul3A_1097 = arith.mulf %mul3A_1096, %convert_element_type3A : vector<16xf32>
        %exp3A_1098 = math.exp %mul3A_1097 : vector<16xf32>
        %mul3A_1099 = arith.constant 0.699999988 : f32
        %mul3A_1100 = vector.broadcast %mul3A_1099 : f32 to vector<16xf32>
        %mul3A_1101 = arith.mulf %mul3A_1100, %exp3A_1098 : vector<16xf32>
        %add3A_1102 = arith.constant 2.000000e-01 : f32
        %add3A_1103 = vector.broadcast %add3A_1102 : f32 to vector<16xf32>
        %add3A_1104 = arith.addf %mul3A_1101, %add3A_1103 : vector<16xf32>
        %dma_wait3A_1105 = arith.constant 0 : i32
        %dma_wait3A_1106 = arith.constant 0 : i32
        %dma_wait3A_1107 = tpu.memref_slice %arg32[%dma_wait3A_1105, %dma_wait3A_1106] : memref<160x128xf32, #tpu.memory_space<vmem>> -> memref<128x128xf32, #tpu.memory_space<vmem>>
        %dma_wait3A_1108 = arith.constant 0 : i32
        %dma_wait3A_1109 = tpu.memref_slice %arg30[%dma_wait3A_1108] : memref<160xi32, #tpu.memory_space<vmem>> -> memref<128xi32, #tpu.memory_space<vmem>>
        %dma_wait3A_1110 = arith.constant 0 : i32
        %dma_wait3A_1111 = arith.constant 0 : i32
        %dma_wait3A_1112 = tpu.memref_slice %arg2[%dma_wait3A_1110, %dma_wait3A_1111] : memref<500000x128xf32, #tpu.memory_space<hbm>> -> memref<500000x128xf32, #tpu.memory_space<hbm>>
        tpu.wait_indirect_dma semaphore(%arg36 : memref<!tpu.dma_semaphore, #tpu.memory_space<semaphore_mem>>) src(%dma_wait3A_1112 : memref<500000x128xf32, #tpu.memory_space<hbm>>) dst(%dma_wait3A_1107 : memref<128x128xf32, #tpu.memory_space<vmem>>)
        %dma_wait3A_1113 = arith.constant 128 : i32
        %dma_wait3A_1114 = arith.constant 0 : i32
        %dma_wait3A_1115 = tpu.memref_slice %arg32[%dma_wait3A_1113, %dma_wait3A_1114] : memref<160x128xf32, #tpu.memory_space<vmem>> -> memref<32x128xf32, #tpu.memory_space<vmem>>
        %dma_wait3A_1116 = arith.constant 128 : i32
        %dma_wait3A_1117 = tpu.memref_slice %arg30[%dma_wait3A_1116] : memref<160xi32, #tpu.memory_space<vmem>> -> memref<32xi32, #tpu.memory_space<vmem>>
        %dma_wait3A_1118 = arith.constant 0 : i32
        %dma_wait3A_1119 = arith.constant 0 : i32
        %dma_wait3A_1120 = tpu.memref_slice %arg2[%dma_wait3A_1118, %dma_wait3A_1119] : memref<500000x128xf32, #tpu.memory_space<hbm>> -> memref<500000x128xf32, #tpu.memory_space<hbm>>
        tpu.wait_indirect_dma semaphore(%arg36 : memref<!tpu.dma_semaphore, #tpu.memory_space<semaphore_mem>>) src(%dma_wait3A_1120 : memref<500000x128xf32, #tpu.memory_space<hbm>>) dst(%dma_wait3A_1115 : memref<32x128xf32, #tpu.memory_space<vmem>>)
        %iota3A_1121 = tpu.iota {dimensions = array<i32: 0>} : vector<16xi32>
        %mul3A_1122 = arith.constant 10 : i32
        %mul3A_1123 = vector.broadcast %mul3A_1122 : i32 to vector<16xi32>
        %mul3A_1124 = arith.muli %iota3A_1121, %mul3A_1123 : vector<16xi32>
        %add3A_1125 = arith.constant 0 : i32
        %add3A_1126 = vector.broadcast %add3A_1125 : i32 to vector<16xi32>
        %add3A_1127 = arith.addi %mul3A_1124, %add3A_1126 : vector<16xi32>
        %gather3A_1128 = tpu.vector_load_idx %arg28[%add3A_1127] : memref<160xf32, #tpu.memory_space<vmem>>[vector<16xi32>], vector<16xf32>,
        %iota3A_1129 = tpu.iota {dimensions = array<i32: 0>} : vector<16xi32>
        %mul3A_1130 = arith.constant 10 : i32
        %mul3A_1131 = vector.broadcast %mul3A_1130 : i32 to vector<16xi32>
        %mul3A_1132 = arith.muli %iota3A_1129, %mul3A_1131 : vector<16xi32>
        %add3A_1133 = arith.constant 1 : i32
        %add3A_1134 = vector.broadcast %add3A_1133 : i32 to vector<16xi32>
        %add3A_1135 = arith.addi %mul3A_1132, %add3A_1134 : vector<16xi32>
        %gather3A_1136 = tpu.vector_load_idx %arg28[%add3A_1135] : memref<160xf32, #tpu.memory_space<vmem>>[vector<16xi32>], vector<16xf32>,
        %iota3A_1137 = tpu.iota {dimensions = array<i32: 0>} : vector<16xi32>
        %mul3A_1138 = arith.constant 10 : i32
        %mul3A_1139 = vector.broadcast %mul3A_1138 : i32 to vector<16xi32>
        %mul3A_1140 = arith.muli %iota3A_1137, %mul3A_1139 : vector<16xi32>
        %add3A_1141 = arith.constant 2 : i32
        %add3A_1142 = vector.broadcast %add3A_1141 : i32 to vector<16xi32>
        %add3A_1143 = arith.addi %mul3A_1140, %add3A_1142 : vector<16xi32>
        %gather3A_1144 = tpu.vector_load_idx %arg28[%add3A_1143] : memref<160xf32, #tpu.memory_space<vmem>>[vector<16xi32>], vector<16xf32>,
        %iota3A_1145 = tpu.iota {dimensions = array<i32: 0>} : vector<16xi32>
        %mul3A_1146 = arith.constant 10 : i32
        %mul3A_1147 = vector.broadcast %mul3A_1146 : i32 to vector<16xi32>
        %mul3A_1148 = arith.muli %iota3A_1145, %mul3A_1147 : vector<16xi32>
        %add3A_1149 = arith.constant 3 : i32
        %add3A_1150 = vector.broadcast %add3A_1149 : i32 to vector<16xi32>
        %add3A_1151 = arith.addi %mul3A_1148, %add3A_1150 : vector<16xi32>
        %gather3A_1152 = tpu.vector_load_idx %arg28[%add3A_1151] : memref<160xf32, #tpu.memory_space<vmem>>[vector<16xi32>], vector<16xf32>,
        %iota3A_1153 = tpu.iota {dimensions = array<i32: 0>} : vector<16xi32>
        %mul3A_1154 = arith.constant 10 : i32
        %mul3A_1155 = vector.broadcast %mul3A_1154 : i32 to vector<16xi32>
        %mul3A_1156 = arith.muli %iota3A_1153, %mul3A_1155 : vector<16xi32>
        %add3A_1157 = arith.constant 4 : i32
        %add3A_1158 = vector.broadcast %add3A_1157 : i32 to vector<16xi32>
        %add3A_1159 = arith.addi %mul3A_1156, %add3A_1158 : vector<16xi32>
        %gather3A_1160 = tpu.vector_load_idx %arg28[%add3A_1159] : memref<160xf32, #tpu.memory_space<vmem>>[vector<16xi32>], vector<16xf32>,
        %iota3A_1161 = tpu.iota {dimensions = array<i32: 0>} : vector<16xi32>
        %mul3A_1162 = arith.constant 10 : i32
        %mul3A_1163 = vector.broadcast %mul3A_1162 : i32 to vector<16xi32>
        %mul3A_1164 = arith.muli %iota3A_1161, %mul3A_1163 : vector<16xi32>
        %add3A_1165 = arith.constant 5 : i32
        %add3A_1166 = vector.broadcast %add3A_1165 : i32 to vector<16xi32>
        %add3A_1167 = arith.addi %mul3A_1164, %add3A_1166 : vector<16xi32>
        %gather3A_1168 = tpu.vector_load_idx %arg28[%add3A_1167] : memref<160xf32, #tpu.memory_space<vmem>>[vector<16xi32>], vector<16xf32>,
        %iota3A_1169 = tpu.iota {dimensions = array<i32: 0>} : vector<16xi32>
        %mul3A_1170 = arith.constant 10 : i32
        %mul3A_1171 = vector.broadcast %mul3A_1170 : i32 to vector<16xi32>
        %mul3A_1172 = arith.muli %iota3A_1169, %mul3A_1171 : vector<16xi32>
        %add3A_1173 = arith.constant 6 : i32
        %add3A_1174 = vector.broadcast %add3A_1173 : i32 to vector<16xi32>
        %add3A_1175 = arith.addi %mul3A_1172, %add3A_1174 : vector<16xi32>
        %gather3A_1176 = tpu.vector_load_idx %arg28[%add3A_1175] : memref<160xf32, #tpu.memory_space<vmem>>[vector<16xi32>], vector<16xf32>,
        %iota3A_1177 = tpu.iota {dimensions = array<i32: 0>} : vector<16xi32>
        %mul3A_1178 = arith.constant 10 : i32
        %mul3A_1179 = vector.broadcast %mul3A_1178 : i32 to vector<16xi32>
        %mul3A_1180 = arith.muli %iota3A_1177, %mul3A_1179 : vector<16xi32>
        %add3A_1181 = arith.constant 7 : i32
        %add3A_1182 = vector.broadcast %add3A_1181 : i32 to vector<16xi32>
        %add3A_1183 = arith.addi %mul3A_1180, %add3A_1182 : vector<16xi32>
        %gather3A_1184 = tpu.vector_load_idx %arg28[%add3A_1183] : memref<160xf32, #tpu.memory_space<vmem>>[vector<16xi32>], vector<16xf32>,
        %iota3A_1185 = tpu.iota {dimensions = array<i32: 0>} : vector<16xi32>
        %mul3A_1186 = arith.constant 10 : i32
        %mul3A_1187 = vector.broadcast %mul3A_1186 : i32 to vector<16xi32>
        %mul3A_1188 = arith.muli %iota3A_1185, %mul3A_1187 : vector<16xi32>
        %add3A_1189 = arith.constant 8 : i32
        %add3A_1190 = vector.broadcast %add3A_1189 : i32 to vector<16xi32>
        %add3A_1191 = arith.addi %mul3A_1188, %add3A_1190 : vector<16xi32>
        %gather3A_1192 = tpu.vector_load_idx %arg28[%add3A_1191] : memref<160xf32, #tpu.memory_space<vmem>>[vector<16xi32>], vector<16xf32>,
        %iota3A_1193 = tpu.iota {dimensions = array<i32: 0>} : vector<16xi32>
        %mul3A_1194 = arith.constant 10 : i32
        %mul3A_1195 = vector.broadcast %mul3A_1194 : i32 to vector<16xi32>
        %mul3A_1196 = arith.muli %iota3A_1193, %mul3A_1195 : vector<16xi32>
        %add3A_1197 = arith.constant 9 : i32
        %add3A_1198 = vector.broadcast %add3A_1197 : i32 to vector<16xi32>
        %add3A_1199 = arith.addi %mul3A_1196, %add3A_1198 : vector<16xi32>
        %gather3A_1200 = tpu.vector_load_idx %arg28[%add3A_1199] : memref<160xf32, #tpu.memory_space<vmem>>[vector<16xi32>], vector<16xf32>,
        %iota3A_1201 = tpu.iota {dimensions = array<i32: 0>} : vector<16xi32>
        %mul3A_1202 = arith.constant 10 : i32
        %mul3A_1203 = vector.broadcast %mul3A_1202 : i32 to vector<16xi32>
        %mul3A_1204 = arith.muli %iota3A_1201, %mul3A_1203 : vector<16xi32>
        %add3A_1205 = arith.constant 0 : i32
        %add3A_1206 = vector.broadcast %add3A_1205 : i32 to vector<16xi32>
        %add3A_1207 = arith.addi %mul3A_1204, %add3A_1206 : vector<16xi32>
        %gather3A_1208 = tpu.vector_load_idx %arg31[%add3A_1207] : memref<160xi32, #tpu.memory_space<vmem>>[vector<16xi32>], vector<16xi32>,
        %iota3A_1209 = tpu.iota {dimensions = array<i32: 0>} : vector<16xi32>
        %mul3A_1210 = arith.constant 10 : i32
        %mul3A_1211 = vector.broadcast %mul3A_1210 : i32 to vector<16xi32>
        %mul3A_1212 = arith.muli %iota3A_1209, %mul3A_1211 : vector<16xi32>
        %add3A_1213 = arith.constant 1 : i32
        %add3A_1214 = vector.broadcast %add3A_1213 : i32 to vector<16xi32>
        %add3A_1215 = arith.addi %mul3A_1212, %add3A_1214 : vector<16xi32>
        %gather3A_1216 = tpu.vector_load_idx %arg31[%add3A_1215] : memref<160xi32, #tpu.memory_space<vmem>>[vector<16xi32>], vector<16xi32>,
        %iota3A_1217 = tpu.iota {dimensions = array<i32: 0>} : vector<16xi32>
        %mul3A_1218 = arith.constant 10 : i32
        %mul3A_1219 = vector.broadcast %mul3A_1218 : i32 to vector<16xi32>
        %mul3A_1220 = arith.muli %iota3A_1217, %mul3A_1219 : vector<16xi32>
        %add3A_1221 = arith.constant 2 : i32
        %add3A_1222 = vector.broadcast %add3A_1221 : i32 to vector<16xi32>
        %add3A_1223 = arith.addi %mul3A_1220, %add3A_1222 : vector<16xi32>
        %gather3A_1224 = tpu.vector_load_idx %arg31[%add3A_1223] : memref<160xi32, #tpu.memory_space<vmem>>[vector<16xi32>], vector<16xi32>,
        %iota3A_1225 = tpu.iota {dimensions = array<i32: 0>} : vector<16xi32>
        %mul3A_1226 = arith.constant 10 : i32
        %mul3A_1227 = vector.broadcast %mul3A_1226 : i32 to vector<16xi32>
        %mul3A_1228 = arith.muli %iota3A_1225, %mul3A_1227 : vector<16xi32>
        %add3A_1229 = arith.constant 3 : i32
        %add3A_1230 = vector.broadcast %add3A_1229 : i32 to vector<16xi32>
        %add3A_1231 = arith.addi %mul3A_1228, %add3A_1230 : vector<16xi32>
        %gather3A_1232 = tpu.vector_load_idx %arg31[%add3A_1231] : memref<160xi32, #tpu.memory_space<vmem>>[vector<16xi32>], vector<16xi32>,
        %iota3A_1233 = tpu.iota {dimensions = array<i32: 0>} : vector<16xi32>
        %mul3A_1234 = arith.constant 10 : i32
        %mul3A_1235 = vector.broadcast %mul3A_1234 : i32 to vector<16xi32>
        %mul3A_1236 = arith.muli %iota3A_1233, %mul3A_1235 : vector<16xi32>
        %add3A_1237 = arith.constant 4 : i32
        %add3A_1238 = vector.broadcast %add3A_1237 : i32 to vector<16xi32>
        %add3A_1239 = arith.addi %mul3A_1236, %add3A_1238 : vector<16xi32>
        %gather3A_1240 = tpu.vector_load_idx %arg31[%add3A_1239] : memref<160xi32, #tpu.memory_space<vmem>>[vector<16xi32>], vector<16xi32>,
        %iota3A_1241 = tpu.iota {dimensions = array<i32: 0>} : vector<16xi32>
        %mul3A_1242 = arith.constant 10 : i32
        %mul3A_1243 = vector.broadcast %mul3A_1242 : i32 to vector<16xi32>
        %mul3A_1244 = arith.muli %iota3A_1241, %mul3A_1243 : vector<16xi32>
        %add3A_1245 = arith.constant 5 : i32
        %add3A_1246 = vector.broadcast %add3A_1245 : i32 to vector<16xi32>
        %add3A_1247 = arith.addi %mul3A_1244, %add3A_1246 : vector<16xi32>
        %gather3A_1248 = tpu.vector_load_idx %arg31[%add3A_1247] : memref<160xi32, #tpu.memory_space<vmem>>[vector<16xi32>], vector<16xi32>,
        %iota3A_1249 = tpu.iota {dimensions = array<i32: 0>} : vector<16xi32>
        %mul3A_1250 = arith.constant 10 : i32
        %mul3A_1251 = vector.broadcast %mul3A_1250 : i32 to vector<16xi32>
        %mul3A_1252 = arith.muli %iota3A_1249, %mul3A_1251 : vector<16xi32>
        %add3A_1253 = arith.constant 6 : i32
        %add3A_1254 = vector.broadcast %add3A_1253 : i32 to vector<16xi32>
        %add3A_1255 = arith.addi %mul3A_1252, %add3A_1254 : vector<16xi32>
        %gather3A_1256 = tpu.vector_load_idx %arg31[%add3A_1255] : memref<160xi32, #tpu.memory_space<vmem>>[vector<16xi32>], vector<16xi32>,
        %iota3A_1257 = tpu.iota {dimensions = array<i32: 0>} : vector<16xi32>
        %mul3A_1258 = arith.constant 10 : i32
        %mul3A_1259 = vector.broadcast %mul3A_1258 : i32 to vector<16xi32>
        %mul3A_1260 = arith.muli %iota3A_1257, %mul3A_1259 : vector<16xi32>
        %add3A_1261 = arith.constant 7 : i32
        %add3A_1262 = vector.broadcast %add3A_1261 : i32 to vector<16xi32>
        %add3A_1263 = arith.addi %mul3A_1260, %add3A_1262 : vector<16xi32>
        %gather3A_1264 = tpu.vector_load_idx %arg31[%add3A_1263] : memref<160xi32, #tpu.memory_space<vmem>>[vector<16xi32>], vector<16xi32>,
        %iota3A_1265 = tpu.iota {dimensions = array<i32: 0>} : vector<16xi32>
        %mul3A_1266 = arith.constant 10 : i32
        %mul3A_1267 = vector.broadcast %mul3A_1266 : i32 to vector<16xi32>
        %mul3A_1268 = arith.muli %iota3A_1265, %mul3A_1267 : vector<16xi32>
        %add3A_1269 = arith.constant 8 : i32
        %add3A_1270 = vector.broadcast %add3A_1269 : i32 to vector<16xi32>
        %add3A_1271 = arith.addi %mul3A_1268, %add3A_1270 : vector<16xi32>
        %gather3A_1272 = tpu.vector_load_idx %arg31[%add3A_1271] : memref<160xi32, #tpu.memory_space<vmem>>[vector<16xi32>], vector<16xi32>,
        %iota3A_1273 = tpu.iota {dimensions = array<i32: 0>} : vector<16xi32>
        %mul3A_1274 = arith.constant 10 : i32
        %mul3A_1275 = vector.broadcast %mul3A_1274 : i32 to vector<16xi32>
        %mul3A_1276 = arith.muli %iota3A_1273, %mul3A_1275 : vector<16xi32>
        %add3A_1277 = arith.constant 9 : i32
        %add3A_1278 = vector.broadcast %add3A_1277 : i32 to vector<16xi32>
        %add3A_1279 = arith.addi %mul3A_1276, %add3A_1278 : vector<16xi32>
        %gather3A_1280 = tpu.vector_load_idx %arg31[%add3A_1279] : memref<160xi32, #tpu.memory_space<vmem>>[vector<16xi32>], vector<16xi32>,
        %lt3A_1281 = arith.constant 128 : i32
        %lt3A_1282 = vector.broadcast %lt3A_1281 : i32 to vector<16xi32>
        %lt3A_1283 = arith.cmpi slt, %select_n3A_742, %lt3A_1282 : vector<16xi32>
        %min3A_1284 = arith.constant 127 : i32
        %min3A_1285 = vector.broadcast %min3A_1284 : i32 to vector<16xi32>
        %min3A_1286 = arith.minsi %select_n3A_742, %min3A_1285 : vector<16xi32>
        %sub3A_1287 = arith.constant 128 : i32
        %sub3A_1288 = vector.broadcast %sub3A_1287 : i32 to vector<16xi32>
        %sub3A_1289 = arith.subi %select_n3A_742, %sub3A_1288 : vector<16xi32>
        %max3A_1290 = arith.constant 0 : i32
        %max3A_1291 = vector.broadcast %max3A_1290 : i32 to vector<16xi32>
        %max3A_1292 = arith.maxsi %sub3A_1289, %max3A_1291 : vector<16xi32>
        %min3A_1293 = arith.constant 127 : i32
        %min3A_1294 = vector.broadcast %min3A_1293 : i32 to vector<16xi32>
        %min3A_1295 = arith.minsi %max3A_1292, %min3A_1294 : vector<16xi32>
        %gather3A_1296 = tpu.vector_load_idx %arg15[%min3A_1286] : memref<128xi32, #tpu.memory_space<vmem>>[vector<16xi32>], vector<16xi32>,
        %and3A_1297 = arith.constant 1 : i32
        %and3A_1298 = vector.broadcast %and3A_1297 : i32 to vector<16xi32>
        %and3A_1299 = arith.andi %gather3A_1296, %and3A_1298 : vector<16xi32>
        %mul3A_1300 = arith.constant 64 : i32
        %mul3A_1301 = vector.broadcast %mul3A_1300 : i32 to vector<16xi32>
        %mul3A_1302 = arith.muli %and3A_1299, %mul3A_1301 : vector<16xi32>
        %gather3A_1303 = tpu.vector_load_idx %arg16[%min3A_1295] : memref<128xi32, #tpu.memory_space<vmem>>[vector<16xi32>], vector<16xi32>,
        %and3A_1304 = arith.constant 1 : i32
        %and3A_1305 = vector.broadcast %and3A_1304 : i32 to vector<16xi32>
        %and3A_1306 = arith.andi %gather3A_1303, %and3A_1305 : vector<16xi32>
        %mul3A_1307 = arith.constant 64 : i32
        %mul3A_1308 = vector.broadcast %mul3A_1307 : i32 to vector<16xi32>
        %mul3A_1309 = arith.muli %and3A_1306, %mul3A_1308 : vector<16xi32>
        %select_n3A_1310 = arith.select %lt3A_1283, %mul3A_1302, %mul3A_1309 : vector<16xi1>, vector<16xi32>
        %scan3A_1311 = arith.constant 0 : i32
        %scan3A_1312 = arith.constant 0 : i32
        %scan3A_1313 = arith.constant 64 : i32
        %scan3A_1314 = arith.addi %scan3A_1312, %scan3A_1313 : i32
        %scan3A_1315 = arith.constant 1 : i32
        %scan3A_1316 = scf.for %scan3A_1319 = %scan3A_1312 to %scan3A_1314 step %scan3A_1315 iter_args(%scan3A_1320 = %scan3A_1311) -> (i32)  : i32 {
          %broadcast_in_dim3A_1321 = vector.broadcast %scan3A_1319 : i32 to vector<16xi32>
          %broadcast_in_dim3A_1322 = arith.constant 0.000000e+00 : f32
          %broadcast_in_dim3A_1323 = vector.broadcast %broadcast_in_dim3A_1322 : f32 to vector<16xf32>
          %iota3A_1324 = tpu.iota {dimensions = array<i32: 0>} : vector<16xi32>
          %mul3A_1325 = arith.constant 10 : i32
          %mul3A_1326 = vector.broadcast %mul3A_1325 : i32 to vector<16xi32>
          %mul3A_1327 = arith.muli %iota3A_1324, %mul3A_1326 : vector<16xi32>
          %add3A_1328 = arith.constant 0 : i32
          %add3A_1329 = vector.broadcast %add3A_1328 : i32 to vector<16xi32>
          %add3A_1330 = arith.addi %mul3A_1327, %add3A_1329 : vector<16xi32>
          %add3A_1331 = arith.addi %broadcast_in_dim3A_1321, %gather3A_1208 : vector<16xi32>
          %gather3A_1332 = tpu.vector_load_idx %arg32[%add3A_1330, %add3A_1331] : memref<160x128xf32, #tpu.memory_space<vmem>>[vector<16xi32>, vector<16xi32>], vector<16xf32>,
          %mul3A_1333 = arith.mulf %gather3A_1128, %gather3A_1332 : vector<16xf32>
          %add3A_1334 = arith.addf %broadcast_in_dim3A_1323, %mul3A_1333 : vector<16xf32>
          %iota3A_1335 = tpu.iota {dimensions = array<i32: 0>} : vector<16xi32>
          %mul3A_1336 = arith.constant 10 : i32
          %mul3A_1337 = vector.broadcast %mul3A_1336 : i32 to vector<16xi32>
          %mul3A_1338 = arith.muli %iota3A_1335, %mul3A_1337 : vector<16xi32>
          %add3A_1339 = arith.constant 1 : i32
          %add3A_1340 = vector.broadcast %add3A_1339 : i32 to vector<16xi32>
          %add3A_1341 = arith.addi %mul3A_1338, %add3A_1340 : vector<16xi32>
          %add3A_1342 = arith.addi %broadcast_in_dim3A_1321, %gather3A_1216 : vector<16xi32>
          %gather3A_1343 = tpu.vector_load_idx %arg32[%add3A_1341, %add3A_1342] : memref<160x128xf32, #tpu.memory_space<vmem>>[vector<16xi32>, vector<16xi32>], vector<16xf32>,
          %mul3A_1344 = arith.mulf %gather3A_1136, %gather3A_1343 : vector<16xf32>
          %add3A_1345 = arith.addf %add3A_1334, %mul3A_1344 : vector<16xf32>
          %iota3A_1346 = tpu.iota {dimensions = array<i32: 0>} : vector<16xi32>
          %mul3A_1347 = arith.constant 10 : i32
          %mul3A_1348 = vector.broadcast %mul3A_1347 : i32 to vector<16xi32>
          %mul3A_1349 = arith.muli %iota3A_1346, %mul3A_1348 : vector<16xi32>
          %add3A_1350 = arith.constant 2 : i32
          %add3A_1351 = vector.broadcast %add3A_1350 : i32 to vector<16xi32>
          %add3A_1352 = arith.addi %mul3A_1349, %add3A_1351 : vector<16xi32>
          %add3A_1353 = arith.addi %broadcast_in_dim3A_1321, %gather3A_1224 : vector<16xi32>
          %gather3A_1354 = tpu.vector_load_idx %arg32[%add3A_1352, %add3A_1353] : memref<160x128xf32, #tpu.memory_space<vmem>>[vector<16xi32>, vector<16xi32>], vector<16xf32>,
          %mul3A_1355 = arith.mulf %gather3A_1144, %gather3A_1354 : vector<16xf32>
          %add3A_1356 = arith.addf %add3A_1345, %mul3A_1355 : vector<16xf32>
          %iota3A_1357 = tpu.iota {dimensions = array<i32: 0>} : vector<16xi32>
          %mul3A_1358 = arith.constant 10 : i32
          %mul3A_1359 = vector.broadcast %mul3A_1358 : i32 to vector<16xi32>
          %mul3A_1360 = arith.muli %iota3A_1357, %mul3A_1359 : vector<16xi32>
          %add3A_1361 = arith.constant 3 : i32
          %add3A_1362 = vector.broadcast %add3A_1361 : i32 to vector<16xi32>
          %add3A_1363 = arith.addi %mul3A_1360, %add3A_1362 : vector<16xi32>
          %add3A_1364 = arith.addi %broadcast_in_dim3A_1321, %gather3A_1232 : vector<16xi32>
          %gather3A_1365 = tpu.vector_load_idx %arg32[%add3A_1363, %add3A_1364] : memref<160x128xf32, #tpu.memory_space<vmem>>[vector<16xi32>, vector<16xi32>], vector<16xf32>,
          %mul3A_1366 = arith.mulf %gather3A_1152, %gather3A_1365 : vector<16xf32>
          %add3A_1367 = arith.addf %add3A_1356, %mul3A_1366 : vector<16xf32>
          %iota3A_1368 = tpu.iota {dimensions = array<i32: 0>} : vector<16xi32>
          %mul3A_1369 = arith.constant 10 : i32
          %mul3A_1370 = vector.broadcast %mul3A_1369 : i32 to vector<16xi32>
          %mul3A_1371 = arith.muli %iota3A_1368, %mul3A_1370 : vector<16xi32>
          %add3A_1372 = arith.constant 4 : i32
          %add3A_1373 = vector.broadcast %add3A_1372 : i32 to vector<16xi32>
          %add3A_1374 = arith.addi %mul3A_1371, %add3A_1373 : vector<16xi32>
          %add3A_1375 = arith.addi %broadcast_in_dim3A_1321, %gather3A_1240 : vector<16xi32>
          %gather3A_1376 = tpu.vector_load_idx %arg32[%add3A_1374, %add3A_1375] : memref<160x128xf32, #tpu.memory_space<vmem>>[vector<16xi32>, vector<16xi32>], vector<16xf32>,
          %mul3A_1377 = arith.mulf %gather3A_1160, %gather3A_1376 : vector<16xf32>
          %add3A_1378 = arith.addf %add3A_1367, %mul3A_1377 : vector<16xf32>
          %iota3A_1379 = tpu.iota {dimensions = array<i32: 0>} : vector<16xi32>
          %mul3A_1380 = arith.constant 10 : i32
          %mul3A_1381 = vector.broadcast %mul3A_1380 : i32 to vector<16xi32>
          %mul3A_1382 = arith.muli %iota3A_1379, %mul3A_1381 : vector<16xi32>
          %add3A_1383 = arith.constant 5 : i32
          %add3A_1384 = vector.broadcast %add3A_1383 : i32 to vector<16xi32>
          %add3A_1385 = arith.addi %mul3A_1382, %add3A_1384 : vector<16xi32>
          %add3A_1386 = arith.addi %broadcast_in_dim3A_1321, %gather3A_1248 : vector<16xi32>
          %gather3A_1387 = tpu.vector_load_idx %arg32[%add3A_1385, %add3A_1386] : memref<160x128xf32, #tpu.memory_space<vmem>>[vector<16xi32>, vector<16xi32>], vector<16xf32>,
          %mul3A_1388 = arith.mulf %gather3A_1168, %gather3A_1387 : vector<16xf32>
          %add3A_1389 = arith.addf %add3A_1378, %mul3A_1388 : vector<16xf32>
          %iota3A_1390 = tpu.iota {dimensions = array<i32: 0>} : vector<16xi32>
          %mul3A_1391 = arith.constant 10 : i32
          %mul3A_1392 = vector.broadcast %mul3A_1391 : i32 to vector<16xi32>
          %mul3A_1393 = arith.muli %iota3A_1390, %mul3A_1392 : vector<16xi32>
          %add3A_1394 = arith.constant 6 : i32
          %add3A_1395 = vector.broadcast %add3A_1394 : i32 to vector<16xi32>
          %add3A_1396 = arith.addi %mul3A_1393, %add3A_1395 : vector<16xi32>
          %add3A_1397 = arith.addi %broadcast_in_dim3A_1321, %gather3A_1256 : vector<16xi32>
          %gather3A_1398 = tpu.vector_load_idx %arg32[%add3A_1396, %add3A_1397] : memref<160x128xf32, #tpu.memory_space<vmem>>[vector<16xi32>, vector<16xi32>], vector<16xf32>,
          %mul3A_1399 = arith.mulf %gather3A_1176, %gather3A_1398 : vector<16xf32>
          %add3A_1400 = arith.addf %add3A_1389, %mul3A_1399 : vector<16xf32>
          %iota3A_1401 = tpu.iota {dimensions = array<i32: 0>} : vector<16xi32>
          %mul3A_1402 = arith.constant 10 : i32
          %mul3A_1403 = vector.broadcast %mul3A_1402 : i32 to vector<16xi32>
          %mul3A_1404 = arith.muli %iota3A_1401, %mul3A_1403 : vector<16xi32>
          %add3A_1405 = arith.constant 7 : i32
          %add3A_1406 = vector.broadcast %add3A_1405 : i32 to vector<16xi32>
          %add3A_1407 = arith.addi %mul3A_1404, %add3A_1406 : vector<16xi32>
          %add3A_1408 = arith.addi %broadcast_in_dim3A_1321, %gather3A_1264 : vector<16xi32>
          %gather3A_1409 = tpu.vector_load_idx %arg32[%add3A_1407, %add3A_1408] : memref<160x128xf32, #tpu.memory_space<vmem>>[vector<16xi32>, vector<16xi32>], vector<16xf32>,
          %mul3A_1410 = arith.mulf %gather3A_1184, %gather3A_1409 : vector<16xf32>
          %add3A_1411 = arith.addf %add3A_1400, %mul3A_1410 : vector<16xf32>
          %iota3A_1412 = tpu.iota {dimensions = array<i32: 0>} : vector<16xi32>
          %mul3A_1413 = arith.constant 10 : i32
          %mul3A_1414 = vector.broadcast %mul3A_1413 : i32 to vector<16xi32>
          %mul3A_1415 = arith.muli %iota3A_1412, %mul3A_1414 : vector<16xi32>
          %add3A_1416 = arith.constant 8 : i32
          %add3A_1417 = vector.broadcast %add3A_1416 : i32 to vector<16xi32>
          %add3A_1418 = arith.addi %mul3A_1415, %add3A_1417 : vector<16xi32>
          %add3A_1419 = arith.addi %broadcast_in_dim3A_1321, %gather3A_1272 : vector<16xi32>
          %gather3A_1420 = tpu.vector_load_idx %arg32[%add3A_1418, %add3A_1419] : memref<160x128xf32, #tpu.memory_space<vmem>>[vector<16xi32>, vector<16xi32>], vector<16xf32>,
          %mul3A_1421 = arith.mulf %gather3A_1192, %gather3A_1420 : vector<16xf32>
          %add3A_1422 = arith.addf %add3A_1411, %mul3A_1421 : vector<16xf32>
          %iota3A_1423 = tpu.iota {dimensions = array<i32: 0>} : vector<16xi32>
          %mul3A_1424 = arith.constant 10 : i32
          %mul3A_1425 = vector.broadcast %mul3A_1424 : i32 to vector<16xi32>
          %mul3A_1426 = arith.muli %iota3A_1423, %mul3A_1425 : vector<16xi32>
          %add3A_1427 = arith.constant 9 : i32
          %add3A_1428 = vector.broadcast %add3A_1427 : i32 to vector<16xi32>
          %add3A_1429 = arith.addi %mul3A_1426, %add3A_1428 : vector<16xi32>
          %add3A_1430 = arith.addi %broadcast_in_dim3A_1321, %gather3A_1280 : vector<16xi32>
          %gather3A_1431 = tpu.vector_load_idx %arg32[%add3A_1429, %add3A_1430] : memref<160x128xf32, #tpu.memory_space<vmem>>[vector<16xi32>, vector<16xi32>], vector<16xf32>,
          %mul3A_1432 = arith.mulf %gather3A_1200, %gather3A_1431 : vector<16xf32>
          %add3A_1433 = arith.addf %add3A_1422, %mul3A_1432 : vector<16xf32>
          %add3A_1434 = arith.addi %broadcast_in_dim3A_1321, %select_n3A_1310 : vector<16xi32>
          %gather3A_1435 = tpu.vector_load_idx %arg33[%min3A_1286, %add3A_1434] : memref<128x128xf32, #tpu.memory_space<vmem>>[vector<16xi32>, vector<16xi32>], vector<16xf32>,
          %gather3A_1436 = tpu.vector_load_idx %arg34[%min3A_1295, %add3A_1434] : memref<128x128xf32, #tpu.memory_space<vmem>>[vector<16xi32>, vector<16xi32>], vector<16xf32>,
          %select_n3A_1437 = arith.select %lt3A_1283, %gather3A_1435, %gather3A_1436 : vector<16xi1>, vector<16xf32>
          %mul3A_1438 = arith.mulf %add3A_1104, %add3A_1433 : vector<16xf32>
          %sub3A_1439 = arith.constant 1.000000e+00 : f32
          %sub3A_1440 = vector.broadcast %sub3A_1439 : f32 to vector<16xf32>
          %sub3A_1441 = arith.subf %sub3A_1440, %add3A_1104 : vector<16xf32>
          %mul3A_1442 = arith.mulf %sub3A_1441, %select_n3A_1437 : vector<16xf32>
          %add3A_1443 = arith.addf %mul3A_1438, %mul3A_1442 : vector<16xf32>
          %and3A_1444 = arith.andi %lt3A_1283, %lt3A_733 : vector<16xi1>
          tpu.vector_store_idx %arg33[%min3A_1286, %add3A_1434], %add3A_1443 masked %and3A_1444 : memref<128x128xf32, #tpu.memory_space<vmem>>[vector<16xi32>, vector<16xi32>], vector<16xf32>, vector<16xi1>
          %not3A = arith.constant dense<true> : vector<16xi1>
          %not3A_1445 = arith.xori %lt3A_1283, %not3A : vector<16xi1>
          %and3A_1446 = arith.andi %not3A_1445, %lt3A_733 : vector<16xi1>
          tpu.vector_store_idx %arg34[%min3A_1295, %add3A_1434], %add3A_1443 masked %and3A_1446 : memref<128x128xf32, #tpu.memory_space<vmem>>[vector<16xi32>, vector<16xi32>], vector<16xf32>, vector<16xi1>
          %scan3A_1447 = arith.constant 0 : i32
          scf.yield %scan3A_1447 : i32
        }
        %scan3A_1317 = arith.constant 64 : i32
        %while3A_1318 = arith.constant 0 : i32
        scf.yield %while3A_1318 : i32
      }
      %while3A_287 = arith.constant 1 : i32
      %while3A_288 = scf.for %while3A_726 = %while3A_284 to %while3A_280 step %while3A_287 iter_args(%while3A_727 = %while3A_286) -> (i32)  : i32 {
        %mul3A_728 = arith.constant 16 : i32
        %mul3A_729 = arith.muli %while3A_726, %mul3A_728 : i32
        %iota3A_730 = tpu.iota {dimensions = array<i32: 0>} : vector<16xi32>
        %add3A_731 = vector.broadcast %mul3A_729 : i32 to vector<16xi32>
        %add3A_732 = arith.addi %add3A_731, %iota3A_730 : vector<16xi32>
        %lt3A = vector.broadcast %scan3A_256 : i32 to vector<16xi32>
        %lt3A_733 = arith.cmpi slt, %add3A_732, %lt3A : vector<16xi32>
        %min3A_734 = arith.constant 255 : i32
        %min3A_735 = vector.broadcast %min3A_734 : i32 to vector<16xi32>
        %min3A_736 = arith.minsi %add3A_732, %min3A_735 : vector<16xi32>
        %gather3A = tpu.vector_load_idx %arg24[%min3A_736] masked %lt3A_733 : memref<256xi32, #tpu.memory_space<vmem>>[vector<16xi32>], vector<16xi32>, vector<16xi1>
        %iota3A_737 = tpu.iota {dimensions = array<i32: 0>} : vector<16xi32>
        %select_n3A_738 = arith.select %lt3A_733, %gather3A, %iota3A_737 : vector<16xi1>, vector<16xi32>
        %gather3A_739 = tpu.vector_load_idx %arg25[%min3A_736] masked %lt3A_733 : memref<256xi32, #tpu.memory_space<vmem>>[vector<16xi32>], vector<16xi32>, vector<16xi1>
        %jit3A_740 = arith.constant 0 : i32
        %broadcast_in_dim3A_741 = vector.broadcast %jit3A_740 : i32 to vector<16xi32>
        %select_n3A_742 = arith.select %lt3A_733, %gather3A_739, %broadcast_in_dim3A_741 : vector<16xi1>, vector<16xi32>
        %swap3A_743 = arith.constant 0 : index
        %swap3A_744 = tpu.vector_load %arg26[%swap3A_743] {strides = array<i32>} : memref<16xi32, #tpu.memory_space<vmem>>, vector<16xi32>,
        tpu.vector_store %arg26[%swap3A_743], %select_n3A_738 {strides = array<i32>} : memref<16xi32, #tpu.memory_space<vmem>>, vector<16xi32>,
        %iota3A_745 = tpu.iota {dimensions = array<i32: 0>} : vector<16xi32>
        %mul3A_746 = arith.constant 10 : i32
        %mul3A_747 = vector.broadcast %mul3A_746 : i32 to vector<16xi32>
        %mul3A_748 = arith.muli %iota3A_745, %mul3A_747 : vector<16xi32>
        %add3A_749 = arith.constant 0 : i32
        %add3A_750 = vector.broadcast %add3A_749 : i32 to vector<16xi32>
        %add3A_751 = arith.addi %mul3A_748, %add3A_750 : vector<16xi32>
        %mul3A_752 = arith.constant 10 : i32
        %mul3A_753 = vector.broadcast %mul3A_752 : i32 to vector<16xi32>
        %mul3A_754 = arith.muli %select_n3A_738, %mul3A_753 : vector<16xi32>
        %add3A_755 = arith.constant 0 : i32
        %add3A_756 = vector.broadcast %add3A_755 : i32 to vector<16xi32>
        %add3A_757 = arith.addi %mul3A_754, %add3A_756 : vector<16xi32>
        tpu.vector_store_idx %arg27[%add3A_751], %add3A_757 : memref<160xi32, #tpu.memory_space<vmem>>[vector<16xi32>], vector<16xi32>,
        %iota3A_758 = tpu.iota {dimensions = array<i32: 0>} : vector<16xi32>
        %mul3A_759 = arith.constant 10 : i32
        %mul3A_760 = vector.broadcast %mul3A_759 : i32 to vector<16xi32>
        %mul3A_761 = arith.muli %iota3A_758, %mul3A_760 : vector<16xi32>
        %add3A_762 = arith.constant 1 : i32
        %add3A_763 = vector.broadcast %add3A_762 : i32 to vector<16xi32>
        %add3A_764 = arith.addi %mul3A_761, %add3A_763 : vector<16xi32>
        %mul3A_765 = arith.constant 10 : i32
        %mul3A_766 = vector.broadcast %mul3A_765 : i32 to vector<16xi32>
        %mul3A_767 = arith.muli %select_n3A_738, %mul3A_766 : vector<16xi32>
        %add3A_768 = arith.constant 1 : i32
        %add3A_769 = vector.broadcast %add3A_768 : i32 to vector<16xi32>
        %add3A_770 = arith.addi %mul3A_767, %add3A_769 : vector<16xi32>
        tpu.vector_store_idx %arg27[%add3A_764], %add3A_770 : memref<160xi32, #tpu.memory_space<vmem>>[vector<16xi32>], vector<16xi32>,
        %iota3A_771 = tpu.iota {dimensions = array<i32: 0>} : vector<16xi32>
        %mul3A_772 = arith.constant 10 : i32
        %mul3A_773 = vector.broadcast %mul3A_772 : i32 to vector<16xi32>
        %mul3A_774 = arith.muli %iota3A_771, %mul3A_773 : vector<16xi32>
        %add3A_775 = arith.constant 2 : i32
        %add3A_776 = vector.broadcast %add3A_775 : i32 to vector<16xi32>
        %add3A_777 = arith.addi %mul3A_774, %add3A_776 : vector<16xi32>
        %mul3A_778 = arith.constant 10 : i32
        %mul3A_779 = vector.broadcast %mul3A_778 : i32 to vector<16xi32>
        %mul3A_780 = arith.muli %select_n3A_738, %mul3A_779 : vector<16xi32>
        %add3A_781 = arith.constant 2 : i32
        %add3A_782 = vector.broadcast %add3A_781 : i32 to vector<16xi32>
        %add3A_783 = arith.addi %mul3A_780, %add3A_782 : vector<16xi32>
        tpu.vector_store_idx %arg27[%add3A_777], %add3A_783 : memref<160xi32, #tpu.memory_space<vmem>>[vector<16xi32>], vector<16xi32>,
        %iota3A_784 = tpu.iota {dimensions = array<i32: 0>} : vector<16xi32>
        %mul3A_785 = arith.constant 10 : i32
        %mul3A_786 = vector.broadcast %mul3A_785 : i32 to vector<16xi32>
        %mul3A_787 = arith.muli %iota3A_784, %mul3A_786 : vector<16xi32>
        %add3A_788 = arith.constant 3 : i32
        %add3A_789 = vector.broadcast %add3A_788 : i32 to vector<16xi32>
        %add3A_790 = arith.addi %mul3A_787, %add3A_789 : vector<16xi32>
        %mul3A_791 = arith.constant 10 : i32
        %mul3A_792 = vector.broadcast %mul3A_791 : i32 to vector<16xi32>
        %mul3A_793 = arith.muli %select_n3A_738, %mul3A_792 : vector<16xi32>
        %add3A_794 = arith.constant 3 : i32
        %add3A_795 = vector.broadcast %add3A_794 : i32 to vector<16xi32>
        %add3A_796 = arith.addi %mul3A_793, %add3A_795 : vector<16xi32>
        tpu.vector_store_idx %arg27[%add3A_790], %add3A_796 : memref<160xi32, #tpu.memory_space<vmem>>[vector<16xi32>], vector<16xi32>,
        %iota3A_797 = tpu.iota {dimensions = array<i32: 0>} : vector<16xi32>
        %mul3A_798 = arith.constant 10 : i32
        %mul3A_799 = vector.broadcast %mul3A_798 : i32 to vector<16xi32>
        %mul3A_800 = arith.muli %iota3A_797, %mul3A_799 : vector<16xi32>
        %add3A_801 = arith.constant 4 : i32
        %add3A_802 = vector.broadcast %add3A_801 : i32 to vector<16xi32>
        %add3A_803 = arith.addi %mul3A_800, %add3A_802 : vector<16xi32>
        %mul3A_804 = arith.constant 10 : i32
        %mul3A_805 = vector.broadcast %mul3A_804 : i32 to vector<16xi32>
        %mul3A_806 = arith.muli %select_n3A_738, %mul3A_805 : vector<16xi32>
        %add3A_807 = arith.constant 4 : i32
        %add3A_808 = vector.broadcast %add3A_807 : i32 to vector<16xi32>
        %add3A_809 = arith.addi %mul3A_806, %add3A_808 : vector<16xi32>
        tpu.vector_store_idx %arg27[%add3A_803], %add3A_809 : memref<160xi32, #tpu.memory_space<vmem>>[vector<16xi32>], vector<16xi32>,
        %iota3A_810 = tpu.iota {dimensions = array<i32: 0>} : vector<16xi32>
        %mul3A_811 = arith.constant 10 : i32
        %mul3A_812 = vector.broadcast %mul3A_811 : i32 to vector<16xi32>
        %mul3A_813 = arith.muli %iota3A_810, %mul3A_812 : vector<16xi32>
        %add3A_814 = arith.constant 5 : i32
        %add3A_815 = vector.broadcast %add3A_814 : i32 to vector<16xi32>
        %add3A_816 = arith.addi %mul3A_813, %add3A_815 : vector<16xi32>
        %mul3A_817 = arith.constant 10 : i32
        %mul3A_818 = vector.broadcast %mul3A_817 : i32 to vector<16xi32>
        %mul3A_819 = arith.muli %select_n3A_738, %mul3A_818 : vector<16xi32>
        %add3A_820 = arith.constant 5 : i32
        %add3A_821 = vector.broadcast %add3A_820 : i32 to vector<16xi32>
        %add3A_822 = arith.addi %mul3A_819, %add3A_821 : vector<16xi32>
        tpu.vector_store_idx %arg27[%add3A_816], %add3A_822 : memref<160xi32, #tpu.memory_space<vmem>>[vector<16xi32>], vector<16xi32>,
        %iota3A_823 = tpu.iota {dimensions = array<i32: 0>} : vector<16xi32>
        %mul3A_824 = arith.constant 10 : i32
        %mul3A_825 = vector.broadcast %mul3A_824 : i32 to vector<16xi32>
        %mul3A_826 = arith.muli %iota3A_823, %mul3A_825 : vector<16xi32>
        %add3A_827 = arith.constant 6 : i32
        %add3A_828 = vector.broadcast %add3A_827 : i32 to vector<16xi32>
        %add3A_829 = arith.addi %mul3A_826, %add3A_828 : vector<16xi32>
        %mul3A_830 = arith.constant 10 : i32
        %mul3A_831 = vector.broadcast %mul3A_830 : i32 to vector<16xi32>
        %mul3A_832 = arith.muli %select_n3A_738, %mul3A_831 : vector<16xi32>
        %add3A_833 = arith.constant 6 : i32
        %add3A_834 = vector.broadcast %add3A_833 : i32 to vector<16xi32>
        %add3A_835 = arith.addi %mul3A_832, %add3A_834 : vector<16xi32>
        tpu.vector_store_idx %arg27[%add3A_829], %add3A_835 : memref<160xi32, #tpu.memory_space<vmem>>[vector<16xi32>], vector<16xi32>,
        %iota3A_836 = tpu.iota {dimensions = array<i32: 0>} : vector<16xi32>
        %mul3A_837 = arith.constant 10 : i32
        %mul3A_838 = vector.broadcast %mul3A_837 : i32 to vector<16xi32>
        %mul3A_839 = arith.muli %iota3A_836, %mul3A_838 : vector<16xi32>
        %add3A_840 = arith.constant 7 : i32
        %add3A_841 = vector.broadcast %add3A_840 : i32 to vector<16xi32>
        %add3A_842 = arith.addi %mul3A_839, %add3A_841 : vector<16xi32>
        %mul3A_843 = arith.constant 10 : i32
        %mul3A_844 = vector.broadcast %mul3A_843 : i32 to vector<16xi32>
        %mul3A_845 = arith.muli %select_n3A_738, %mul3A_844 : vector<16xi32>
        %add3A_846 = arith.constant 7 : i32
        %add3A_847 = vector.broadcast %add3A_846 : i32 to vector<16xi32>
        %add3A_848 = arith.addi %mul3A_845, %add3A_847 : vector<16xi32>
        tpu.vector_store_idx %arg27[%add3A_842], %add3A_848 : memref<160xi32, #tpu.memory_space<vmem>>[vector<16xi32>], vector<16xi32>,
        %iota3A_849 = tpu.iota {dimensions = array<i32: 0>} : vector<16xi32>
        %mul3A_850 = arith.constant 10 : i32
        %mul3A_851 = vector.broadcast %mul3A_850 : i32 to vector<16xi32>
        %mul3A_852 = arith.muli %iota3A_849, %mul3A_851 : vector<16xi32>
        %add3A_853 = arith.constant 8 : i32
        %add3A_854 = vector.broadcast %add3A_853 : i32 to vector<16xi32>
        %add3A_855 = arith.addi %mul3A_852, %add3A_854 : vector<16xi32>
        %mul3A_856 = arith.constant 10 : i32
        %mul3A_857 = vector.broadcast %mul3A_856 : i32 to vector<16xi32>
        %mul3A_858 = arith.muli %select_n3A_738, %mul3A_857 : vector<16xi32>
        %add3A_859 = arith.constant 8 : i32
        %add3A_860 = vector.broadcast %add3A_859 : i32 to vector<16xi32>
        %add3A_861 = arith.addi %mul3A_858, %add3A_860 : vector<16xi32>
        tpu.vector_store_idx %arg27[%add3A_855], %add3A_861 : memref<160xi32, #tpu.memory_space<vmem>>[vector<16xi32>], vector<16xi32>,
        %iota3A_862 = tpu.iota {dimensions = array<i32: 0>} : vector<16xi32>
        %mul3A_863 = arith.constant 10 : i32
        %mul3A_864 = vector.broadcast %mul3A_863 : i32 to vector<16xi32>
        %mul3A_865 = arith.muli %iota3A_862, %mul3A_864 : vector<16xi32>
        %add3A_866 = arith.constant 9 : i32
        %add3A_867 = vector.broadcast %add3A_866 : i32 to vector<16xi32>
        %add3A_868 = arith.addi %mul3A_865, %add3A_867 : vector<16xi32>
        %mul3A_869 = arith.constant 10 : i32
        %mul3A_870 = vector.broadcast %mul3A_869 : i32 to vector<16xi32>
        %mul3A_871 = arith.muli %select_n3A_738, %mul3A_870 : vector<16xi32>
        %add3A_872 = arith.constant 9 : i32
        %add3A_873 = vector.broadcast %add3A_872 : i32 to vector<16xi32>
        %add3A_874 = arith.addi %mul3A_871, %add3A_873 : vector<16xi32>
        tpu.vector_store_idx %arg27[%add3A_868], %add3A_874 : memref<160xi32, #tpu.memory_space<vmem>>[vector<16xi32>], vector<16xi32>,
        %dma_start3A_875 = arith.constant 0 : i32
        %dma_start3A_876 = tpu.memref_slice %arg28[%dma_start3A_875] : memref<160xf32, #tpu.memory_space<vmem>> -> memref<128xf32, #tpu.memory_space<vmem>>
        %dma_start3A_877 = arith.constant 0 : i32
        %dma_start3A_878 = tpu.memref_slice %arg27[%dma_start3A_877] : memref<160xi32, #tpu.memory_space<vmem>> -> memref<128xi32, #tpu.memory_space<vmem>>
        %dma_start3A_879 = arith.constant 0 : i32
        %dma_start3A_880 = tpu.memref_slice %arg8[%dma_start3A_879] : memref<163840xf32, #tpu.memory_space<hbm>> -> memref<163840xf32, #tpu.memory_space<hbm>>
        tpu.enqueue_indirect_dma source(%dma_start3A_880 : memref<163840xf32, #tpu.memory_space<hbm>>) target(%dma_start3A_876 : memref<128xf32, #tpu.memory_space<vmem>>) offsets(%dma_start3A_878 : memref<128xi32, #tpu.memory_space<vmem>>) semaphore(%arg36 : memref<!tpu.dma_semaphore, #tpu.memory_space<semaphore_mem>>)
        %dma_start3A_881 = arith.constant 128 : i32
        %dma_start3A_882 = tpu.memref_slice %arg28[%dma_start3A_881] : memref<160xf32, #tpu.memory_space<vmem>> -> memref<32xf32, #tpu.memory_space<vmem>>
        %dma_start3A_883 = arith.constant 128 : i32
        %dma_start3A_884 = tpu.memref_slice %arg27[%dma_start3A_883] : memref<160xi32, #tpu.memory_space<vmem>> -> memref<32xi32, #tpu.memory_space<vmem>>
        %dma_start3A_885 = arith.constant 0 : i32
        %dma_start3A_886 = tpu.memref_slice %arg8[%dma_start3A_885] : memref<163840xf32, #tpu.memory_space<hbm>> -> memref<163840xf32, #tpu.memory_space<hbm>>
        tpu.enqueue_indirect_dma source(%dma_start3A_886 : memref<163840xf32, #tpu.memory_space<hbm>>) target(%dma_start3A_882 : memref<32xf32, #tpu.memory_space<vmem>>) offsets(%dma_start3A_884 : memref<32xi32, #tpu.memory_space<vmem>>) semaphore(%arg36 : memref<!tpu.dma_semaphore, #tpu.memory_space<semaphore_mem>>)
        %dma_start3A_887 = arith.constant 0 : i32
        %dma_start3A_888 = tpu.memref_slice %arg30[%dma_start3A_887] : memref<160xi32, #tpu.memory_space<vmem>> -> memref<128xi32, #tpu.memory_space<vmem>>
        %dma_start3A_889 = arith.constant 0 : i32
        %dma_start3A_890 = tpu.memref_slice %arg27[%dma_start3A_889] : memref<160xi32, #tpu.memory_space<vmem>> -> memref<128xi32, #tpu.memory_space<vmem>>
        %dma_start3A_891 = arith.constant 0 : i32
        %dma_start3A_892 = tpu.memref_slice %arg9[%dma_start3A_891] : memref<163840xi32, #tpu.memory_space<hbm>> -> memref<163840xi32, #tpu.memory_space<hbm>>
        tpu.enqueue_indirect_dma source(%dma_start3A_892 : memref<163840xi32, #tpu.memory_space<hbm>>) target(%dma_start3A_888 : memref<128xi32, #tpu.memory_space<vmem>>) offsets(%dma_start3A_890 : memref<128xi32, #tpu.memory_space<vmem>>) semaphore(%arg36 : memref<!tpu.dma_semaphore, #tpu.memory_space<semaphore_mem>>)
        %dma_start3A_893 = arith.constant 128 : i32
        %dma_start3A_894 = tpu.memref_slice %arg30[%dma_start3A_893] : memref<160xi32, #tpu.memory_space<vmem>> -> memref<32xi32, #tpu.memory_space<vmem>>
        %dma_start3A_895 = arith.constant 128 : i32
        %dma_start3A_896 = tpu.memref_slice %arg27[%dma_start3A_895] : memref<160xi32, #tpu.memory_space<vmem>> -> memref<32xi32, #tpu.memory_space<vmem>>
        %dma_start3A_897 = arith.constant 0 : i32
        %dma_start3A_898 = tpu.memref_slice %arg9[%dma_start3A_897] : memref<163840xi32, #tpu.memory_space<hbm>> -> memref<163840xi32, #tpu.memory_space<hbm>>
        tpu.enqueue_indirect_dma source(%dma_start3A_898 : memref<163840xi32, #tpu.memory_space<hbm>>) target(%dma_start3A_894 : memref<32xi32, #tpu.memory_space<vmem>>) offsets(%dma_start3A_896 : memref<32xi32, #tpu.memory_space<vmem>>) semaphore(%arg36 : memref<!tpu.dma_semaphore, #tpu.memory_space<semaphore_mem>>)
        %dma_start3A_899 = arith.constant 0 : i32
        %dma_start3A_900 = tpu.memref_slice %arg7[%dma_start3A_899] : memref<16384xi32, #tpu.memory_space<hbm>> -> memref<16384xi32, #tpu.memory_space<hbm>>
        tpu.enqueue_indirect_dma source(%dma_start3A_900 : memref<16384xi32, #tpu.memory_space<hbm>>) target(%arg29 : memref<16xi32, #tpu.memory_space<vmem>>) offsets(%arg26 : memref<16xi32, #tpu.memory_space<vmem>>) semaphore(%arg36 : memref<!tpu.dma_semaphore, #tpu.memory_space<semaphore_mem>>)
        %dma_wait3A_901 = arith.constant 0 : i32
        %dma_wait3A_902 = tpu.memref_slice %arg28[%dma_wait3A_901] : memref<160xf32, #tpu.memory_space<vmem>> -> memref<128xf32, #tpu.memory_space<vmem>>
        %dma_wait3A_903 = arith.constant 0 : i32
        %dma_wait3A_904 = tpu.memref_slice %arg27[%dma_wait3A_903] : memref<160xi32, #tpu.memory_space<vmem>> -> memref<128xi32, #tpu.memory_space<vmem>>
        %dma_wait3A_905 = arith.constant 0 : i32
        %dma_wait3A_906 = tpu.memref_slice %arg8[%dma_wait3A_905] : memref<163840xf32, #tpu.memory_space<hbm>> -> memref<163840xf32, #tpu.memory_space<hbm>>
        tpu.wait_indirect_dma semaphore(%arg36 : memref<!tpu.dma_semaphore, #tpu.memory_space<semaphore_mem>>) src(%dma_wait3A_906 : memref<163840xf32, #tpu.memory_space<hbm>>) dst(%dma_wait3A_902 : memref<128xf32, #tpu.memory_space<vmem>>)
        %dma_wait3A_907 = arith.constant 128 : i32
        %dma_wait3A_908 = tpu.memref_slice %arg28[%dma_wait3A_907] : memref<160xf32, #tpu.memory_space<vmem>> -> memref<32xf32, #tpu.memory_space<vmem>>
        %dma_wait3A_909 = arith.constant 128 : i32
        %dma_wait3A_910 = tpu.memref_slice %arg27[%dma_wait3A_909] : memref<160xi32, #tpu.memory_space<vmem>> -> memref<32xi32, #tpu.memory_space<vmem>>
        %dma_wait3A_911 = arith.constant 0 : i32
        %dma_wait3A_912 = tpu.memref_slice %arg8[%dma_wait3A_911] : memref<163840xf32, #tpu.memory_space<hbm>> -> memref<163840xf32, #tpu.memory_space<hbm>>
        tpu.wait_indirect_dma semaphore(%arg36 : memref<!tpu.dma_semaphore, #tpu.memory_space<semaphore_mem>>) src(%dma_wait3A_912 : memref<163840xf32, #tpu.memory_space<hbm>>) dst(%dma_wait3A_908 : memref<32xf32, #tpu.memory_space<vmem>>)
        %dma_wait3A_913 = arith.constant 0 : i32
        %dma_wait3A_914 = tpu.memref_slice %arg30[%dma_wait3A_913] : memref<160xi32, #tpu.memory_space<vmem>> -> memref<128xi32, #tpu.memory_space<vmem>>
        %dma_wait3A_915 = arith.constant 0 : i32
        %dma_wait3A_916 = tpu.memref_slice %arg27[%dma_wait3A_915] : memref<160xi32, #tpu.memory_space<vmem>> -> memref<128xi32, #tpu.memory_space<vmem>>
        %dma_wait3A_917 = arith.constant 0 : i32
        %dma_wait3A_918 = tpu.memref_slice %arg9[%dma_wait3A_917] : memref<163840xi32, #tpu.memory_space<hbm>> -> memref<163840xi32, #tpu.memory_space<hbm>>
        tpu.wait_indirect_dma semaphore(%arg36 : memref<!tpu.dma_semaphore, #tpu.memory_space<semaphore_mem>>) src(%dma_wait3A_918 : memref<163840xi32, #tpu.memory_space<hbm>>) dst(%dma_wait3A_914 : memref<128xi32, #tpu.memory_space<vmem>>)
        %dma_wait3A_919 = arith.constant 128 : i32
        %dma_wait3A_920 = tpu.memref_slice %arg30[%dma_wait3A_919] : memref<160xi32, #tpu.memory_space<vmem>> -> memref<32xi32, #tpu.memory_space<vmem>>
        %dma_wait3A_921 = arith.constant 128 : i32
        %dma_wait3A_922 = tpu.memref_slice %arg27[%dma_wait3A_921] : memref<160xi32, #tpu.memory_space<vmem>> -> memref<32xi32, #tpu.memory_space<vmem>>
        %dma_wait3A_923 = arith.constant 0 : i32
        %dma_wait3A_924 = tpu.memref_slice %arg9[%dma_wait3A_923] : memref<163840xi32, #tpu.memory_space<hbm>> -> memref<163840xi32, #tpu.memory_space<hbm>>
        tpu.wait_indirect_dma semaphore(%arg36 : memref<!tpu.dma_semaphore, #tpu.memory_space<semaphore_mem>>) src(%dma_wait3A_924 : memref<163840xi32, #tpu.memory_space<hbm>>) dst(%dma_wait3A_920 : memref<32xi32, #tpu.memory_space<vmem>>)
        %dma_wait3A_925 = arith.constant 0 : i32
        %dma_wait3A_926 = tpu.memref_slice %arg7[%dma_wait3A_925] : memref<16384xi32, #tpu.memory_space<hbm>> -> memref<16384xi32, #tpu.memory_space<hbm>>
        tpu.wait_indirect_dma semaphore(%arg36 : memref<!tpu.dma_semaphore, #tpu.memory_space<semaphore_mem>>) src(%dma_wait3A_926 : memref<16384xi32, #tpu.memory_space<hbm>>) dst(%arg29 : memref<16xi32, #tpu.memory_space<vmem>>)
        %get3A_927 = arith.constant 0 : index
        %get3A_928 = tpu.vector_load %arg30[%get3A_927] {strides = array<i32>} : memref<160xi32, #tpu.memory_space<vmem>>, vector<16xi32>,
        %and3A_929 = arith.constant 1 : i32
        %and3A_930 = vector.broadcast %and3A_929 : i32 to vector<16xi32>
        %and3A_931 = arith.andi %get3A_928, %and3A_930 : vector<16xi32>
        %mul3A_932 = arith.constant 64 : i32
        %mul3A_933 = vector.broadcast %mul3A_932 : i32 to vector<16xi32>
        %mul3A_934 = arith.muli %and3A_931, %mul3A_933 : vector<16xi32>
        %swap3A_935 = arith.constant 0 : index
        %swap3A_936 = tpu.vector_load %arg31[%swap3A_935] {strides = array<i32>} : memref<160xi32, #tpu.memory_space<vmem>>, vector<16xi32>,
        tpu.vector_store %arg31[%swap3A_935], %mul3A_934 {strides = array<i32>} : memref<160xi32, #tpu.memory_space<vmem>>, vector<16xi32>,
        %shift_right_arithmetic3A_937 = arith.constant 1 : i32
        %shift_right_arithmetic3A_938 = vector.broadcast %shift_right_arithmetic3A_937 : i32 to vector<16xi32>
        %shift_right_arithmetic3A_939 = arith.shrsi %get3A_928, %shift_right_arithmetic3A_938 : vector<16xi32>
        %swap3A_940 = arith.constant 0 : index
        %swap3A_941 = tpu.vector_load %arg30[%swap3A_940] {strides = array<i32>} : memref<160xi32, #tpu.memory_space<vmem>>, vector<16xi32>,
        tpu.vector_store %arg30[%swap3A_940], %shift_right_arithmetic3A_939 {strides = array<i32>} : memref<160xi32, #tpu.memory_space<vmem>>, vector<16xi32>,
        %get3A_942 = arith.constant 16 : index
        %get3A_943 = tpu.vector_load %arg30[%get3A_942] {strides = array<i32>} : memref<160xi32, #tpu.memory_space<vmem>>, vector<16xi32>,
        %and3A_944 = arith.constant 1 : i32
        %and3A_945 = vector.broadcast %and3A_944 : i32 to vector<16xi32>
        %and3A_946 = arith.andi %get3A_943, %and3A_945 : vector<16xi32>
        %mul3A_947 = arith.constant 64 : i32
        %mul3A_948 = vector.broadcast %mul3A_947 : i32 to vector<16xi32>
        %mul3A_949 = arith.muli %and3A_946, %mul3A_948 : vector<16xi32>
        %swap3A_950 = arith.constant 16 : index
        %swap3A_951 = tpu.vector_load %arg31[%swap3A_950] {strides = array<i32>} : memref<160xi32, #tpu.memory_space<vmem>>, vector<16xi32>,
        tpu.vector_store %arg31[%swap3A_950], %mul3A_949 {strides = array<i32>} : memref<160xi32, #tpu.memory_space<vmem>>, vector<16xi32>,
        %shift_right_arithmetic3A_952 = arith.constant 1 : i32
        %shift_right_arithmetic3A_953 = vector.broadcast %shift_right_arithmetic3A_952 : i32 to vector<16xi32>
        %shift_right_arithmetic3A_954 = arith.shrsi %get3A_943, %shift_right_arithmetic3A_953 : vector<16xi32>
        %swap3A_955 = arith.constant 16 : index
        %swap3A_956 = tpu.vector_load %arg30[%swap3A_955] {strides = array<i32>} : memref<160xi32, #tpu.memory_space<vmem>>, vector<16xi32>,
        tpu.vector_store %arg30[%swap3A_955], %shift_right_arithmetic3A_954 {strides = array<i32>} : memref<160xi32, #tpu.memory_space<vmem>>, vector<16xi32>,
        %get3A_957 = arith.constant 32 : index
        %get3A_958 = tpu.vector_load %arg30[%get3A_957] {strides = array<i32>} : memref<160xi32, #tpu.memory_space<vmem>>, vector<16xi32>,
        %and3A_959 = arith.constant 1 : i32
        %and3A_960 = vector.broadcast %and3A_959 : i32 to vector<16xi32>
        %and3A_961 = arith.andi %get3A_958, %and3A_960 : vector<16xi32>
        %mul3A_962 = arith.constant 64 : i32
        %mul3A_963 = vector.broadcast %mul3A_962 : i32 to vector<16xi32>
        %mul3A_964 = arith.muli %and3A_961, %mul3A_963 : vector<16xi32>
        %swap3A_965 = arith.constant 32 : index
        %swap3A_966 = tpu.vector_load %arg31[%swap3A_965] {strides = array<i32>} : memref<160xi32, #tpu.memory_space<vmem>>, vector<16xi32>,
        tpu.vector_store %arg31[%swap3A_965], %mul3A_964 {strides = array<i32>} : memref<160xi32, #tpu.memory_space<vmem>>, vector<16xi32>,
        %shift_right_arithmetic3A_967 = arith.constant 1 : i32
        %shift_right_arithmetic3A_968 = vector.broadcast %shift_right_arithmetic3A_967 : i32 to vector<16xi32>
        %shift_right_arithmetic3A_969 = arith.shrsi %get3A_958, %shift_right_arithmetic3A_968 : vector<16xi32>
        %swap3A_970 = arith.constant 32 : index
        %swap3A_971 = tpu.vector_load %arg30[%swap3A_970] {strides = array<i32>} : memref<160xi32, #tpu.memory_space<vmem>>, vector<16xi32>,
        tpu.vector_store %arg30[%swap3A_970], %shift_right_arithmetic3A_969 {strides = array<i32>} : memref<160xi32, #tpu.memory_space<vmem>>, vector<16xi32>,
        %get3A_972 = arith.constant 48 : index
        %get3A_973 = tpu.vector_load %arg30[%get3A_972] {strides = array<i32>} : memref<160xi32, #tpu.memory_space<vmem>>, vector<16xi32>,
        %and3A_974 = arith.constant 1 : i32
        %and3A_975 = vector.broadcast %and3A_974 : i32 to vector<16xi32>
        %and3A_976 = arith.andi %get3A_973, %and3A_975 : vector<16xi32>
        %mul3A_977 = arith.constant 64 : i32
        %mul3A_978 = vector.broadcast %mul3A_977 : i32 to vector<16xi32>
        %mul3A_979 = arith.muli %and3A_976, %mul3A_978 : vector<16xi32>
        %swap3A_980 = arith.constant 48 : index
        %swap3A_981 = tpu.vector_load %arg31[%swap3A_980] {strides = array<i32>} : memref<160xi32, #tpu.memory_space<vmem>>, vector<16xi32>,
        tpu.vector_store %arg31[%swap3A_980], %mul3A_979 {strides = array<i32>} : memref<160xi32, #tpu.memory_space<vmem>>, vector<16xi32>,
        %shift_right_arithmetic3A_982 = arith.constant 1 : i32
        %shift_right_arithmetic3A_983 = vector.broadcast %shift_right_arithmetic3A_982 : i32 to vector<16xi32>
        %shift_right_arithmetic3A_984 = arith.shrsi %get3A_973, %shift_right_arithmetic3A_983 : vector<16xi32>
        %swap3A_985 = arith.constant 48 : index
        %swap3A_986 = tpu.vector_load %arg30[%swap3A_985] {strides = array<i32>} : memref<160xi32, #tpu.memory_space<vmem>>, vector<16xi32>,
        tpu.vector_store %arg30[%swap3A_985], %shift_right_arithmetic3A_984 {strides = array<i32>} : memref<160xi32, #tpu.memory_space<vmem>>, vector<16xi32>,
        %get3A_987 = arith.constant 64 : index
        %get3A_988 = tpu.vector_load %arg30[%get3A_987] {strides = array<i32>} : memref<160xi32, #tpu.memory_space<vmem>>, vector<16xi32>,
        %and3A_989 = arith.constant 1 : i32
        %and3A_990 = vector.broadcast %and3A_989 : i32 to vector<16xi32>
        %and3A_991 = arith.andi %get3A_988, %and3A_990 : vector<16xi32>
        %mul3A_992 = arith.constant 64 : i32
        %mul3A_993 = vector.broadcast %mul3A_992 : i32 to vector<16xi32>
        %mul3A_994 = arith.muli %and3A_991, %mul3A_993 : vector<16xi32>
        %swap3A_995 = arith.constant 64 : index
        %swap3A_996 = tpu.vector_load %arg31[%swap3A_995] {strides = array<i32>} : memref<160xi32, #tpu.memory_space<vmem>>, vector<16xi32>,
        tpu.vector_store %arg31[%swap3A_995], %mul3A_994 {strides = array<i32>} : memref<160xi32, #tpu.memory_space<vmem>>, vector<16xi32>,
        %shift_right_arithmetic3A_997 = arith.constant 1 : i32
        %shift_right_arithmetic3A_998 = vector.broadcast %shift_right_arithmetic3A_997 : i32 to vector<16xi32>
        %shift_right_arithmetic3A_999 = arith.shrsi %get3A_988, %shift_right_arithmetic3A_998 : vector<16xi32>
        %swap3A_1000 = arith.constant 64 : index
        %swap3A_1001 = tpu.vector_load %arg30[%swap3A_1000] {strides = array<i32>} : memref<160xi32, #tpu.memory_space<vmem>>, vector<16xi32>,
        tpu.vector_store %arg30[%swap3A_1000], %shift_right_arithmetic3A_999 {strides = array<i32>} : memref<160xi32, #tpu.memory_space<vmem>>, vector<16xi32>,
        %get3A_1002 = arith.constant 80 : index
        %get3A_1003 = tpu.vector_load %arg30[%get3A_1002] {strides = array<i32>} : memref<160xi32, #tpu.memory_space<vmem>>, vector<16xi32>,
        %and3A_1004 = arith.constant 1 : i32
        %and3A_1005 = vector.broadcast %and3A_1004 : i32 to vector<16xi32>
        %and3A_1006 = arith.andi %get3A_1003, %and3A_1005 : vector<16xi32>
        %mul3A_1007 = arith.constant 64 : i32
        %mul3A_1008 = vector.broadcast %mul3A_1007 : i32 to vector<16xi32>
        %mul3A_1009 = arith.muli %and3A_1006, %mul3A_1008 : vector<16xi32>
        %swap3A_1010 = arith.constant 80 : index
        %swap3A_1011 = tpu.vector_load %arg31[%swap3A_1010] {strides = array<i32>} : memref<160xi32, #tpu.memory_space<vmem>>, vector<16xi32>,
        tpu.vector_store %arg31[%swap3A_1010], %mul3A_1009 {strides = array<i32>} : memref<160xi32, #tpu.memory_space<vmem>>, vector<16xi32>,
        %shift_right_arithmetic3A_1012 = arith.constant 1 : i32
        %shift_right_arithmetic3A_1013 = vector.broadcast %shift_right_arithmetic3A_1012 : i32 to vector<16xi32>
        %shift_right_arithmetic3A_1014 = arith.shrsi %get3A_1003, %shift_right_arithmetic3A_1013 : vector<16xi32>
        %swap3A_1015 = arith.constant 80 : index
        %swap3A_1016 = tpu.vector_load %arg30[%swap3A_1015] {strides = array<i32>} : memref<160xi32, #tpu.memory_space<vmem>>, vector<16xi32>,
        tpu.vector_store %arg30[%swap3A_1015], %shift_right_arithmetic3A_1014 {strides = array<i32>} : memref<160xi32, #tpu.memory_space<vmem>>, vector<16xi32>,
        %get3A_1017 = arith.constant 96 : index
        %get3A_1018 = tpu.vector_load %arg30[%get3A_1017] {strides = array<i32>} : memref<160xi32, #tpu.memory_space<vmem>>, vector<16xi32>,
        %and3A_1019 = arith.constant 1 : i32
        %and3A_1020 = vector.broadcast %and3A_1019 : i32 to vector<16xi32>
        %and3A_1021 = arith.andi %get3A_1018, %and3A_1020 : vector<16xi32>
        %mul3A_1022 = arith.constant 64 : i32
        %mul3A_1023 = vector.broadcast %mul3A_1022 : i32 to vector<16xi32>
        %mul3A_1024 = arith.muli %and3A_1021, %mul3A_1023 : vector<16xi32>
        %swap3A_1025 = arith.constant 96 : index
        %swap3A_1026 = tpu.vector_load %arg31[%swap3A_1025] {strides = array<i32>} : memref<160xi32, #tpu.memory_space<vmem>>, vector<16xi32>,
        tpu.vector_store %arg31[%swap3A_1025], %mul3A_1024 {strides = array<i32>} : memref<160xi32, #tpu.memory_space<vmem>>, vector<16xi32>,
        %shift_right_arithmetic3A_1027 = arith.constant 1 : i32
        %shift_right_arithmetic3A_1028 = vector.broadcast %shift_right_arithmetic3A_1027 : i32 to vector<16xi32>
        %shift_right_arithmetic3A_1029 = arith.shrsi %get3A_1018, %shift_right_arithmetic3A_1028 : vector<16xi32>
        %swap3A_1030 = arith.constant 96 : index
        %swap3A_1031 = tpu.vector_load %arg30[%swap3A_1030] {strides = array<i32>} : memref<160xi32, #tpu.memory_space<vmem>>, vector<16xi32>,
        tpu.vector_store %arg30[%swap3A_1030], %shift_right_arithmetic3A_1029 {strides = array<i32>} : memref<160xi32, #tpu.memory_space<vmem>>, vector<16xi32>,
        %get3A_1032 = arith.constant 112 : index
        %get3A_1033 = tpu.vector_load %arg30[%get3A_1032] {strides = array<i32>} : memref<160xi32, #tpu.memory_space<vmem>>, vector<16xi32>,
        %and3A_1034 = arith.constant 1 : i32
        %and3A_1035 = vector.broadcast %and3A_1034 : i32 to vector<16xi32>
        %and3A_1036 = arith.andi %get3A_1033, %and3A_1035 : vector<16xi32>
        %mul3A_1037 = arith.constant 64 : i32
        %mul3A_1038 = vector.broadcast %mul3A_1037 : i32 to vector<16xi32>
        %mul3A_1039 = arith.muli %and3A_1036, %mul3A_1038 : vector<16xi32>
        %swap3A_1040 = arith.constant 112 : index
        %swap3A_1041 = tpu.vector_load %arg31[%swap3A_1040] {strides = array<i32>} : memref<160xi32, #tpu.memory_space<vmem>>, vector<16xi32>,
        tpu.vector_store %arg31[%swap3A_1040], %mul3A_1039 {strides = array<i32>} : memref<160xi32, #tpu.memory_space<vmem>>, vector<16xi32>,
        %shift_right_arithmetic3A_1042 = arith.constant 1 : i32
        %shift_right_arithmetic3A_1043 = vector.broadcast %shift_right_arithmetic3A_1042 : i32 to vector<16xi32>
        %shift_right_arithmetic3A_1044 = arith.shrsi %get3A_1033, %shift_right_arithmetic3A_1043 : vector<16xi32>
        %swap3A_1045 = arith.constant 112 : index
        %swap3A_1046 = tpu.vector_load %arg30[%swap3A_1045] {strides = array<i32>} : memref<160xi32, #tpu.memory_space<vmem>>, vector<16xi32>,
        tpu.vector_store %arg30[%swap3A_1045], %shift_right_arithmetic3A_1044 {strides = array<i32>} : memref<160xi32, #tpu.memory_space<vmem>>, vector<16xi32>,
        %get3A_1047 = arith.constant 128 : index
        %get3A_1048 = tpu.vector_load %arg30[%get3A_1047] {strides = array<i32>} : memref<160xi32, #tpu.memory_space<vmem>>, vector<16xi32>,
        %and3A_1049 = arith.constant 1 : i32
        %and3A_1050 = vector.broadcast %and3A_1049 : i32 to vector<16xi32>
        %and3A_1051 = arith.andi %get3A_1048, %and3A_1050 : vector<16xi32>
        %mul3A_1052 = arith.constant 64 : i32
        %mul3A_1053 = vector.broadcast %mul3A_1052 : i32 to vector<16xi32>
        %mul3A_1054 = arith.muli %and3A_1051, %mul3A_1053 : vector<16xi32>
        %swap3A_1055 = arith.constant 128 : index
        %swap3A_1056 = tpu.vector_load %arg31[%swap3A_1055] {strides = array<i32>} : memref<160xi32, #tpu.memory_space<vmem>>, vector<16xi32>,
        tpu.vector_store %arg31[%swap3A_1055], %mul3A_1054 {strides = array<i32>} : memref<160xi32, #tpu.memory_space<vmem>>, vector<16xi32>,
        %shift_right_arithmetic3A_1057 = arith.constant 1 : i32
        %shift_right_arithmetic3A_1058 = vector.broadcast %shift_right_arithmetic3A_1057 : i32 to vector<16xi32>
        %shift_right_arithmetic3A_1059 = arith.shrsi %get3A_1048, %shift_right_arithmetic3A_1058 : vector<16xi32>
        %swap3A_1060 = arith.constant 128 : index
        %swap3A_1061 = tpu.vector_load %arg30[%swap3A_1060] {strides = array<i32>} : memref<160xi32, #tpu.memory_space<vmem>>, vector<16xi32>,
        tpu.vector_store %arg30[%swap3A_1060], %shift_right_arithmetic3A_1059 {strides = array<i32>} : memref<160xi32, #tpu.memory_space<vmem>>, vector<16xi32>,
        %get3A_1062 = arith.constant 144 : index
        %get3A_1063 = tpu.vector_load %arg30[%get3A_1062] {strides = array<i32>} : memref<160xi32, #tpu.memory_space<vmem>>, vector<16xi32>,
        %and3A_1064 = arith.constant 1 : i32
        %and3A_1065 = vector.broadcast %and3A_1064 : i32 to vector<16xi32>
        %and3A_1066 = arith.andi %get3A_1063, %and3A_1065 : vector<16xi32>
        %mul3A_1067 = arith.constant 64 : i32
        %mul3A_1068 = vector.broadcast %mul3A_1067 : i32 to vector<16xi32>
        %mul3A_1069 = arith.muli %and3A_1066, %mul3A_1068 : vector<16xi32>
        %swap3A_1070 = arith.constant 144 : index
        %swap3A_1071 = tpu.vector_load %arg31[%swap3A_1070] {strides = array<i32>} : memref<160xi32, #tpu.memory_space<vmem>>, vector<16xi32>,
        tpu.vector_store %arg31[%swap3A_1070], %mul3A_1069 {strides = array<i32>} : memref<160xi32, #tpu.memory_space<vmem>>, vector<16xi32>,
        %shift_right_arithmetic3A_1072 = arith.constant 1 : i32
        %shift_right_arithmetic3A_1073 = vector.broadcast %shift_right_arithmetic3A_1072 : i32 to vector<16xi32>
        %shift_right_arithmetic3A_1074 = arith.shrsi %get3A_1063, %shift_right_arithmetic3A_1073 : vector<16xi32>
        %swap3A_1075 = arith.constant 144 : index
        %swap3A_1076 = tpu.vector_load %arg30[%swap3A_1075] {strides = array<i32>} : memref<160xi32, #tpu.memory_space<vmem>>, vector<16xi32>,
        tpu.vector_store %arg30[%swap3A_1075], %shift_right_arithmetic3A_1074 {strides = array<i32>} : memref<160xi32, #tpu.memory_space<vmem>>, vector<16xi32>,
        %dma_start3A_1077 = arith.constant 0 : i32
        %dma_start3A_1078 = arith.constant 0 : i32
        %dma_start3A_1079 = tpu.memref_slice %arg32[%dma_start3A_1077, %dma_start3A_1078] : memref<160x128xf32, #tpu.memory_space<vmem>> -> memref<128x128xf32, #tpu.memory_space<vmem>>
        %dma_start3A_1080 = arith.constant 0 : i32
        %dma_start3A_1081 = tpu.memref_slice %arg30[%dma_start3A_1080] : memref<160xi32, #tpu.memory_space<vmem>> -> memref<128xi32, #tpu.memory_space<vmem>>
        %dma_start3A_1082 = arith.constant 0 : i32
        %dma_start3A_1083 = arith.constant 0 : i32
        %dma_start3A_1084 = tpu.memref_slice %arg2[%dma_start3A_1082, %dma_start3A_1083] : memref<500000x128xf32, #tpu.memory_space<hbm>> -> memref<500000x128xf32, #tpu.memory_space<hbm>>
        tpu.enqueue_indirect_dma source(%dma_start3A_1084 : memref<500000x128xf32, #tpu.memory_space<hbm>>) target(%dma_start3A_1079 : memref<128x128xf32, #tpu.memory_space<vmem>>) offsets(%dma_start3A_1081 : memref<128xi32, #tpu.memory_space<vmem>>) semaphore(%arg36 : memref<!tpu.dma_semaphore, #tpu.memory_space<semaphore_mem>>)
        %dma_start3A_1085 = arith.constant 128 : i32
        %dma_start3A_1086 = arith.constant 0 : i32
        %dma_start3A_1087 = tpu.memref_slice %arg32[%dma_start3A_1085, %dma_start3A_1086] : memref<160x128xf32, #tpu.memory_space<vmem>> -> memref<32x128xf32, #tpu.memory_space<vmem>>
        %dma_start3A_1088 = arith.constant 128 : i32
        %dma_start3A_1089 = tpu.memref_slice %arg30[%dma_start3A_1088] : memref<160xi32, #tpu.memory_space<vmem>> -> memref<32xi32, #tpu.memory_space<vmem>>
        %dma_start3A_1090 = arith.constant 0 : i32
        %dma_start3A_1091 = arith.constant 0 : i32
        %dma_start3A_1092 = tpu.memref_slice %arg2[%dma_start3A_1090, %dma_start3A_1091] : memref<500000x128xf32, #tpu.memory_space<hbm>> -> memref<500000x128xf32, #tpu.memory_space<hbm>>
        tpu.enqueue_indirect_dma source(%dma_start3A_1092 : memref<500000x128xf32, #tpu.memory_space<hbm>>) target(%dma_start3A_1087 : memref<32x128xf32, #tpu.memory_space<vmem>>) offsets(%dma_start3A_1089 : memref<32xi32, #tpu.memory_space<vmem>>) semaphore(%arg36 : memref<!tpu.dma_semaphore, #tpu.memory_space<semaphore_mem>>)
        %get3A_1093 = arith.constant 0 : index
        %get3A_1094 = tpu.vector_load %arg29[%get3A_1093] {strides = array<i32>} : memref<16xi32, #tpu.memory_space<vmem>>, vector<16xi32>,
        %convert_element_type3A = arith.sitofp %get3A_1094 : vector<16xi32> to vector<16xf32>
        %mul3A_1095 = arith.constant -0.699999988 : f32
        %mul3A_1096 = vector.broadcast %mul3A_1095 : f32 to vector<16xf32>
        %mul3A_1097 = arith.mulf %mul3A_1096, %convert_element_type3A : vector<16xf32>
        %exp3A_1098 = math.exp %mul3A_1097 : vector<16xf32>
        %mul3A_1099 = arith.constant 0.699999988 : f32
        %mul3A_1100 = vector.broadcast %mul3A_1099 : f32 to vector<16xf32>
        %mul3A_1101 = arith.mulf %mul3A_1100, %exp3A_1098 : vector<16xf32>
        %add3A_1102 = arith.constant 2.000000e-01 : f32
        %add3A_1103 = vector.broadcast %add3A_1102 : f32 to vector<16xf32>
        %add3A_1104 = arith.addf %mul3A_1101, %add3A_1103 : vector<16xf32>
        %dma_wait3A_1105 = arith.constant 0 : i32
        %dma_wait3A_1106 = arith.constant 0 : i32
        %dma_wait3A_1107 = tpu.memref_slice %arg32[%dma_wait3A_1105, %dma_wait3A_1106] : memref<160x128xf32, #tpu.memory_space<vmem>> -> memref<128x128xf32, #tpu.memory_space<vmem>>
        %dma_wait3A_1108 = arith.constant 0 : i32
        %dma_wait3A_1109 = tpu.memref_slice %arg30[%dma_wait3A_1108] : memref<160xi32, #tpu.memory_space<vmem>> -> memref<128xi32, #tpu.memory_space<vmem>>
        %dma_wait3A_1110 = arith.constant 0 : i32
        %dma_wait3A_1111 = arith.constant 0 : i32
        %dma_wait3A_1112 = tpu.memref_slice %arg2[%dma_wait3A_1110, %dma_wait3A_1111] : memref<500000x128xf32, #tpu.memory_space<hbm>> -> memref<500000x128xf32, #tpu.memory_space<hbm>>
        tpu.wait_indirect_dma semaphore(%arg36 : memref<!tpu.dma_semaphore, #tpu.memory_space<semaphore_mem>>) src(%dma_wait3A_1112 : memref<500000x128xf32, #tpu.memory_space<hbm>>) dst(%dma_wait3A_1107 : memref<128x128xf32, #tpu.memory_space<vmem>>)
        %dma_wait3A_1113 = arith.constant 128 : i32
        %dma_wait3A_1114 = arith.constant 0 : i32
        %dma_wait3A_1115 = tpu.memref_slice %arg32[%dma_wait3A_1113, %dma_wait3A_1114] : memref<160x128xf32, #tpu.memory_space<vmem>> -> memref<32x128xf32, #tpu.memory_space<vmem>>
        %dma_wait3A_1116 = arith.constant 128 : i32
        %dma_wait3A_1117 = tpu.memref_slice %arg30[%dma_wait3A_1116] : memref<160xi32, #tpu.memory_space<vmem>> -> memref<32xi32, #tpu.memory_space<vmem>>
        %dma_wait3A_1118 = arith.constant 0 : i32
        %dma_wait3A_1119 = arith.constant 0 : i32
        %dma_wait3A_1120 = tpu.memref_slice %arg2[%dma_wait3A_1118, %dma_wait3A_1119] : memref<500000x128xf32, #tpu.memory_space<hbm>> -> memref<500000x128xf32, #tpu.memory_space<hbm>>
        tpu.wait_indirect_dma semaphore(%arg36 : memref<!tpu.dma_semaphore, #tpu.memory_space<semaphore_mem>>) src(%dma_wait3A_1120 : memref<500000x128xf32, #tpu.memory_space<hbm>>) dst(%dma_wait3A_1115 : memref<32x128xf32, #tpu.memory_space<vmem>>)
        %iota3A_1121 = tpu.iota {dimensions = array<i32: 0>} : vector<16xi32>
        %mul3A_1122 = arith.constant 10 : i32
        %mul3A_1123 = vector.broadcast %mul3A_1122 : i32 to vector<16xi32>
        %mul3A_1124 = arith.muli %iota3A_1121, %mul3A_1123 : vector<16xi32>
        %add3A_1125 = arith.constant 0 : i32
        %add3A_1126 = vector.broadcast %add3A_1125 : i32 to vector<16xi32>
        %add3A_1127 = arith.addi %mul3A_1124, %add3A_1126 : vector<16xi32>
        %gather3A_1128 = tpu.vector_load_idx %arg28[%add3A_1127] : memref<160xf32, #tpu.memory_space<vmem>>[vector<16xi32>], vector<16xf32>,
        %iota3A_1129 = tpu.iota {dimensions = array<i32: 0>} : vector<16xi32>
        %mul3A_1130 = arith.constant 10 : i32
        %mul3A_1131 = vector.broadcast %mul3A_1130 : i32 to vector<16xi32>
        %mul3A_1132 = arith.muli %iota3A_1129, %mul3A_1131 : vector<16xi32>
        %add3A_1133 = arith.constant 1 : i32
        %add3A_1134 = vector.broadcast %add3A_1133 : i32 to vector<16xi32>
        %add3A_1135 = arith.addi %mul3A_1132, %add3A_1134 : vector<16xi32>
        %gather3A_1136 = tpu.vector_load_idx %arg28[%add3A_1135] : memref<160xf32, #tpu.memory_space<vmem>>[vector<16xi32>], vector<16xf32>,
        %iota3A_1137 = tpu.iota {dimensions = array<i32: 0>} : vector<16xi32>
        %mul3A_1138 = arith.constant 10 : i32
        %mul3A_1139 = vector.broadcast %mul3A_1138 : i32 to vector<16xi32>
        %mul3A_1140 = arith.muli %iota3A_1137, %mul3A_1139 : vector<16xi32>
        %add3A_1141 = arith.constant 2 : i32
        %add3A_1142 = vector.broadcast %add3A_1141 : i32 to vector<16xi32>
        %add3A_1143 = arith.addi %mul3A_1140, %add3A_1142 : vector<16xi32>
        %gather3A_1144 = tpu.vector_load_idx %arg28[%add3A_1143] : memref<160xf32, #tpu.memory_space<vmem>>[vector<16xi32>], vector<16xf32>,
        %iota3A_1145 = tpu.iota {dimensions = array<i32: 0>} : vector<16xi32>
        %mul3A_1146 = arith.constant 10 : i32
        %mul3A_1147 = vector.broadcast %mul3A_1146 : i32 to vector<16xi32>
        %mul3A_1148 = arith.muli %iota3A_1145, %mul3A_1147 : vector<16xi32>
        %add3A_1149 = arith.constant 3 : i32
        %add3A_1150 = vector.broadcast %add3A_1149 : i32 to vector<16xi32>
        %add3A_1151 = arith.addi %mul3A_1148, %add3A_1150 : vector<16xi32>
        %gather3A_1152 = tpu.vector_load_idx %arg28[%add3A_1151] : memref<160xf32, #tpu.memory_space<vmem>>[vector<16xi32>], vector<16xf32>,
        %iota3A_1153 = tpu.iota {dimensions = array<i32: 0>} : vector<16xi32>
        %mul3A_1154 = arith.constant 10 : i32
        %mul3A_1155 = vector.broadcast %mul3A_1154 : i32 to vector<16xi32>
        %mul3A_1156 = arith.muli %iota3A_1153, %mul3A_1155 : vector<16xi32>
        %add3A_1157 = arith.constant 4 : i32
        %add3A_1158 = vector.broadcast %add3A_1157 : i32 to vector<16xi32>
        %add3A_1159 = arith.addi %mul3A_1156, %add3A_1158 : vector<16xi32>
        %gather3A_1160 = tpu.vector_load_idx %arg28[%add3A_1159] : memref<160xf32, #tpu.memory_space<vmem>>[vector<16xi32>], vector<16xf32>,
        %iota3A_1161 = tpu.iota {dimensions = array<i32: 0>} : vector<16xi32>
        %mul3A_1162 = arith.constant 10 : i32
        %mul3A_1163 = vector.broadcast %mul3A_1162 : i32 to vector<16xi32>
        %mul3A_1164 = arith.muli %iota3A_1161, %mul3A_1163 : vector<16xi32>
        %add3A_1165 = arith.constant 5 : i32
        %add3A_1166 = vector.broadcast %add3A_1165 : i32 to vector<16xi32>
        %add3A_1167 = arith.addi %mul3A_1164, %add3A_1166 : vector<16xi32>
        %gather3A_1168 = tpu.vector_load_idx %arg28[%add3A_1167] : memref<160xf32, #tpu.memory_space<vmem>>[vector<16xi32>], vector<16xf32>,
        %iota3A_1169 = tpu.iota {dimensions = array<i32: 0>} : vector<16xi32>
        %mul3A_1170 = arith.constant 10 : i32
        %mul3A_1171 = vector.broadcast %mul3A_1170 : i32 to vector<16xi32>
        %mul3A_1172 = arith.muli %iota3A_1169, %mul3A_1171 : vector<16xi32>
        %add3A_1173 = arith.constant 6 : i32
        %add3A_1174 = vector.broadcast %add3A_1173 : i32 to vector<16xi32>
        %add3A_1175 = arith.addi %mul3A_1172, %add3A_1174 : vector<16xi32>
        %gather3A_1176 = tpu.vector_load_idx %arg28[%add3A_1175] : memref<160xf32, #tpu.memory_space<vmem>>[vector<16xi32>], vector<16xf32>,
        %iota3A_1177 = tpu.iota {dimensions = array<i32: 0>} : vector<16xi32>
        %mul3A_1178 = arith.constant 10 : i32
        %mul3A_1179 = vector.broadcast %mul3A_1178 : i32 to vector<16xi32>
        %mul3A_1180 = arith.muli %iota3A_1177, %mul3A_1179 : vector<16xi32>
        %add3A_1181 = arith.constant 7 : i32
        %add3A_1182 = vector.broadcast %add3A_1181 : i32 to vector<16xi32>
        %add3A_1183 = arith.addi %mul3A_1180, %add3A_1182 : vector<16xi32>
        %gather3A_1184 = tpu.vector_load_idx %arg28[%add3A_1183] : memref<160xf32, #tpu.memory_space<vmem>>[vector<16xi32>], vector<16xf32>,
        %iota3A_1185 = tpu.iota {dimensions = array<i32: 0>} : vector<16xi32>
        %mul3A_1186 = arith.constant 10 : i32
        %mul3A_1187 = vector.broadcast %mul3A_1186 : i32 to vector<16xi32>
        %mul3A_1188 = arith.muli %iota3A_1185, %mul3A_1187 : vector<16xi32>
        %add3A_1189 = arith.constant 8 : i32
        %add3A_1190 = vector.broadcast %add3A_1189 : i32 to vector<16xi32>
        %add3A_1191 = arith.addi %mul3A_1188, %add3A_1190 : vector<16xi32>
        %gather3A_1192 = tpu.vector_load_idx %arg28[%add3A_1191] : memref<160xf32, #tpu.memory_space<vmem>>[vector<16xi32>], vector<16xf32>,
        %iota3A_1193 = tpu.iota {dimensions = array<i32: 0>} : vector<16xi32>
        %mul3A_1194 = arith.constant 10 : i32
        %mul3A_1195 = vector.broadcast %mul3A_1194 : i32 to vector<16xi32>
        %mul3A_1196 = arith.muli %iota3A_1193, %mul3A_1195 : vector<16xi32>
        %add3A_1197 = arith.constant 9 : i32
        %add3A_1198 = vector.broadcast %add3A_1197 : i32 to vector<16xi32>
        %add3A_1199 = arith.addi %mul3A_1196, %add3A_1198 : vector<16xi32>
        %gather3A_1200 = tpu.vector_load_idx %arg28[%add3A_1199] : memref<160xf32, #tpu.memory_space<vmem>>[vector<16xi32>], vector<16xf32>,
        %iota3A_1201 = tpu.iota {dimensions = array<i32: 0>} : vector<16xi32>
        %mul3A_1202 = arith.constant 10 : i32
        %mul3A_1203 = vector.broadcast %mul3A_1202 : i32 to vector<16xi32>
        %mul3A_1204 = arith.muli %iota3A_1201, %mul3A_1203 : vector<16xi32>
        %add3A_1205 = arith.constant 0 : i32
        %add3A_1206 = vector.broadcast %add3A_1205 : i32 to vector<16xi32>
        %add3A_1207 = arith.addi %mul3A_1204, %add3A_1206 : vector<16xi32>
        %gather3A_1208 = tpu.vector_load_idx %arg31[%add3A_1207] : memref<160xi32, #tpu.memory_space<vmem>>[vector<16xi32>], vector<16xi32>,
        %iota3A_1209 = tpu.iota {dimensions = array<i32: 0>} : vector<16xi32>
        %mul3A_1210 = arith.constant 10 : i32
        %mul3A_1211 = vector.broadcast %mul3A_1210 : i32 to vector<16xi32>
        %mul3A_1212 = arith.muli %iota3A_1209, %mul3A_1211 : vector<16xi32>
        %add3A_1213 = arith.constant 1 : i32
        %add3A_1214 = vector.broadcast %add3A_1213 : i32 to vector<16xi32>
        %add3A_1215 = arith.addi %mul3A_1212, %add3A_1214 : vector<16xi32>
        %gather3A_1216 = tpu.vector_load_idx %arg31[%add3A_1215] : memref<160xi32, #tpu.memory_space<vmem>>[vector<16xi32>], vector<16xi32>,
        %iota3A_1217 = tpu.iota {dimensions = array<i32: 0>} : vector<16xi32>
        %mul3A_1218 = arith.constant 10 : i32
        %mul3A_1219 = vector.broadcast %mul3A_1218 : i32 to vector<16xi32>
        %mul3A_1220 = arith.muli %iota3A_1217, %mul3A_1219 : vector<16xi32>
        %add3A_1221 = arith.constant 2 : i32
        %add3A_1222 = vector.broadcast %add3A_1221 : i32 to vector<16xi32>
        %add3A_1223 = arith.addi %mul3A_1220, %add3A_1222 : vector<16xi32>
        %gather3A_1224 = tpu.vector_load_idx %arg31[%add3A_1223] : memref<160xi32, #tpu.memory_space<vmem>>[vector<16xi32>], vector<16xi32>,
        %iota3A_1225 = tpu.iota {dimensions = array<i32: 0>} : vector<16xi32>
        %mul3A_1226 = arith.constant 10 : i32
        %mul3A_1227 = vector.broadcast %mul3A_1226 : i32 to vector<16xi32>
        %mul3A_1228 = arith.muli %iota3A_1225, %mul3A_1227 : vector<16xi32>
        %add3A_1229 = arith.constant 3 : i32
        %add3A_1230 = vector.broadcast %add3A_1229 : i32 to vector<16xi32>
        %add3A_1231 = arith.addi %mul3A_1228, %add3A_1230 : vector<16xi32>
        %gather3A_1232 = tpu.vector_load_idx %arg31[%add3A_1231] : memref<160xi32, #tpu.memory_space<vmem>>[vector<16xi32>], vector<16xi32>,
        %iota3A_1233 = tpu.iota {dimensions = array<i32: 0>} : vector<16xi32>
        %mul3A_1234 = arith.constant 10 : i32
        %mul3A_1235 = vector.broadcast %mul3A_1234 : i32 to vector<16xi32>
        %mul3A_1236 = arith.muli %iota3A_1233, %mul3A_1235 : vector<16xi32>
        %add3A_1237 = arith.constant 4 : i32
        %add3A_1238 = vector.broadcast %add3A_1237 : i32 to vector<16xi32>
        %add3A_1239 = arith.addi %mul3A_1236, %add3A_1238 : vector<16xi32>
        %gather3A_1240 = tpu.vector_load_idx %arg31[%add3A_1239] : memref<160xi32, #tpu.memory_space<vmem>>[vector<16xi32>], vector<16xi32>,
        %iota3A_1241 = tpu.iota {dimensions = array<i32: 0>} : vector<16xi32>
        %mul3A_1242 = arith.constant 10 : i32
        %mul3A_1243 = vector.broadcast %mul3A_1242 : i32 to vector<16xi32>
        %mul3A_1244 = arith.muli %iota3A_1241, %mul3A_1243 : vector<16xi32>
        %add3A_1245 = arith.constant 5 : i32
        %add3A_1246 = vector.broadcast %add3A_1245 : i32 to vector<16xi32>
        %add3A_1247 = arith.addi %mul3A_1244, %add3A_1246 : vector<16xi32>
        %gather3A_1248 = tpu.vector_load_idx %arg31[%add3A_1247] : memref<160xi32, #tpu.memory_space<vmem>>[vector<16xi32>], vector<16xi32>,
        %iota3A_1249 = tpu.iota {dimensions = array<i32: 0>} : vector<16xi32>
        %mul3A_1250 = arith.constant 10 : i32
        %mul3A_1251 = vector.broadcast %mul3A_1250 : i32 to vector<16xi32>
        %mul3A_1252 = arith.muli %iota3A_1249, %mul3A_1251 : vector<16xi32>
        %add3A_1253 = arith.constant 6 : i32
        %add3A_1254 = vector.broadcast %add3A_1253 : i32 to vector<16xi32>
        %add3A_1255 = arith.addi %mul3A_1252, %add3A_1254 : vector<16xi32>
        %gather3A_1256 = tpu.vector_load_idx %arg31[%add3A_1255] : memref<160xi32, #tpu.memory_space<vmem>>[vector<16xi32>], vector<16xi32>,
        %iota3A_1257 = tpu.iota {dimensions = array<i32: 0>} : vector<16xi32>
        %mul3A_1258 = arith.constant 10 : i32
        %mul3A_1259 = vector.broadcast %mul3A_1258 : i32 to vector<16xi32>
        %mul3A_1260 = arith.muli %iota3A_1257, %mul3A_1259 : vector<16xi32>
        %add3A_1261 = arith.constant 7 : i32
        %add3A_1262 = vector.broadcast %add3A_1261 : i32 to vector<16xi32>
        %add3A_1263 = arith.addi %mul3A_1260, %add3A_1262 : vector<16xi32>
        %gather3A_1264 = tpu.vector_load_idx %arg31[%add3A_1263] : memref<160xi32, #tpu.memory_space<vmem>>[vector<16xi32>], vector<16xi32>,
        %iota3A_1265 = tpu.iota {dimensions = array<i32: 0>} : vector<16xi32>
        %mul3A_1266 = arith.constant 10 : i32
        %mul3A_1267 = vector.broadcast %mul3A_1266 : i32 to vector<16xi32>
        %mul3A_1268 = arith.muli %iota3A_1265, %mul3A_1267 : vector<16xi32>
        %add3A_1269 = arith.constant 8 : i32
        %add3A_1270 = vector.broadcast %add3A_1269 : i32 to vector<16xi32>
        %add3A_1271 = arith.addi %mul3A_1268, %add3A_1270 : vector<16xi32>
        %gather3A_1272 = tpu.vector_load_idx %arg31[%add3A_1271] : memref<160xi32, #tpu.memory_space<vmem>>[vector<16xi32>], vector<16xi32>,
        %iota3A_1273 = tpu.iota {dimensions = array<i32: 0>} : vector<16xi32>
        %mul3A_1274 = arith.constant 10 : i32
        %mul3A_1275 = vector.broadcast %mul3A_1274 : i32 to vector<16xi32>
        %mul3A_1276 = arith.muli %iota3A_1273, %mul3A_1275 : vector<16xi32>
        %add3A_1277 = arith.constant 9 : i32
        %add3A_1278 = vector.broadcast %add3A_1277 : i32 to vector<16xi32>
        %add3A_1279 = arith.addi %mul3A_1276, %add3A_1278 : vector<16xi32>
        %gather3A_1280 = tpu.vector_load_idx %arg31[%add3A_1279] : memref<160xi32, #tpu.memory_space<vmem>>[vector<16xi32>], vector<16xi32>,
        %lt3A_1281 = arith.constant 128 : i32
        %lt3A_1282 = vector.broadcast %lt3A_1281 : i32 to vector<16xi32>
        %lt3A_1283 = arith.cmpi slt, %select_n3A_742, %lt3A_1282 : vector<16xi32>
        %min3A_1284 = arith.constant 127 : i32
        %min3A_1285 = vector.broadcast %min3A_1284 : i32 to vector<16xi32>
        %min3A_1286 = arith.minsi %select_n3A_742, %min3A_1285 : vector<16xi32>
        %sub3A_1287 = arith.constant 128 : i32
        %sub3A_1288 = vector.broadcast %sub3A_1287 : i32 to vector<16xi32>
        %sub3A_1289 = arith.subi %select_n3A_742, %sub3A_1288 : vector<16xi32>
        %max3A_1290 = arith.constant 0 : i32
        %max3A_1291 = vector.broadcast %max3A_1290 : i32 to vector<16xi32>
        %max3A_1292 = arith.maxsi %sub3A_1289, %max3A_1291 : vector<16xi32>
        %min3A_1293 = arith.constant 127 : i32
        %min3A_1294 = vector.broadcast %min3A_1293 : i32 to vector<16xi32>
        %min3A_1295 = arith.minsi %max3A_1292, %min3A_1294 : vector<16xi32>
        %gather3A_1296 = tpu.vector_load_idx %arg15[%min3A_1286] : memref<128xi32, #tpu.memory_space<vmem>>[vector<16xi32>], vector<16xi32>,
        %and3A_1297 = arith.constant 1 : i32
        %and3A_1298 = vector.broadcast %and3A_1297 : i32 to vector<16xi32>
        %and3A_1299 = arith.andi %gather3A_1296, %and3A_1298 : vector<16xi32>
        %mul3A_1300 = arith.constant 64 : i32
        %mul3A_1301 = vector.broadcast %mul3A_1300 : i32 to vector<16xi32>
        %mul3A_1302 = arith.muli %and3A_1299, %mul3A_1301 : vector<16xi32>
        %gather3A_1303 = tpu.vector_load_idx %arg16[%min3A_1295] : memref<128xi32, #tpu.memory_space<vmem>>[vector<16xi32>], vector<16xi32>,
        %and3A_1304 = arith.constant 1 : i32
        %and3A_1305 = vector.broadcast %and3A_1304 : i32 to vector<16xi32>
        %and3A_1306 = arith.andi %gather3A_1303, %and3A_1305 : vector<16xi32>
        %mul3A_1307 = arith.constant 64 : i32
        %mul3A_1308 = vector.broadcast %mul3A_1307 : i32 to vector<16xi32>
        %mul3A_1309 = arith.muli %and3A_1306, %mul3A_1308 : vector<16xi32>
        %select_n3A_1310 = arith.select %lt3A_1283, %mul3A_1302, %mul3A_1309 : vector<16xi1>, vector<16xi32>
        %scan3A_1311 = arith.constant 0 : i32
        %scan3A_1312 = arith.constant 0 : i32
        %scan3A_1313 = arith.constant 64 : i32
        %scan3A_1314 = arith.addi %scan3A_1312, %scan3A_1313 : i32
        %scan3A_1315 = arith.constant 1 : i32
        %scan3A_1316 = scf.for %scan3A_1319 = %scan3A_1312 to %scan3A_1314 step %scan3A_1315 iter_args(%scan3A_1320 = %scan3A_1311) -> (i32)  : i32 {
          %broadcast_in_dim3A_1321 = vector.broadcast %scan3A_1319 : i32 to vector<16xi32>
          %broadcast_in_dim3A_1322 = arith.constant 0.000000e+00 : f32
          %broadcast_in_dim3A_1323 = vector.broadcast %broadcast_in_dim3A_1322 : f32 to vector<16xf32>
          %iota3A_1324 = tpu.iota {dimensions = array<i32: 0>} : vector<16xi32>
          %mul3A_1325 = arith.constant 10 : i32
          %mul3A_1326 = vector.broadcast %mul3A_1325 : i32 to vector<16xi32>
          %mul3A_1327 = arith.muli %iota3A_1324, %mul3A_1326 : vector<16xi32>
          %add3A_1328 = arith.constant 0 : i32
          %add3A_1329 = vector.broadcast %add3A_1328 : i32 to vector<16xi32>
          %add3A_1330 = arith.addi %mul3A_1327, %add3A_1329 : vector<16xi32>
          %add3A_1331 = arith.addi %broadcast_in_dim3A_1321, %gather3A_1208 : vector<16xi32>
          %gather3A_1332 = tpu.vector_load_idx %arg32[%add3A_1330, %add3A_1331] : memref<160x128xf32, #tpu.memory_space<vmem>>[vector<16xi32>, vector<16xi32>], vector<16xf32>,
          %mul3A_1333 = arith.mulf %gather3A_1128, %gather3A_1332 : vector<16xf32>
          %add3A_1334 = arith.addf %broadcast_in_dim3A_1323, %mul3A_1333 : vector<16xf32>
          %iota3A_1335 = tpu.iota {dimensions = array<i32: 0>} : vector<16xi32>
          %mul3A_1336 = arith.constant 10 : i32
          %mul3A_1337 = vector.broadcast %mul3A_1336 : i32 to vector<16xi32>
          %mul3A_1338 = arith.muli %iota3A_1335, %mul3A_1337 : vector<16xi32>
          %add3A_1339 = arith.constant 1 : i32
          %add3A_1340 = vector.broadcast %add3A_1339 : i32 to vector<16xi32>
          %add3A_1341 = arith.addi %mul3A_1338, %add3A_1340 : vector<16xi32>
          %add3A_1342 = arith.addi %broadcast_in_dim3A_1321, %gather3A_1216 : vector<16xi32>
          %gather3A_1343 = tpu.vector_load_idx %arg32[%add3A_1341, %add3A_1342] : memref<160x128xf32, #tpu.memory_space<vmem>>[vector<16xi32>, vector<16xi32>], vector<16xf32>,
          %mul3A_1344 = arith.mulf %gather3A_1136, %gather3A_1343 : vector<16xf32>
          %add3A_1345 = arith.addf %add3A_1334, %mul3A_1344 : vector<16xf32>
          %iota3A_1346 = tpu.iota {dimensions = array<i32: 0>} : vector<16xi32>
          %mul3A_1347 = arith.constant 10 : i32
          %mul3A_1348 = vector.broadcast %mul3A_1347 : i32 to vector<16xi32>
          %mul3A_1349 = arith.muli %iota3A_1346, %mul3A_1348 : vector<16xi32>
          %add3A_1350 = arith.constant 2 : i32
          %add3A_1351 = vector.broadcast %add3A_1350 : i32 to vector<16xi32>
          %add3A_1352 = arith.addi %mul3A_1349, %add3A_1351 : vector<16xi32>
          %add3A_1353 = arith.addi %broadcast_in_dim3A_1321, %gather3A_1224 : vector<16xi32>
          %gather3A_1354 = tpu.vector_load_idx %arg32[%add3A_1352, %add3A_1353] : memref<160x128xf32, #tpu.memory_space<vmem>>[vector<16xi32>, vector<16xi32>], vector<16xf32>,
          %mul3A_1355 = arith.mulf %gather3A_1144, %gather3A_1354 : vector<16xf32>
          %add3A_1356 = arith.addf %add3A_1345, %mul3A_1355 : vector<16xf32>
          %iota3A_1357 = tpu.iota {dimensions = array<i32: 0>} : vector<16xi32>
          %mul3A_1358 = arith.constant 10 : i32
          %mul3A_1359 = vector.broadcast %mul3A_1358 : i32 to vector<16xi32>
          %mul3A_1360 = arith.muli %iota3A_1357, %mul3A_1359 : vector<16xi32>
          %add3A_1361 = arith.constant 3 : i32
          %add3A_1362 = vector.broadcast %add3A_1361 : i32 to vector<16xi32>
          %add3A_1363 = arith.addi %mul3A_1360, %add3A_1362 : vector<16xi32>
          %add3A_1364 = arith.addi %broadcast_in_dim3A_1321, %gather3A_1232 : vector<16xi32>
          %gather3A_1365 = tpu.vector_load_idx %arg32[%add3A_1363, %add3A_1364] : memref<160x128xf32, #tpu.memory_space<vmem>>[vector<16xi32>, vector<16xi32>], vector<16xf32>,
          %mul3A_1366 = arith.mulf %gather3A_1152, %gather3A_1365 : vector<16xf32>
          %add3A_1367 = arith.addf %add3A_1356, %mul3A_1366 : vector<16xf32>
          %iota3A_1368 = tpu.iota {dimensions = array<i32: 0>} : vector<16xi32>
          %mul3A_1369 = arith.constant 10 : i32
          %mul3A_1370 = vector.broadcast %mul3A_1369 : i32 to vector<16xi32>
          %mul3A_1371 = arith.muli %iota3A_1368, %mul3A_1370 : vector<16xi32>
          %add3A_1372 = arith.constant 4 : i32
          %add3A_1373 = vector.broadcast %add3A_1372 : i32 to vector<16xi32>
          %add3A_1374 = arith.addi %mul3A_1371, %add3A_1373 : vector<16xi32>
          %add3A_1375 = arith.addi %broadcast_in_dim3A_1321, %gather3A_1240 : vector<16xi32>
          %gather3A_1376 = tpu.vector_load_idx %arg32[%add3A_1374, %add3A_1375] : memref<160x128xf32, #tpu.memory_space<vmem>>[vector<16xi32>, vector<16xi32>], vector<16xf32>,
          %mul3A_1377 = arith.mulf %gather3A_1160, %gather3A_1376 : vector<16xf32>
          %add3A_1378 = arith.addf %add3A_1367, %mul3A_1377 : vector<16xf32>
          %iota3A_1379 = tpu.iota {dimensions = array<i32: 0>} : vector<16xi32>
          %mul3A_1380 = arith.constant 10 : i32
          %mul3A_1381 = vector.broadcast %mul3A_1380 : i32 to vector<16xi32>
          %mul3A_1382 = arith.muli %iota3A_1379, %mul3A_1381 : vector<16xi32>
          %add3A_1383 = arith.constant 5 : i32
          %add3A_1384 = vector.broadcast %add3A_1383 : i32 to vector<16xi32>
          %add3A_1385 = arith.addi %mul3A_1382, %add3A_1384 : vector<16xi32>
          %add3A_1386 = arith.addi %broadcast_in_dim3A_1321, %gather3A_1248 : vector<16xi32>
          %gather3A_1387 = tpu.vector_load_idx %arg32[%add3A_1385, %add3A_1386] : memref<160x128xf32, #tpu.memory_space<vmem>>[vector<16xi32>, vector<16xi32>], vector<16xf32>,
          %mul3A_1388 = arith.mulf %gather3A_1168, %gather3A_1387 : vector<16xf32>
          %add3A_1389 = arith.addf %add3A_1378, %mul3A_1388 : vector<16xf32>
          %iota3A_1390 = tpu.iota {dimensions = array<i32: 0>} : vector<16xi32>
          %mul3A_1391 = arith.constant 10 : i32
          %mul3A_1392 = vector.broadcast %mul3A_1391 : i32 to vector<16xi32>
          %mul3A_1393 = arith.muli %iota3A_1390, %mul3A_1392 : vector<16xi32>
          %add3A_1394 = arith.constant 6 : i32
          %add3A_1395 = vector.broadcast %add3A_1394 : i32 to vector<16xi32>
          %add3A_1396 = arith.addi %mul3A_1393, %add3A_1395 : vector<16xi32>
          %add3A_1397 = arith.addi %broadcast_in_dim3A_1321, %gather3A_1256 : vector<16xi32>
          %gather3A_1398 = tpu.vector_load_idx %arg32[%add3A_1396, %add3A_1397] : memref<160x128xf32, #tpu.memory_space<vmem>>[vector<16xi32>, vector<16xi32>], vector<16xf32>,
          %mul3A_1399 = arith.mulf %gather3A_1176, %gather3A_1398 : vector<16xf32>
          %add3A_1400 = arith.addf %add3A_1389, %mul3A_1399 : vector<16xf32>
          %iota3A_1401 = tpu.iota {dimensions = array<i32: 0>} : vector<16xi32>
          %mul3A_1402 = arith.constant 10 : i32
          %mul3A_1403 = vector.broadcast %mul3A_1402 : i32 to vector<16xi32>
          %mul3A_1404 = arith.muli %iota3A_1401, %mul3A_1403 : vector<16xi32>
          %add3A_1405 = arith.constant 7 : i32
          %add3A_1406 = vector.broadcast %add3A_1405 : i32 to vector<16xi32>
          %add3A_1407 = arith.addi %mul3A_1404, %add3A_1406 : vector<16xi32>
          %add3A_1408 = arith.addi %broadcast_in_dim3A_1321, %gather3A_1264 : vector<16xi32>
          %gather3A_1409 = tpu.vector_load_idx %arg32[%add3A_1407, %add3A_1408] : memref<160x128xf32, #tpu.memory_space<vmem>>[vector<16xi32>, vector<16xi32>], vector<16xf32>,
          %mul3A_1410 = arith.mulf %gather3A_1184, %gather3A_1409 : vector<16xf32>
          %add3A_1411 = arith.addf %add3A_1400, %mul3A_1410 : vector<16xf32>
          %iota3A_1412 = tpu.iota {dimensions = array<i32: 0>} : vector<16xi32>
          %mul3A_1413 = arith.constant 10 : i32
          %mul3A_1414 = vector.broadcast %mul3A_1413 : i32 to vector<16xi32>
          %mul3A_1415 = arith.muli %iota3A_1412, %mul3A_1414 : vector<16xi32>
          %add3A_1416 = arith.constant 8 : i32
          %add3A_1417 = vector.broadcast %add3A_1416 : i32 to vector<16xi32>
          %add3A_1418 = arith.addi %mul3A_1415, %add3A_1417 : vector<16xi32>
          %add3A_1419 = arith.addi %broadcast_in_dim3A_1321, %gather3A_1272 : vector<16xi32>
          %gather3A_1420 = tpu.vector_load_idx %arg32[%add3A_1418, %add3A_1419] : memref<160x128xf32, #tpu.memory_space<vmem>>[vector<16xi32>, vector<16xi32>], vector<16xf32>,
          %mul3A_1421 = arith.mulf %gather3A_1192, %gather3A_1420 : vector<16xf32>
          %add3A_1422 = arith.addf %add3A_1411, %mul3A_1421 : vector<16xf32>
          %iota3A_1423 = tpu.iota {dimensions = array<i32: 0>} : vector<16xi32>
          %mul3A_1424 = arith.constant 10 : i32
          %mul3A_1425 = vector.broadcast %mul3A_1424 : i32 to vector<16xi32>
          %mul3A_1426 = arith.muli %iota3A_1423, %mul3A_1425 : vector<16xi32>
          %add3A_1427 = arith.constant 9 : i32
          %add3A_1428 = vector.broadcast %add3A_1427 : i32 to vector<16xi32>
          %add3A_1429 = arith.addi %mul3A_1426, %add3A_1428 : vector<16xi32>
          %add3A_1430 = arith.addi %broadcast_in_dim3A_1321, %gather3A_1280 : vector<16xi32>
          %gather3A_1431 = tpu.vector_load_idx %arg32[%add3A_1429, %add3A_1430] : memref<160x128xf32, #tpu.memory_space<vmem>>[vector<16xi32>, vector<16xi32>], vector<16xf32>,
          %mul3A_1432 = arith.mulf %gather3A_1200, %gather3A_1431 : vector<16xf32>
          %add3A_1433 = arith.addf %add3A_1422, %mul3A_1432 : vector<16xf32>
          %add3A_1434 = arith.addi %broadcast_in_dim3A_1321, %select_n3A_1310 : vector<16xi32>
          %gather3A_1435 = tpu.vector_load_idx %arg33[%min3A_1286, %add3A_1434] : memref<128x128xf32, #tpu.memory_space<vmem>>[vector<16xi32>, vector<16xi32>], vector<16xf32>,
          %gather3A_1436 = tpu.vector_load_idx %arg34[%min3A_1295, %add3A_1434] : memref<128x128xf32, #tpu.memory_space<vmem>>[vector<16xi32>, vector<16xi32>], vector<16xf32>,
          %select_n3A_1437 = arith.select %lt3A_1283, %gather3A_1435, %gather3A_1436 : vector<16xi1>, vector<16xf32>
          %mul3A_1438 = arith.mulf %add3A_1104, %add3A_1433 : vector<16xf32>
          %sub3A_1439 = arith.constant 1.000000e+00 : f32
          %sub3A_1440 = vector.broadcast %sub3A_1439 : f32 to vector<16xf32>
          %sub3A_1441 = arith.subf %sub3A_1440, %add3A_1104 : vector<16xf32>
          %mul3A_1442 = arith.mulf %sub3A_1441, %select_n3A_1437 : vector<16xf32>
          %add3A_1443 = arith.addf %mul3A_1438, %mul3A_1442 : vector<16xf32>
          %and3A_1444 = arith.andi %lt3A_1283, %lt3A_733 : vector<16xi1>
          tpu.vector_store_idx %arg33[%min3A_1286, %add3A_1434], %add3A_1443 masked %and3A_1444 : memref<128x128xf32, #tpu.memory_space<vmem>>[vector<16xi32>, vector<16xi32>], vector<16xf32>, vector<16xi1>
          %not3A = arith.constant dense<true> : vector<16xi1>
          %not3A_1445 = arith.xori %lt3A_1283, %not3A : vector<16xi1>
          %and3A_1446 = arith.andi %not3A_1445, %lt3A_733 : vector<16xi1>
          tpu.vector_store_idx %arg34[%min3A_1295, %add3A_1434], %add3A_1443 masked %and3A_1446 : memref<128x128xf32, #tpu.memory_space<vmem>>[vector<16xi32>, vector<16xi32>], vector<16xf32>, vector<16xi1>
          %scan3A_1447 = arith.constant 0 : i32
          scf.yield %scan3A_1447 : i32
        }
        %scan3A_1317 = arith.constant 64 : i32
        %while3A_1318 = arith.constant 0 : i32
        scf.yield %while3A_1318 : i32
      }
      %iota3A = tpu.iota {dimensions = array<i32: 0>} : vector<16xi32>
      %add3A_289 = arith.constant 0 : i32
      %add3A_290 = vector.broadcast %add3A_289 : i32 to vector<16xi32>
      %add3A_291 = arith.addi %add3A_290, %iota3A : vector<16xi32>
      %get3A_292 = arith.constant 0 : index
      %get3A_293 = tpu.vector_load %arg19[%get3A_292] {strides = array<i32>} : memref<128xi32, #tpu.memory_space<vmem>>, vector<16xi32>,
      %get3A_294 = arith.constant 0 : index
      %get3A_295 = tpu.vector_load %arg15[%get3A_294] {strides = array<i32>} : memref<128xi32, #tpu.memory_space<vmem>>, vector<16xi32>,
      %and3A_296 = arith.constant 1 : i32
      %and3A_297 = vector.broadcast %and3A_296 : i32 to vector<16xi32>
      %and3A_298 = arith.andi %get3A_295, %and3A_297 : vector<16xi32>
      %mul3A_299 = arith.constant 64 : i32
      %mul3A_300 = vector.broadcast %mul3A_299 : i32 to vector<16xi32>
      %mul3A_301 = arith.muli %and3A_298, %mul3A_300 : vector<16xi32>
      %get3A_302 = arith.constant 0 : index
      %get3A_303 = tpu.vector_load %arg16[%get3A_302] {strides = array<i32>} : memref<128xi32, #tpu.memory_space<vmem>>, vector<16xi32>,
      %and3A_304 = arith.constant 1 : i32
      %and3A_305 = vector.broadcast %and3A_304 : i32 to vector<16xi32>
      %and3A_306 = arith.andi %get3A_303, %and3A_305 : vector<16xi32>
      %mul3A_307 = arith.constant 64 : i32
      %mul3A_308 = vector.broadcast %mul3A_307 : i32 to vector<16xi32>
      %mul3A_309 = arith.muli %and3A_306, %mul3A_308 : vector<16xi32>
      %shift_right_arithmetic3A_310 = arith.constant 1 : i32
      %shift_right_arithmetic3A_311 = vector.broadcast %shift_right_arithmetic3A_310 : i32 to vector<16xi32>
      %shift_right_arithmetic3A_312 = arith.shrsi %get3A_293, %shift_right_arithmetic3A_311 : vector<16xi32>
      %and3A_313 = arith.constant 1 : i32
      %and3A_314 = vector.broadcast %and3A_313 : i32 to vector<16xi32>
      %and3A_315 = arith.andi %get3A_293, %and3A_314 : vector<16xi32>
      %mul3A_316 = arith.constant 64 : i32
      %mul3A_317 = vector.broadcast %mul3A_316 : i32 to vector<16xi32>
      %mul3A_318 = arith.muli %and3A_315, %mul3A_317 : vector<16xi32>
      %broadcast_in_dim3A = arith.constant 0.000000e+00 : f32
      %broadcast_in_dim3A_319 = vector.broadcast %broadcast_in_dim3A : f32 to vector<16xf32>
      %scan3A_320 = arith.constant 0 : i32
      %scan3A_321 = arith.constant 64 : i32
      %scan3A_322 = arith.addi %scan3A_320, %scan3A_321 : i32
      %scan3A_323 = arith.constant 1 : i32
      %scan3A_324 = scf.for %scan3A_726 = %scan3A_320 to %scan3A_322 step %scan3A_323 iter_args(%scan3A_727 = %broadcast_in_dim3A_319) -> (vector<16xf32>)  : i32 {
        %broadcast_in_dim3A_728 = vector.broadcast %scan3A_726 : i32 to vector<16xi32>
        %add3A_729 = arith.addi %broadcast_in_dim3A_728, %mul3A_301 : vector<16xi32>
        %gather3A = tpu.vector_load_idx %arg33[%add3A_291, %add3A_729] : memref<128x128xf32, #tpu.memory_space<vmem>>[vector<16xi32>, vector<16xi32>], vector<16xf32>,
        %add3A_730 = arith.addi %broadcast_in_dim3A_728, %mul3A_309 : vector<16xi32>
        %gather3A_731 = tpu.vector_load_idx %arg34[%add3A_291, %add3A_730] : memref<128x128xf32, #tpu.memory_space<vmem>>[vector<16xi32>, vector<16xi32>], vector<16xf32>,
        %add3A_732 = arith.addi %broadcast_in_dim3A_728, %mul3A_318 : vector<16xi32>
        %gather3A_733 = tpu.vector_load_idx %arg14[%shift_right_arithmetic3A_312, %add3A_732] : memref<16x128xf32, #tpu.memory_space<vmem>>[vector<16xi32>, vector<16xi32>], vector<16xf32>,
        %mul3A_734 = arith.mulf %gather3A, %gather3A_733 : vector<16xf32>
        %mul3A_735 = arith.mulf %mul3A_734, %gather3A_731 : vector<16xf32>
        %add3A_736 = arith.addf %scan3A_727, %mul3A_735 : vector<16xf32>
        scf.yield %add3A_736 : vector<16xf32>
      }
      %scan3A_325 = arith.constant 64 : i32
      %neg3A = arith.constant 0.000000e+00 : f32
      %neg3A_326 = vector.broadcast %neg3A : f32 to vector<16xf32>
      %neg3A_327 = arith.subf %neg3A_326, %scan3A_324 : vector<16xf32>
      %exp3A = math.exp %neg3A_327 : vector<16xf32>
      %add3A_328 = arith.constant 1.000000e+00 : f32
      %add3A_329 = vector.broadcast %add3A_328 : f32 to vector<16xf32>
      %add3A_330 = arith.addf %add3A_329, %exp3A : vector<16xf32>
      %div3A_331 = arith.constant 1.000000e+00 : f32
      %div3A_332 = vector.broadcast %div3A_331 : f32 to vector<16xf32>
      %div3A_333 = arith.divf %div3A_332, %add3A_330 : vector<16xf32>
      %mul3A_334 = arith.constant 128 : i32
      %mul3A_335 = arith.muli %scan3A_31, %mul3A_334 : i32
      %add3A_336 = arith.constant 0 : i32
      %add3A_337 = arith.addi %mul3A_335, %add3A_336 : i32
      %swap3A_338 = arith.index_cast %add3A_337 : i32 to index
      %swap3A_339 = tpu.vector_load %arg35[%swap3A_338] {strides = array<i32>} : memref<512xf32, #tpu.memory_space<vmem>>, vector<16xf32>,
      tpu.vector_store %arg35[%swap3A_338], %div3A_333 {strides = array<i32>} : memref<512xf32, #tpu.memory_space<vmem>>, vector<16xf32>,
      %iota3A_340 = tpu.iota {dimensions = array<i32: 0>} : vector<16xi32>
      %add3A_341 = arith.constant 16 : i32
      %add3A_342 = vector.broadcast %add3A_341 : i32 to vector<16xi32>
      %add3A_343 = arith.addi %add3A_342, %iota3A_340 : vector<16xi32>
      %get3A_344 = arith.constant 16 : index
      %get3A_345 = tpu.vector_load %arg19[%get3A_344] {strides = array<i32>} : memref<128xi32, #tpu.memory_space<vmem>>, vector<16xi32>,
      %get3A_346 = arith.constant 16 : index
      %get3A_347 = tpu.vector_load %arg15[%get3A_346] {strides = array<i32>} : memref<128xi32, #tpu.memory_space<vmem>>, vector<16xi32>,
      %and3A_348 = arith.constant 1 : i32
      %and3A_349 = vector.broadcast %and3A_348 : i32 to vector<16xi32>
      %and3A_350 = arith.andi %get3A_347, %and3A_349 : vector<16xi32>
      %mul3A_351 = arith.constant 64 : i32
      %mul3A_352 = vector.broadcast %mul3A_351 : i32 to vector<16xi32>
      %mul3A_353 = arith.muli %and3A_350, %mul3A_352 : vector<16xi32>
      %get3A_354 = arith.constant 16 : index
      %get3A_355 = tpu.vector_load %arg16[%get3A_354] {strides = array<i32>} : memref<128xi32, #tpu.memory_space<vmem>>, vector<16xi32>,
      %and3A_356 = arith.constant 1 : i32
      %and3A_357 = vector.broadcast %and3A_356 : i32 to vector<16xi32>
      %and3A_358 = arith.andi %get3A_355, %and3A_357 : vector<16xi32>
      %mul3A_359 = arith.constant 64 : i32
      %mul3A_360 = vector.broadcast %mul3A_359 : i32 to vector<16xi32>
      %mul3A_361 = arith.muli %and3A_358, %mul3A_360 : vector<16xi32>
      %shift_right_arithmetic3A_362 = arith.constant 1 : i32
      %shift_right_arithmetic3A_363 = vector.broadcast %shift_right_arithmetic3A_362 : i32 to vector<16xi32>
      %shift_right_arithmetic3A_364 = arith.shrsi %get3A_345, %shift_right_arithmetic3A_363 : vector<16xi32>
      %and3A_365 = arith.constant 1 : i32
      %and3A_366 = vector.broadcast %and3A_365 : i32 to vector<16xi32>
      %and3A_367 = arith.andi %get3A_345, %and3A_366 : vector<16xi32>
      %mul3A_368 = arith.constant 64 : i32
      %mul3A_369 = vector.broadcast %mul3A_368 : i32 to vector<16xi32>
      %mul3A_370 = arith.muli %and3A_367, %mul3A_369 : vector<16xi32>
      %broadcast_in_dim3A_371 = arith.constant 0.000000e+00 : f32
      %broadcast_in_dim3A_372 = vector.broadcast %broadcast_in_dim3A_371 : f32 to vector<16xf32>
      %scan3A_373 = arith.constant 0 : i32
      %scan3A_374 = arith.constant 64 : i32
      %scan3A_375 = arith.addi %scan3A_373, %scan3A_374 : i32
      %scan3A_376 = arith.constant 1 : i32
      %scan3A_377 = scf.for %scan3A_726 = %scan3A_373 to %scan3A_375 step %scan3A_376 iter_args(%scan3A_727 = %broadcast_in_dim3A_372) -> (vector<16xf32>)  : i32 {
        %broadcast_in_dim3A_728 = vector.broadcast %scan3A_726 : i32 to vector<16xi32>
        %add3A_729 = arith.addi %broadcast_in_dim3A_728, %mul3A_353 : vector<16xi32>
        %gather3A = tpu.vector_load_idx %arg33[%add3A_343, %add3A_729] : memref<128x128xf32, #tpu.memory_space<vmem>>[vector<16xi32>, vector<16xi32>], vector<16xf32>,
        %add3A_730 = arith.addi %broadcast_in_dim3A_728, %mul3A_361 : vector<16xi32>
        %gather3A_731 = tpu.vector_load_idx %arg34[%add3A_343, %add3A_730] : memref<128x128xf32, #tpu.memory_space<vmem>>[vector<16xi32>, vector<16xi32>], vector<16xf32>,
        %add3A_732 = arith.addi %broadcast_in_dim3A_728, %mul3A_370 : vector<16xi32>
        %gather3A_733 = tpu.vector_load_idx %arg14[%shift_right_arithmetic3A_364, %add3A_732] : memref<16x128xf32, #tpu.memory_space<vmem>>[vector<16xi32>, vector<16xi32>], vector<16xf32>,
        %mul3A_734 = arith.mulf %gather3A, %gather3A_733 : vector<16xf32>
        %mul3A_735 = arith.mulf %mul3A_734, %gather3A_731 : vector<16xf32>
        %add3A_736 = arith.addf %scan3A_727, %mul3A_735 : vector<16xf32>
        scf.yield %add3A_736 : vector<16xf32>
      }
      %scan3A_378 = arith.constant 64 : i32
      %neg3A_379 = arith.constant 0.000000e+00 : f32
      %neg3A_380 = vector.broadcast %neg3A_379 : f32 to vector<16xf32>
      %neg3A_381 = arith.subf %neg3A_380, %scan3A_377 : vector<16xf32>
      %exp3A_382 = math.exp %neg3A_381 : vector<16xf32>
      %add3A_383 = arith.constant 1.000000e+00 : f32
      %add3A_384 = vector.broadcast %add3A_383 : f32 to vector<16xf32>
      %add3A_385 = arith.addf %add3A_384, %exp3A_382 : vector<16xf32>
      %div3A_386 = arith.constant 1.000000e+00 : f32
      %div3A_387 = vector.broadcast %div3A_386 : f32 to vector<16xf32>
      %div3A_388 = arith.divf %div3A_387, %add3A_385 : vector<16xf32>
      %mul3A_389 = arith.constant 128 : i32
      %mul3A_390 = arith.muli %scan3A_31, %mul3A_389 : i32
      %add3A_391 = arith.constant 16 : i32
      %add3A_392 = arith.addi %mul3A_390, %add3A_391 : i32
      %swap3A_393 = arith.index_cast %add3A_392 : i32 to index
      %swap3A_394 = tpu.vector_load %arg35[%swap3A_393] {strides = array<i32>} : memref<512xf32, #tpu.memory_space<vmem>>, vector<16xf32>,
      tpu.vector_store %arg35[%swap3A_393], %div3A_388 {strides = array<i32>} : memref<512xf32, #tpu.memory_space<vmem>>, vector<16xf32>,
      %iota3A_395 = tpu.iota {dimensions = array<i32: 0>} : vector<16xi32>
      %add3A_396 = arith.constant 32 : i32
      %add3A_397 = vector.broadcast %add3A_396 : i32 to vector<16xi32>
      %add3A_398 = arith.addi %add3A_397, %iota3A_395 : vector<16xi32>
      %get3A_399 = arith.constant 32 : index
      %get3A_400 = tpu.vector_load %arg19[%get3A_399] {strides = array<i32>} : memref<128xi32, #tpu.memory_space<vmem>>, vector<16xi32>,
      %get3A_401 = arith.constant 32 : index
      %get3A_402 = tpu.vector_load %arg15[%get3A_401] {strides = array<i32>} : memref<128xi32, #tpu.memory_space<vmem>>, vector<16xi32>,
      %and3A_403 = arith.constant 1 : i32
      %and3A_404 = vector.broadcast %and3A_403 : i32 to vector<16xi32>
      %and3A_405 = arith.andi %get3A_402, %and3A_404 : vector<16xi32>
      %mul3A_406 = arith.constant 64 : i32
      %mul3A_407 = vector.broadcast %mul3A_406 : i32 to vector<16xi32>
      %mul3A_408 = arith.muli %and3A_405, %mul3A_407 : vector<16xi32>
      %get3A_409 = arith.constant 32 : index
      %get3A_410 = tpu.vector_load %arg16[%get3A_409] {strides = array<i32>} : memref<128xi32, #tpu.memory_space<vmem>>, vector<16xi32>,
      %and3A_411 = arith.constant 1 : i32
      %and3A_412 = vector.broadcast %and3A_411 : i32 to vector<16xi32>
      %and3A_413 = arith.andi %get3A_410, %and3A_412 : vector<16xi32>
      %mul3A_414 = arith.constant 64 : i32
      %mul3A_415 = vector.broadcast %mul3A_414 : i32 to vector<16xi32>
      %mul3A_416 = arith.muli %and3A_413, %mul3A_415 : vector<16xi32>
      %shift_right_arithmetic3A_417 = arith.constant 1 : i32
      %shift_right_arithmetic3A_418 = vector.broadcast %shift_right_arithmetic3A_417 : i32 to vector<16xi32>
      %shift_right_arithmetic3A_419 = arith.shrsi %get3A_400, %shift_right_arithmetic3A_418 : vector<16xi32>
      %and3A_420 = arith.constant 1 : i32
      %and3A_421 = vector.broadcast %and3A_420 : i32 to vector<16xi32>
      %and3A_422 = arith.andi %get3A_400, %and3A_421 : vector<16xi32>
      %mul3A_423 = arith.constant 64 : i32
      %mul3A_424 = vector.broadcast %mul3A_423 : i32 to vector<16xi32>
      %mul3A_425 = arith.muli %and3A_422, %mul3A_424 : vector<16xi32>
      %broadcast_in_dim3A_426 = arith.constant 0.000000e+00 : f32
      %broadcast_in_dim3A_427 = vector.broadcast %broadcast_in_dim3A_426 : f32 to vector<16xf32>
      %scan3A_428 = arith.constant 0 : i32
      %scan3A_429 = arith.constant 64 : i32
      %scan3A_430 = arith.addi %scan3A_428, %scan3A_429 : i32
      %scan3A_431 = arith.constant 1 : i32
      %scan3A_432 = scf.for %scan3A_726 = %scan3A_428 to %scan3A_430 step %scan3A_431 iter_args(%scan3A_727 = %broadcast_in_dim3A_427) -> (vector<16xf32>)  : i32 {
        %broadcast_in_dim3A_728 = vector.broadcast %scan3A_726 : i32 to vector<16xi32>
        %add3A_729 = arith.addi %broadcast_in_dim3A_728, %mul3A_408 : vector<16xi32>
        %gather3A = tpu.vector_load_idx %arg33[%add3A_398, %add3A_729] : memref<128x128xf32, #tpu.memory_space<vmem>>[vector<16xi32>, vector<16xi32>], vector<16xf32>,
        %add3A_730 = arith.addi %broadcast_in_dim3A_728, %mul3A_416 : vector<16xi32>
        %gather3A_731 = tpu.vector_load_idx %arg34[%add3A_398, %add3A_730] : memref<128x128xf32, #tpu.memory_space<vmem>>[vector<16xi32>, vector<16xi32>], vector<16xf32>,
        %add3A_732 = arith.addi %broadcast_in_dim3A_728, %mul3A_425 : vector<16xi32>
        %gather3A_733 = tpu.vector_load_idx %arg14[%shift_right_arithmetic3A_419, %add3A_732] : memref<16x128xf32, #tpu.memory_space<vmem>>[vector<16xi32>, vector<16xi32>], vector<16xf32>,
        %mul3A_734 = arith.mulf %gather3A, %gather3A_733 : vector<16xf32>
        %mul3A_735 = arith.mulf %mul3A_734, %gather3A_731 : vector<16xf32>
        %add3A_736 = arith.addf %scan3A_727, %mul3A_735 : vector<16xf32>
        scf.yield %add3A_736 : vector<16xf32>
      }
      %scan3A_433 = arith.constant 64 : i32
      %neg3A_434 = arith.constant 0.000000e+00 : f32
      %neg3A_435 = vector.broadcast %neg3A_434 : f32 to vector<16xf32>
      %neg3A_436 = arith.subf %neg3A_435, %scan3A_432 : vector<16xf32>
      %exp3A_437 = math.exp %neg3A_436 : vector<16xf32>
      %add3A_438 = arith.constant 1.000000e+00 : f32
      %add3A_439 = vector.broadcast %add3A_438 : f32 to vector<16xf32>
      %add3A_440 = arith.addf %add3A_439, %exp3A_437 : vector<16xf32>
      %div3A_441 = arith.constant 1.000000e+00 : f32
      %div3A_442 = vector.broadcast %div3A_441 : f32 to vector<16xf32>
      %div3A_443 = arith.divf %div3A_442, %add3A_440 : vector<16xf32>
      %mul3A_444 = arith.constant 128 : i32
      %mul3A_445 = arith.muli %scan3A_31, %mul3A_444 : i32
      %add3A_446 = arith.constant 32 : i32
      %add3A_447 = arith.addi %mul3A_445, %add3A_446 : i32
      %swap3A_448 = arith.index_cast %add3A_447 : i32 to index
      %swap3A_449 = tpu.vector_load %arg35[%swap3A_448] {strides = array<i32>} : memref<512xf32, #tpu.memory_space<vmem>>, vector<16xf32>,
      tpu.vector_store %arg35[%swap3A_448], %div3A_443 {strides = array<i32>} : memref<512xf32, #tpu.memory_space<vmem>>, vector<16xf32>,
      %iota3A_450 = tpu.iota {dimensions = array<i32: 0>} : vector<16xi32>
      %add3A_451 = arith.constant 48 : i32
      %add3A_452 = vector.broadcast %add3A_451 : i32 to vector<16xi32>
      %add3A_453 = arith.addi %add3A_452, %iota3A_450 : vector<16xi32>
      %get3A_454 = arith.constant 48 : index
      %get3A_455 = tpu.vector_load %arg19[%get3A_454] {strides = array<i32>} : memref<128xi32, #tpu.memory_space<vmem>>, vector<16xi32>,
      %get3A_456 = arith.constant 48 : index
      %get3A_457 = tpu.vector_load %arg15[%get3A_456] {strides = array<i32>} : memref<128xi32, #tpu.memory_space<vmem>>, vector<16xi32>,
      %and3A_458 = arith.constant 1 : i32
      %and3A_459 = vector.broadcast %and3A_458 : i32 to vector<16xi32>
      %and3A_460 = arith.andi %get3A_457, %and3A_459 : vector<16xi32>
      %mul3A_461 = arith.constant 64 : i32
      %mul3A_462 = vector.broadcast %mul3A_461 : i32 to vector<16xi32>
      %mul3A_463 = arith.muli %and3A_460, %mul3A_462 : vector<16xi32>
      %get3A_464 = arith.constant 48 : index
      %get3A_465 = tpu.vector_load %arg16[%get3A_464] {strides = array<i32>} : memref<128xi32, #tpu.memory_space<vmem>>, vector<16xi32>,
      %and3A_466 = arith.constant 1 : i32
      %and3A_467 = vector.broadcast %and3A_466 : i32 to vector<16xi32>
      %and3A_468 = arith.andi %get3A_465, %and3A_467 : vector<16xi32>
      %mul3A_469 = arith.constant 64 : i32
      %mul3A_470 = vector.broadcast %mul3A_469 : i32 to vector<16xi32>
      %mul3A_471 = arith.muli %and3A_468, %mul3A_470 : vector<16xi32>
      %shift_right_arithmetic3A_472 = arith.constant 1 : i32
      %shift_right_arithmetic3A_473 = vector.broadcast %shift_right_arithmetic3A_472 : i32 to vector<16xi32>
      %shift_right_arithmetic3A_474 = arith.shrsi %get3A_455, %shift_right_arithmetic3A_473 : vector<16xi32>
      %and3A_475 = arith.constant 1 : i32
      %and3A_476 = vector.broadcast %and3A_475 : i32 to vector<16xi32>
      %and3A_477 = arith.andi %get3A_455, %and3A_476 : vector<16xi32>
      %mul3A_478 = arith.constant 64 : i32
      %mul3A_479 = vector.broadcast %mul3A_478 : i32 to vector<16xi32>
      %mul3A_480 = arith.muli %and3A_477, %mul3A_479 : vector<16xi32>
      %broadcast_in_dim3A_481 = arith.constant 0.000000e+00 : f32
      %broadcast_in_dim3A_482 = vector.broadcast %broadcast_in_dim3A_481 : f32 to vector<16xf32>
      %scan3A_483 = arith.constant 0 : i32
      %scan3A_484 = arith.constant 64 : i32
      %scan3A_485 = arith.addi %scan3A_483, %scan3A_484 : i32
      %scan3A_486 = arith.constant 1 : i32
      %scan3A_487 = scf.for %scan3A_726 = %scan3A_483 to %scan3A_485 step %scan3A_486 iter_args(%scan3A_727 = %broadcast_in_dim3A_482) -> (vector<16xf32>)  : i32 {
        %broadcast_in_dim3A_728 = vector.broadcast %scan3A_726 : i32 to vector<16xi32>
        %add3A_729 = arith.addi %broadcast_in_dim3A_728, %mul3A_463 : vector<16xi32>
        %gather3A = tpu.vector_load_idx %arg33[%add3A_453, %add3A_729] : memref<128x128xf32, #tpu.memory_space<vmem>>[vector<16xi32>, vector<16xi32>], vector<16xf32>,
        %add3A_730 = arith.addi %broadcast_in_dim3A_728, %mul3A_471 : vector<16xi32>
        %gather3A_731 = tpu.vector_load_idx %arg34[%add3A_453, %add3A_730] : memref<128x128xf32, #tpu.memory_space<vmem>>[vector<16xi32>, vector<16xi32>], vector<16xf32>,
        %add3A_732 = arith.addi %broadcast_in_dim3A_728, %mul3A_480 : vector<16xi32>
        %gather3A_733 = tpu.vector_load_idx %arg14[%shift_right_arithmetic3A_474, %add3A_732] : memref<16x128xf32, #tpu.memory_space<vmem>>[vector<16xi32>, vector<16xi32>], vector<16xf32>,
        %mul3A_734 = arith.mulf %gather3A, %gather3A_733 : vector<16xf32>
        %mul3A_735 = arith.mulf %mul3A_734, %gather3A_731 : vector<16xf32>
        %add3A_736 = arith.addf %scan3A_727, %mul3A_735 : vector<16xf32>
        scf.yield %add3A_736 : vector<16xf32>
      }
      %scan3A_488 = arith.constant 64 : i32
      %neg3A_489 = arith.constant 0.000000e+00 : f32
      %neg3A_490 = vector.broadcast %neg3A_489 : f32 to vector<16xf32>
      %neg3A_491 = arith.subf %neg3A_490, %scan3A_487 : vector<16xf32>
      %exp3A_492 = math.exp %neg3A_491 : vector<16xf32>
      %add3A_493 = arith.constant 1.000000e+00 : f32
      %add3A_494 = vector.broadcast %add3A_493 : f32 to vector<16xf32>
      %add3A_495 = arith.addf %add3A_494, %exp3A_492 : vector<16xf32>
      %div3A_496 = arith.constant 1.000000e+00 : f32
      %div3A_497 = vector.broadcast %div3A_496 : f32 to vector<16xf32>
      %div3A_498 = arith.divf %div3A_497, %add3A_495 : vector<16xf32>
      %mul3A_499 = arith.constant 128 : i32
      %mul3A_500 = arith.muli %scan3A_31, %mul3A_499 : i32
      %add3A_501 = arith.constant 48 : i32
      %add3A_502 = arith.addi %mul3A_500, %add3A_501 : i32
      %swap3A_503 = arith.index_cast %add3A_502 : i32 to index
      %swap3A_504 = tpu.vector_load %arg35[%swap3A_503] {strides = array<i32>} : memref<512xf32, #tpu.memory_space<vmem>>, vector<16xf32>,
      tpu.vector_store %arg35[%swap3A_503], %div3A_498 {strides = array<i32>} : memref<512xf32, #tpu.memory_space<vmem>>, vector<16xf32>,
      %iota3A_505 = tpu.iota {dimensions = array<i32: 0>} : vector<16xi32>
      %add3A_506 = arith.constant 64 : i32
      %add3A_507 = vector.broadcast %add3A_506 : i32 to vector<16xi32>
      %add3A_508 = arith.addi %add3A_507, %iota3A_505 : vector<16xi32>
      %get3A_509 = arith.constant 64 : index
      %get3A_510 = tpu.vector_load %arg19[%get3A_509] {strides = array<i32>} : memref<128xi32, #tpu.memory_space<vmem>>, vector<16xi32>,
      %get3A_511 = arith.constant 64 : index
      %get3A_512 = tpu.vector_load %arg15[%get3A_511] {strides = array<i32>} : memref<128xi32, #tpu.memory_space<vmem>>, vector<16xi32>,
      %and3A_513 = arith.constant 1 : i32
      %and3A_514 = vector.broadcast %and3A_513 : i32 to vector<16xi32>
      %and3A_515 = arith.andi %get3A_512, %and3A_514 : vector<16xi32>
      %mul3A_516 = arith.constant 64 : i32
      %mul3A_517 = vector.broadcast %mul3A_516 : i32 to vector<16xi32>
      %mul3A_518 = arith.muli %and3A_515, %mul3A_517 : vector<16xi32>
      %get3A_519 = arith.constant 64 : index
      %get3A_520 = tpu.vector_load %arg16[%get3A_519] {strides = array<i32>} : memref<128xi32, #tpu.memory_space<vmem>>, vector<16xi32>,
      %and3A_521 = arith.constant 1 : i32
      %and3A_522 = vector.broadcast %and3A_521 : i32 to vector<16xi32>
      %and3A_523 = arith.andi %get3A_520, %and3A_522 : vector<16xi32>
      %mul3A_524 = arith.constant 64 : i32
      %mul3A_525 = vector.broadcast %mul3A_524 : i32 to vector<16xi32>
      %mul3A_526 = arith.muli %and3A_523, %mul3A_525 : vector<16xi32>
      %shift_right_arithmetic3A_527 = arith.constant 1 : i32
      %shift_right_arithmetic3A_528 = vector.broadcast %shift_right_arithmetic3A_527 : i32 to vector<16xi32>
      %shift_right_arithmetic3A_529 = arith.shrsi %get3A_510, %shift_right_arithmetic3A_528 : vector<16xi32>
      %and3A_530 = arith.constant 1 : i32
      %and3A_531 = vector.broadcast %and3A_530 : i32 to vector<16xi32>
      %and3A_532 = arith.andi %get3A_510, %and3A_531 : vector<16xi32>
      %mul3A_533 = arith.constant 64 : i32
      %mul3A_534 = vector.broadcast %mul3A_533 : i32 to vector<16xi32>
      %mul3A_535 = arith.muli %and3A_532, %mul3A_534 : vector<16xi32>
      %broadcast_in_dim3A_536 = arith.constant 0.000000e+00 : f32
      %broadcast_in_dim3A_537 = vector.broadcast %broadcast_in_dim3A_536 : f32 to vector<16xf32>
      %scan3A_538 = arith.constant 0 : i32
      %scan3A_539 = arith.constant 64 : i32
      %scan3A_540 = arith.addi %scan3A_538, %scan3A_539 : i32
      %scan3A_541 = arith.constant 1 : i32
      %scan3A_542 = scf.for %scan3A_726 = %scan3A_538 to %scan3A_540 step %scan3A_541 iter_args(%scan3A_727 = %broadcast_in_dim3A_537) -> (vector<16xf32>)  : i32 {
        %broadcast_in_dim3A_728 = vector.broadcast %scan3A_726 : i32 to vector<16xi32>
        %add3A_729 = arith.addi %broadcast_in_dim3A_728, %mul3A_518 : vector<16xi32>
        %gather3A = tpu.vector_load_idx %arg33[%add3A_508, %add3A_729] : memref<128x128xf32, #tpu.memory_space<vmem>>[vector<16xi32>, vector<16xi32>], vector<16xf32>,
        %add3A_730 = arith.addi %broadcast_in_dim3A_728, %mul3A_526 : vector<16xi32>
        %gather3A_731 = tpu.vector_load_idx %arg34[%add3A_508, %add3A_730] : memref<128x128xf32, #tpu.memory_space<vmem>>[vector<16xi32>, vector<16xi32>], vector<16xf32>,
        %add3A_732 = arith.addi %broadcast_in_dim3A_728, %mul3A_535 : vector<16xi32>
        %gather3A_733 = tpu.vector_load_idx %arg14[%shift_right_arithmetic3A_529, %add3A_732] : memref<16x128xf32, #tpu.memory_space<vmem>>[vector<16xi32>, vector<16xi32>], vector<16xf32>,
        %mul3A_734 = arith.mulf %gather3A, %gather3A_733 : vector<16xf32>
        %mul3A_735 = arith.mulf %mul3A_734, %gather3A_731 : vector<16xf32>
        %add3A_736 = arith.addf %scan3A_727, %mul3A_735 : vector<16xf32>
        scf.yield %add3A_736 : vector<16xf32>
      }
      %scan3A_543 = arith.constant 64 : i32
      %neg3A_544 = arith.constant 0.000000e+00 : f32
      %neg3A_545 = vector.broadcast %neg3A_544 : f32 to vector<16xf32>
      %neg3A_546 = arith.subf %neg3A_545, %scan3A_542 : vector<16xf32>
      %exp3A_547 = math.exp %neg3A_546 : vector<16xf32>
      %add3A_548 = arith.constant 1.000000e+00 : f32
      %add3A_549 = vector.broadcast %add3A_548 : f32 to vector<16xf32>
      %add3A_550 = arith.addf %add3A_549, %exp3A_547 : vector<16xf32>
      %div3A_551 = arith.constant 1.000000e+00 : f32
      %div3A_552 = vector.broadcast %div3A_551 : f32 to vector<16xf32>
      %div3A_553 = arith.divf %div3A_552, %add3A_550 : vector<16xf32>
      %mul3A_554 = arith.constant 128 : i32
      %mul3A_555 = arith.muli %scan3A_31, %mul3A_554 : i32
      %add3A_556 = arith.constant 64 : i32
      %add3A_557 = arith.addi %mul3A_555, %add3A_556 : i32
      %swap3A_558 = arith.index_cast %add3A_557 : i32 to index
      %swap3A_559 = tpu.vector_load %arg35[%swap3A_558] {strides = array<i32>} : memref<512xf32, #tpu.memory_space<vmem>>, vector<16xf32>,
      tpu.vector_store %arg35[%swap3A_558], %div3A_553 {strides = array<i32>} : memref<512xf32, #tpu.memory_space<vmem>>, vector<16xf32>,
      %iota3A_560 = tpu.iota {dimensions = array<i32: 0>} : vector<16xi32>
      %add3A_561 = arith.constant 80 : i32
      %add3A_562 = vector.broadcast %add3A_561 : i32 to vector<16xi32>
      %add3A_563 = arith.addi %add3A_562, %iota3A_560 : vector<16xi32>
      %get3A_564 = arith.constant 80 : index
      %get3A_565 = tpu.vector_load %arg19[%get3A_564] {strides = array<i32>} : memref<128xi32, #tpu.memory_space<vmem>>, vector<16xi32>,
      %get3A_566 = arith.constant 80 : index
      %get3A_567 = tpu.vector_load %arg15[%get3A_566] {strides = array<i32>} : memref<128xi32, #tpu.memory_space<vmem>>, vector<16xi32>,
      %and3A_568 = arith.constant 1 : i32
      %and3A_569 = vector.broadcast %and3A_568 : i32 to vector<16xi32>
      %and3A_570 = arith.andi %get3A_567, %and3A_569 : vector<16xi32>
      %mul3A_571 = arith.constant 64 : i32
      %mul3A_572 = vector.broadcast %mul3A_571 : i32 to vector<16xi32>
      %mul3A_573 = arith.muli %and3A_570, %mul3A_572 : vector<16xi32>
      %get3A_574 = arith.constant 80 : index
      %get3A_575 = tpu.vector_load %arg16[%get3A_574] {strides = array<i32>} : memref<128xi32, #tpu.memory_space<vmem>>, vector<16xi32>,
      %and3A_576 = arith.constant 1 : i32
      %and3A_577 = vector.broadcast %and3A_576 : i32 to vector<16xi32>
      %and3A_578 = arith.andi %get3A_575, %and3A_577 : vector<16xi32>
      %mul3A_579 = arith.constant 64 : i32
      %mul3A_580 = vector.broadcast %mul3A_579 : i32 to vector<16xi32>
      %mul3A_581 = arith.muli %and3A_578, %mul3A_580 : vector<16xi32>
      %shift_right_arithmetic3A_582 = arith.constant 1 : i32
      %shift_right_arithmetic3A_583 = vector.broadcast %shift_right_arithmetic3A_582 : i32 to vector<16xi32>
      %shift_right_arithmetic3A_584 = arith.shrsi %get3A_565, %shift_right_arithmetic3A_583 : vector<16xi32>
      %and3A_585 = arith.constant 1 : i32
      %and3A_586 = vector.broadcast %and3A_585 : i32 to vector<16xi32>
      %and3A_587 = arith.andi %get3A_565, %and3A_586 : vector<16xi32>
      %mul3A_588 = arith.constant 64 : i32
      %mul3A_589 = vector.broadcast %mul3A_588 : i32 to vector<16xi32>
      %mul3A_590 = arith.muli %and3A_587, %mul3A_589 : vector<16xi32>
      %broadcast_in_dim3A_591 = arith.constant 0.000000e+00 : f32
      %broadcast_in_dim3A_592 = vector.broadcast %broadcast_in_dim3A_591 : f32 to vector<16xf32>
      %scan3A_593 = arith.constant 0 : i32
      %scan3A_594 = arith.constant 64 : i32
      %scan3A_595 = arith.addi %scan3A_593, %scan3A_594 : i32
      %scan3A_596 = arith.constant 1 : i32
      %scan3A_597 = scf.for %scan3A_726 = %scan3A_593 to %scan3A_595 step %scan3A_596 iter_args(%scan3A_727 = %broadcast_in_dim3A_592) -> (vector<16xf32>)  : i32 {
        %broadcast_in_dim3A_728 = vector.broadcast %scan3A_726 : i32 to vector<16xi32>
        %add3A_729 = arith.addi %broadcast_in_dim3A_728, %mul3A_573 : vector<16xi32>
        %gather3A = tpu.vector_load_idx %arg33[%add3A_563, %add3A_729] : memref<128x128xf32, #tpu.memory_space<vmem>>[vector<16xi32>, vector<16xi32>], vector<16xf32>,
        %add3A_730 = arith.addi %broadcast_in_dim3A_728, %mul3A_581 : vector<16xi32>
        %gather3A_731 = tpu.vector_load_idx %arg34[%add3A_563, %add3A_730] : memref<128x128xf32, #tpu.memory_space<vmem>>[vector<16xi32>, vector<16xi32>], vector<16xf32>,
        %add3A_732 = arith.addi %broadcast_in_dim3A_728, %mul3A_590 : vector<16xi32>
        %gather3A_733 = tpu.vector_load_idx %arg14[%shift_right_arithmetic3A_584, %add3A_732] : memref<16x128xf32, #tpu.memory_space<vmem>>[vector<16xi32>, vector<16xi32>], vector<16xf32>,
        %mul3A_734 = arith.mulf %gather3A, %gather3A_733 : vector<16xf32>
        %mul3A_735 = arith.mulf %mul3A_734, %gather3A_731 : vector<16xf32>
        %add3A_736 = arith.addf %scan3A_727, %mul3A_735 : vector<16xf32>
        scf.yield %add3A_736 : vector<16xf32>
      }
      %scan3A_598 = arith.constant 64 : i32
      %neg3A_599 = arith.constant 0.000000e+00 : f32
      %neg3A_600 = vector.broadcast %neg3A_599 : f32 to vector<16xf32>
      %neg3A_601 = arith.subf %neg3A_600, %scan3A_597 : vector<16xf32>
      %exp3A_602 = math.exp %neg3A_601 : vector<16xf32>
      %add3A_603 = arith.constant 1.000000e+00 : f32
      %add3A_604 = vector.broadcast %add3A_603 : f32 to vector<16xf32>
      %add3A_605 = arith.addf %add3A_604, %exp3A_602 : vector<16xf32>
      %div3A_606 = arith.constant 1.000000e+00 : f32
      %div3A_607 = vector.broadcast %div3A_606 : f32 to vector<16xf32>
      %div3A_608 = arith.divf %div3A_607, %add3A_605 : vector<16xf32>
      %mul3A_609 = arith.constant 128 : i32
      %mul3A_610 = arith.muli %scan3A_31, %mul3A_609 : i32
      %add3A_611 = arith.constant 80 : i32
      %add3A_612 = arith.addi %mul3A_610, %add3A_611 : i32
      %swap3A_613 = arith.index_cast %add3A_612 : i32 to index
      %swap3A_614 = tpu.vector_load %arg35[%swap3A_613] {strides = array<i32>} : memref<512xf32, #tpu.memory_space<vmem>>, vector<16xf32>,
      tpu.vector_store %arg35[%swap3A_613], %div3A_608 {strides = array<i32>} : memref<512xf32, #tpu.memory_space<vmem>>, vector<16xf32>,
      %iota3A_615 = tpu.iota {dimensions = array<i32: 0>} : vector<16xi32>
      %add3A_616 = arith.constant 96 : i32
      %add3A_617 = vector.broadcast %add3A_616 : i32 to vector<16xi32>
      %add3A_618 = arith.addi %add3A_617, %iota3A_615 : vector<16xi32>
      %get3A_619 = arith.constant 96 : index
      %get3A_620 = tpu.vector_load %arg19[%get3A_619] {strides = array<i32>} : memref<128xi32, #tpu.memory_space<vmem>>, vector<16xi32>,
      %get3A_621 = arith.constant 96 : index
      %get3A_622 = tpu.vector_load %arg15[%get3A_621] {strides = array<i32>} : memref<128xi32, #tpu.memory_space<vmem>>, vector<16xi32>,
      %and3A_623 = arith.constant 1 : i32
      %and3A_624 = vector.broadcast %and3A_623 : i32 to vector<16xi32>
      %and3A_625 = arith.andi %get3A_622, %and3A_624 : vector<16xi32>
      %mul3A_626 = arith.constant 64 : i32
      %mul3A_627 = vector.broadcast %mul3A_626 : i32 to vector<16xi32>
      %mul3A_628 = arith.muli %and3A_625, %mul3A_627 : vector<16xi32>
      %get3A_629 = arith.constant 96 : index
      %get3A_630 = tpu.vector_load %arg16[%get3A_629] {strides = array<i32>} : memref<128xi32, #tpu.memory_space<vmem>>, vector<16xi32>,
      %and3A_631 = arith.constant 1 : i32
      %and3A_632 = vector.broadcast %and3A_631 : i32 to vector<16xi32>
      %and3A_633 = arith.andi %get3A_630, %and3A_632 : vector<16xi32>
      %mul3A_634 = arith.constant 64 : i32
      %mul3A_635 = vector.broadcast %mul3A_634 : i32 to vector<16xi32>
      %mul3A_636 = arith.muli %and3A_633, %mul3A_635 : vector<16xi32>
      %shift_right_arithmetic3A_637 = arith.constant 1 : i32
      %shift_right_arithmetic3A_638 = vector.broadcast %shift_right_arithmetic3A_637 : i32 to vector<16xi32>
      %shift_right_arithmetic3A_639 = arith.shrsi %get3A_620, %shift_right_arithmetic3A_638 : vector<16xi32>
      %and3A_640 = arith.constant 1 : i32
      %and3A_641 = vector.broadcast %and3A_640 : i32 to vector<16xi32>
      %and3A_642 = arith.andi %get3A_620, %and3A_641 : vector<16xi32>
      %mul3A_643 = arith.constant 64 : i32
      %mul3A_644 = vector.broadcast %mul3A_643 : i32 to vector<16xi32>
      %mul3A_645 = arith.muli %and3A_642, %mul3A_644 : vector<16xi32>
      %broadcast_in_dim3A_646 = arith.constant 0.000000e+00 : f32
      %broadcast_in_dim3A_647 = vector.broadcast %broadcast_in_dim3A_646 : f32 to vector<16xf32>
      %scan3A_648 = arith.constant 0 : i32
      %scan3A_649 = arith.constant 64 : i32
      %scan3A_650 = arith.addi %scan3A_648, %scan3A_649 : i32
      %scan3A_651 = arith.constant 1 : i32
      %scan3A_652 = scf.for %scan3A_726 = %scan3A_648 to %scan3A_650 step %scan3A_651 iter_args(%scan3A_727 = %broadcast_in_dim3A_647) -> (vector<16xf32>)  : i32 {
        %broadcast_in_dim3A_728 = vector.broadcast %scan3A_726 : i32 to vector<16xi32>
        %add3A_729 = arith.addi %broadcast_in_dim3A_728, %mul3A_628 : vector<16xi32>
        %gather3A = tpu.vector_load_idx %arg33[%add3A_618, %add3A_729] : memref<128x128xf32, #tpu.memory_space<vmem>>[vector<16xi32>, vector<16xi32>], vector<16xf32>,
        %add3A_730 = arith.addi %broadcast_in_dim3A_728, %mul3A_636 : vector<16xi32>
        %gather3A_731 = tpu.vector_load_idx %arg34[%add3A_618, %add3A_730] : memref<128x128xf32, #tpu.memory_space<vmem>>[vector<16xi32>, vector<16xi32>], vector<16xf32>,
        %add3A_732 = arith.addi %broadcast_in_dim3A_728, %mul3A_645 : vector<16xi32>
        %gather3A_733 = tpu.vector_load_idx %arg14[%shift_right_arithmetic3A_639, %add3A_732] : memref<16x128xf32, #tpu.memory_space<vmem>>[vector<16xi32>, vector<16xi32>], vector<16xf32>,
        %mul3A_734 = arith.mulf %gather3A, %gather3A_733 : vector<16xf32>
        %mul3A_735 = arith.mulf %mul3A_734, %gather3A_731 : vector<16xf32>
        %add3A_736 = arith.addf %scan3A_727, %mul3A_735 : vector<16xf32>
        scf.yield %add3A_736 : vector<16xf32>
      }
      %scan3A_653 = arith.constant 64 : i32
      %neg3A_654 = arith.constant 0.000000e+00 : f32
      %neg3A_655 = vector.broadcast %neg3A_654 : f32 to vector<16xf32>
      %neg3A_656 = arith.subf %neg3A_655, %scan3A_652 : vector<16xf32>
      %exp3A_657 = math.exp %neg3A_656 : vector<16xf32>
      %add3A_658 = arith.constant 1.000000e+00 : f32
      %add3A_659 = vector.broadcast %add3A_658 : f32 to vector<16xf32>
      %add3A_660 = arith.addf %add3A_659, %exp3A_657 : vector<16xf32>
      %div3A_661 = arith.constant 1.000000e+00 : f32
      %div3A_662 = vector.broadcast %div3A_661 : f32 to vector<16xf32>
      %div3A_663 = arith.divf %div3A_662, %add3A_660 : vector<16xf32>
      %mul3A_664 = arith.constant 128 : i32
      %mul3A_665 = arith.muli %scan3A_31, %mul3A_664 : i32
      %add3A_666 = arith.constant 96 : i32
      %add3A_667 = arith.addi %mul3A_665, %add3A_666 : i32
      %swap3A_668 = arith.index_cast %add3A_667 : i32 to index
      %swap3A_669 = tpu.vector_load %arg35[%swap3A_668] {strides = array<i32>} : memref<512xf32, #tpu.memory_space<vmem>>, vector<16xf32>,
      tpu.vector_store %arg35[%swap3A_668], %div3A_663 {strides = array<i32>} : memref<512xf32, #tpu.memory_space<vmem>>, vector<16xf32>,
      %iota3A_670 = tpu.iota {dimensions = array<i32: 0>} : vector<16xi32>
      %add3A_671 = arith.constant 112 : i32
      %add3A_672 = vector.broadcast %add3A_671 : i32 to vector<16xi32>
      %add3A_673 = arith.addi %add3A_672, %iota3A_670 : vector<16xi32>
      %get3A_674 = arith.constant 112 : index
      %get3A_675 = tpu.vector_load %arg19[%get3A_674] {strides = array<i32>} : memref<128xi32, #tpu.memory_space<vmem>>, vector<16xi32>,
      %get3A_676 = arith.constant 112 : index
      %get3A_677 = tpu.vector_load %arg15[%get3A_676] {strides = array<i32>} : memref<128xi32, #tpu.memory_space<vmem>>, vector<16xi32>,
      %and3A_678 = arith.constant 1 : i32
      %and3A_679 = vector.broadcast %and3A_678 : i32 to vector<16xi32>
      %and3A_680 = arith.andi %get3A_677, %and3A_679 : vector<16xi32>
      %mul3A_681 = arith.constant 64 : i32
      %mul3A_682 = vector.broadcast %mul3A_681 : i32 to vector<16xi32>
      %mul3A_683 = arith.muli %and3A_680, %mul3A_682 : vector<16xi32>
      %get3A_684 = arith.constant 112 : index
      %get3A_685 = tpu.vector_load %arg16[%get3A_684] {strides = array<i32>} : memref<128xi32, #tpu.memory_space<vmem>>, vector<16xi32>,
      %and3A_686 = arith.constant 1 : i32
      %and3A_687 = vector.broadcast %and3A_686 : i32 to vector<16xi32>
      %and3A_688 = arith.andi %get3A_685, %and3A_687 : vector<16xi32>
      %mul3A_689 = arith.constant 64 : i32
      %mul3A_690 = vector.broadcast %mul3A_689 : i32 to vector<16xi32>
      %mul3A_691 = arith.muli %and3A_688, %mul3A_690 : vector<16xi32>
      %shift_right_arithmetic3A_692 = arith.constant 1 : i32
      %shift_right_arithmetic3A_693 = vector.broadcast %shift_right_arithmetic3A_692 : i32 to vector<16xi32>
      %shift_right_arithmetic3A_694 = arith.shrsi %get3A_675, %shift_right_arithmetic3A_693 : vector<16xi32>
      %and3A_695 = arith.constant 1 : i32
      %and3A_696 = vector.broadcast %and3A_695 : i32 to vector<16xi32>
      %and3A_697 = arith.andi %get3A_675, %and3A_696 : vector<16xi32>
      %mul3A_698 = arith.constant 64 : i32
      %mul3A_699 = vector.broadcast %mul3A_698 : i32 to vector<16xi32>
      %mul3A_700 = arith.muli %and3A_697, %mul3A_699 : vector<16xi32>
      %broadcast_in_dim3A_701 = arith.constant 0.000000e+00 : f32
      %broadcast_in_dim3A_702 = vector.broadcast %broadcast_in_dim3A_701 : f32 to vector<16xf32>
      %scan3A_703 = arith.constant 0 : i32
      %scan3A_704 = arith.constant 64 : i32
      %scan3A_705 = arith.addi %scan3A_703, %scan3A_704 : i32
      %scan3A_706 = arith.constant 1 : i32
      %scan3A_707 = scf.for %scan3A_726 = %scan3A_703 to %scan3A_705 step %scan3A_706 iter_args(%scan3A_727 = %broadcast_in_dim3A_702) -> (vector<16xf32>)  : i32 {
        %broadcast_in_dim3A_728 = vector.broadcast %scan3A_726 : i32 to vector<16xi32>
        %add3A_729 = arith.addi %broadcast_in_dim3A_728, %mul3A_683 : vector<16xi32>
        %gather3A = tpu.vector_load_idx %arg33[%add3A_673, %add3A_729] : memref<128x128xf32, #tpu.memory_space<vmem>>[vector<16xi32>, vector<16xi32>], vector<16xf32>,
        %add3A_730 = arith.addi %broadcast_in_dim3A_728, %mul3A_691 : vector<16xi32>
        %gather3A_731 = tpu.vector_load_idx %arg34[%add3A_673, %add3A_730] : memref<128x128xf32, #tpu.memory_space<vmem>>[vector<16xi32>, vector<16xi32>], vector<16xf32>,
        %add3A_732 = arith.addi %broadcast_in_dim3A_728, %mul3A_700 : vector<16xi32>
        %gather3A_733 = tpu.vector_load_idx %arg14[%shift_right_arithmetic3A_694, %add3A_732] : memref<16x128xf32, #tpu.memory_space<vmem>>[vector<16xi32>, vector<16xi32>], vector<16xf32>,
        %mul3A_734 = arith.mulf %gather3A, %gather3A_733 : vector<16xf32>
        %mul3A_735 = arith.mulf %mul3A_734, %gather3A_731 : vector<16xf32>
        %add3A_736 = arith.addf %scan3A_727, %mul3A_735 : vector<16xf32>
        scf.yield %add3A_736 : vector<16xf32>
      }
      %scan3A_708 = arith.constant 64 : i32
      %neg3A_709 = arith.constant 0.000000e+00 : f32
      %neg3A_710 = vector.broadcast %neg3A_709 : f32 to vector<16xf32>
      %neg3A_711 = arith.subf %neg3A_710, %scan3A_707 : vector<16xf32>
      %exp3A_712 = math.exp %neg3A_711 : vector<16xf32>
      %add3A_713 = arith.constant 1.000000e+00 : f32
      %add3A_714 = vector.broadcast %add3A_713 : f32 to vector<16xf32>
      %add3A_715 = arith.addf %add3A_714, %exp3A_712 : vector<16xf32>
      %div3A_716 = arith.constant 1.000000e+00 : f32
      %div3A_717 = vector.broadcast %div3A_716 : f32 to vector<16xf32>
      %div3A_718 = arith.divf %div3A_717, %add3A_715 : vector<16xf32>
      %mul3A_719 = arith.constant 128 : i32
      %mul3A_720 = arith.muli %scan3A_31, %mul3A_719 : i32
      %add3A_721 = arith.constant 112 : i32
      %add3A_722 = arith.addi %mul3A_720, %add3A_721 : i32
      %swap3A_723 = arith.index_cast %add3A_722 : i32 to index
      %swap3A_724 = tpu.vector_load %arg35[%swap3A_723] {strides = array<i32>} : memref<512xf32, #tpu.memory_space<vmem>>, vector<16xf32>,
      tpu.vector_store %arg35[%swap3A_723], %div3A_718 {strides = array<i32>} : memref<512xf32, #tpu.memory_space<vmem>>, vector<16xf32>,
      %scan3A_725 = arith.constant 0 : i32
      scf.yield %scan3A_725 : i32
    }
    %scan3A_28 = arith.constant 4 : i32
    %mul3A_29 = arith.constant 512 : i32
    %mul3A_30 = arith.muli %add3A, %mul3A_29 : i32
    "tpu.region"() ({
      %run_scoped3A = tpu.sem_alloc : memref<!tpu.dma_semaphore, #tpu.memory_space<semaphore_mem>>
      %dma_start3A = tpu.memref_slice %arg10[%mul3A_30] : memref<16384xf32, #tpu.memory_space<hbm>> -> memref<512xf32, #tpu.memory_space<hbm>>
      %dma_start3A_31 = tpu.memref_slice %arg10[%mul3A_30] : memref<16384xf32, #tpu.memory_space<hbm>> -> memref<512xf32, #tpu.memory_space<hbm>>
      tpu.enqueue_dma source(%arg35 : memref<512xf32, #tpu.memory_space<vmem>>) target(%dma_start3A_31 : memref<512xf32, #tpu.memory_space<hbm>>) target_semaphore(%run_scoped3A : memref<!tpu.dma_semaphore, #tpu.memory_space<semaphore_mem>>)
      %dma_wait3A = tpu.memref_slice %arg10[%mul3A_30] : memref<16384xf32, #tpu.memory_space<hbm>> -> memref<512xf32, #tpu.memory_space<hbm>>
      %dma_wait3A_32 = tpu.memref_slice %arg10[%mul3A_30] : memref<16384xf32, #tpu.memory_space<hbm>> -> memref<512xf32, #tpu.memory_space<hbm>>
      tpu.wait_dma2 semaphore(%run_scoped3A : memref<!tpu.dma_semaphore, #tpu.memory_space<semaphore_mem>>) src(%arg35 : memref<512xf32, #tpu.memory_space<vmem>>) dst(%dma_wait3A_32 : memref<512xf32, #tpu.memory_space<hbm>>)
      tpu.yield
    }) : () -> ()
    return
  }
}

</mosaic_0001>

<sc_bundles>
// kernel: kernel.3.cloned.1.call-start
scs
__scs_entry_jumppad:
0x0: {  	(pc) =	sbr.rel $0x88, $3  }
0x1: {  	(tag) =	ssettag $0x0;
	lr =	simm.s32 $0x1  }
0x2: {  	[smem:$0x3F99] =	sst lr;
	_ =	strace $0xD0000000  }
0x3: {  	_ = 	snop  }
0x4: {  	_ = 	snop  }
0x5: {  	_ = 	snop  }
0x6: {  	_ = 	snop  }
0x7: {  	_ = 	snop  }
__scs_overlays_trampoline_lowered:
0x8: {  	[smem:$0x3FA8] =	sst s0  }
0x9: {  	[smem:$0x3FA9] =	sst s1  }
0xa: {  	[smem:$0x3FAA] =	sst s2  }
0xb: {  	[smem:$0x3FAB] =	sst s3  }
0xc: {  	[smem:$0x3FAC] =	sst s4  }
0xd: {  	[smem:$0x3FAD] =	sst s5  }
0xe: {  	[smem:$0x3FAE] =	sst s6  }
0xf: {  	[smem:$0x3FAF] =	sst s7  }
0x10: {  	[smem:$0x3FB0] =	sst s8  }
0x11: {  	[smem:$0x3FB1] =	sst s9;
	s0 =	simm.s32 @!p0 $0x0  }
0x12: {  	s1 =	sld [smem:$0x3F97];
	s0 =	simm.s32 @p0 $0x1  }
0x13: {  	[smem:$0x3FB2] =	sst s0;
	s0 =	simm.s32 @!p1 $0x0  }
0x14: {  	s2 =	sld [smem:$0x3F96];
	s0 =	simm.s32 @p1 $0x1  }
0x15: {  	[smem:$0x3FB3] =	sst s0;
	s0 =	simm.s32 @!p2 $0x0  }
0x16: {  	s3 =	sld [smem:$0x3FDB];
	s0 =	simm.s32 @p2 $0x1  }
0x17: {  	s4 =	simm.s32 $0x1BF5;
	[smem:$0x3FB5] =	sst s0  }
0x18: {  	s0 =	sld [smem:$0x3F98];
	_ =	swait.ge [sflag:s4], $0x0  }
0x19: {  	s7 =	sld [smem:$0x3F99]  }
0x1a: {  	s8 =	sadd.s32 $0xFFFFE003, lr  }
0x1b: {  	s9 =	sadd.s32 $0xFFFFFEF7, lr;
	s5 =	simm.s32 $0xFFFFFFFF;
	p2 =	slt.u32 s8, $0xFFFFF086  }
0x1c: {  	p1 =	slt.u32 s9, $0xF7A;
	s5 =	simm.s32 @!p2 $0x0  }
0x1d: {  	s5 =	simm.s32 @p1 $0x1;
	p0 =	seq.s32 s7, s2  }
0x1e: {  	s7 =	smul.u32 @!p0 $0xF7A, s2;
	p2 =	seq.s32 @!p0 s5, $0x0  }
0x1f: {  	s9 =	smul.u32 $0xF7A, s1;
	s8 =	simm.s32 @!p0 $0x1BF5;
	p2 =	por !p2, p0  }
0x20: {  	[sflag:s8] =	ssyncset.s32 @!p0 $0xFFFFF086;
	s6 =	sadd.s32 @!p0 s3, s7;
	s7 =	simm.s32 @!p0 $0x108  }
0x21: {  	s3 =	sadd.s32 s3, s9;
	s6 =	sadd.s32 @!p0 $0x88, s6;
	s7 =	simm.s32 @p2 $0x1082  }
0x22: {  	[simem:s7], [sflag:s8] =	dma.local @!p0 [hbm:s6], $0xF7A  }
0x23: {  	s9 =	sor.u32 $0xD0000000, s2;
	s6 =	simm.s32 $0x108;
	_ =	swait.ge @!p0 [sflag:s8], $0x0  }
0x24: {  	s3 =	sadd.s32 $0x88, s3;
	s6 =	simm.s32 @!p1 $0x1082;
	[sflag:s4] =	ssyncset.s32 $0xFFFFF086  }
0x25: {  	[simem:s6], [sflag:s4] =	dma.local [hbm:s3], $0xF7A  }
0x26: {  	[smem:$0x3F99] =	sst s1;
	(tag) =	ssettag s2;
	_ =	strace s9  }
0x27: {  	s1 =	sld [smem:$0x3FA9]  }
0x28: {  	s2 =	sld [smem:$0x3FAA]  }
0x29: {  	s4 =	sld [smem:$0x3FAC]  }
0x2a: {  	p0 =	seq.s32 s5, $0x0;
	s5 =	sld [smem:$0x3FAD]  }
0x2b: {  	s6 =	sld [smem:$0x3FAE]  }
0x2c: {  	s7 =	sld [smem:$0x3FAF]  }
0x2d: {  	s3 =	simm.s32 $0x108;
	s8 =	sld [smem:$0x3FB0]  }
0x2e: {  	s3 =	simm.s32 @!p0 $0x1082;
	s9 =	sld [smem:$0x3FB1]  }
0x2f: {  	lr =	sadd.s32 s0, s3;
	s0 =	sld [smem:$0x3FA8]  }
0x30: {  	s3 =	sld [smem:$0x3FAB]  }
0x31: {  	[smem:$0x3FB4] =	sst s10  }
0x32: {  	s10 =	sld [smem:$0x3FB2];
	_ =	sdelay $0x3  }
0x33: {  	p0 =	seq.s32 s10, $0x1;
	s10 =	sld [smem:$0x3FB4];
	_ =	sdelay $0x3  }
0x34: {  	[smem:$0x3FB4] =	sst s10  }
0x35: {  	s10 =	sld [smem:$0x3FB3];
	_ =	sdelay $0x3  }
0x36: {  	p1 =	seq.s32 s10, $0x1;
	s10 =	sld [smem:$0x3FB4];
	_ =	sdelay $0x3  }
0x37: {  	[smem:$0x3FB4] =	sst s10  }
0x38: {  	s10 =	sld [smem:$0x3FB5]  }
0x39: {  	_ = 	snop;
	(pc) =	sbr.ind lr, $3  }
0x3a: {  	_ = 	snop  }
0x3b: {  	_ = 	snop  }
0x3c: {  	p2 =	seq.s32 s10, $0x1;
	s10 =	sld [smem:$0x3FB4]  }
0x3d: {  	_ =	shalt  }
0x3e: {  	_ =	shalt  }
0x3f: {  	_ =	shalt  }
0x40: {  	_ =	shalt  }
0x41: {  	_ =	shalt  }
0x42: {  	_ =	shalt  }
0x43: {  	_ =	shalt  }
0x44: {  	_ =	shalt  }
0x45: {  	_ =	shalt  }
0x46: {  	_ =	shalt  }
0x47: {  	_ =	shalt  }
0x48: {  	_ =	shalt  }
0x49: {  	_ =	shalt  }
0x4a: {  	_ =	shalt  }
0x4b: {  	_ =	shalt  }
0x4c: {  	_ =	shalt  }
0x4d: {  	_ =	shalt  }
0x4e: {  	_ =	shalt  }
0x4f: {  	_ =	shalt  }
0x50: {  	_ =	shalt  }
0x51: {  	_ =	shalt  }
0x52: {  	_ =	shalt  }
0x53: {  	_ =	shalt  }
0x54: {  	_ =	shalt  }
0x55: {  	_ =	shalt  }
0x56: {  	_ =	shalt  }
0x57: {  	_ =	shalt  }
0x58: {  	_ =	shalt  }
0x59: {  	_ =	shalt  }
0x5a: {  	_ =	shalt  }
0x5b: {  	_ =	shalt  }
0x5c: {  	_ =	shalt  }
0x5d: {  	_ =	shalt  }
0x5e: {  	_ =	shalt  }
0x5f: {  	_ =	shalt  }
0x60: {  	_ =	shalt  }
0x61: {  	_ =	shalt  }
0x62: {  	_ =	shalt  }
0x63: {  	_ =	shalt  }
0x64: {  	_ =	shalt  }
0x65: {  	_ =	shalt  }
0x66: {  	_ =	shalt  }
0x67: {  	_ =	shalt  }
0x68: {  	_ =	shalt  }
0x69: {  	_ =	shalt  }
0x6a: {  	_ =	shalt  }
0x6b: {  	_ =	shalt  }
0x6c: {  	_ =	shalt  }
0x6d: {  	_ =	shalt  }
0x6e: {  	_ =	shalt  }
0x6f: {  	_ =	shalt  }
0x70: {  	_ =	shalt  }
0x71: {  	_ =	shalt  }
0x72: {  	_ =	shalt  }
0x73: {  	_ =	shalt  }
0x74: {  	_ =	shalt  }
0x75: {  	_ =	shalt  }
0x76: {  	_ =	shalt  }
0x77: {  	_ =	shalt  }
0x78: {  	_ =	shalt  }
0x79: {  	_ =	shalt  }
0x7a: {  	_ =	shalt  }
0x7b: {  	_ =	shalt  }
0x7c: {  	_ =	shalt  }
0x7d: {  	_ =	shalt  }
0x7e: {  	_ =	shalt  }
0x7f: {  	_ =	shalt  }
0x80: {  	_ =	shalt  }
0x81: {  	_ =	shalt  }
0x82: {  	_ =	shalt  }
0x83: {  	_ =	shalt  }
0x84: {  	_ =	shalt  }
0x85: {  	_ =	shalt  }
0x86: {  	_ =	shalt  }
0x87: {  	_ =	shalt  }
.Lfunc_end0:
.L_simem_size_0:
called_computation_lowered:
.L_overlay_start_0:
0x88: {  	s2 =	sld [smem:$0x3FD9]  }
0x89: {  	s3 =	sld [smem:$0x3FFE];
	_ =	sdelay $0x1  }
0x8a: {  	s1 =	srdreg.scid  }
0x8b: {  	s0 =	sand.u32 $0x1, s1  }
0x8c: {  	s17 =	sshll.u32 s0, $0xA;
	s2 =	sadd.s32 s3, s2  }
0x8d: {  	s2 =	sadd.s32 s2, s17  }
0x8e: {  	[smem:$0x3FC0] =	sst s2  }
0x8f: {  	_ = 	snop  }
0x90: {  	s2 =	sld [smem:$0x3FC7]  }
0x91: {  	s18 =	sld [smem:$0x3FC6]  }
0x92: {  	s4 =	sld [smem:$0x3FC5]  }
0x93: {  	s5 =	sld [smem:$0x3FC2]  }
0x94: {  	s6 =	sld [smem:$0x3FD0];
	(tm) =	ssettm $0x1  }
0x95: {  	s7 =	sld [smem:$0x3FFB];
	_ =	sdelay $0x3  }
0x96: {  	_ =	strace s7  }
0x97: {  	s7 =	sld [smem:$0x3FFC];
	_ =	sdelay $0x3  }
0x98: {  	_ =	strace s7  }
0x99: {  	s7 =	sld [smem:$0x3FFD];
	_ =	sdelay $0x3  }
0x9a: {  	_ =	strace s7  }
0x9b: {  	_ =	strace $0x8FFFFFFF  }
0x9c: {  	s19 =	sld [smem:$0x3FDB];
	_ =	sdelay $0x1  }
0x9d: {  	s8 =	simm.s32 $_scs_section_size  }
0x9e: {  	s9 =	simm.s32 $_size__tile_overlayer_lowered;
	s10 =	simm.s32 $_tile_overlayer_lowered  }
0x9f: {  	s22 =	simm.s32 $0x1BFF;
	s21 =	sshll.u32 s10, $0x1;
	s7 =	sadd.s32 s8, s19  }
0xa0: {  	s11 =	simm.s32 $0x0;
	s20 =	sshll.u32 s9, $0x1;
	s9 =	sadd.s32 s21, s7  }
0xa1: {  	[timem:s11], [sflag:s22] =	dma.local [hbm:s9], s20  }
0xa2: {  	_ =	swait.ge [sflag:s22], s20  }
0xa3: {  	s8 =	ssub.s32 $0x0, s20;
	[sflag:s22] =	ssyncset.done $0x0  }
0xa4: {  	[sflag:s22] =	ssyncadd.s32 s8;
	_ =	sdelay $0x1  }
0xa5: {  	s23 =	simm.s32 $0x1B8B  }
0xa6: {  	_ =	swait.ge [sflag:s23], $0x1  }
0xa7: {  	[sflag:s23] =	ssyncset.done $0x0  }
0xa8: {  	s25 =	simm.s32 $0x1B8E;
	s24 =	sld [smem:$0x3FFE];
	[sflag:s23] =	ssyncadd.s32 $0xFFFFFFFF  }
0xa9: {  	s26 =	simm.s32 $execute0_lowered;
	[smem:$0x3FD2] =	sst s25  }
0xaa: {  	s9 =	sshll.u32 s26, $0x1;
	_ =	strace $0x80000046;
	[dreg:$0x1] =	wrdreg $0xFFFFFFFF  }
0xab: {  	s28 =	simm.s32 $_size_execute0_lowered;
	s7 =	sadd.s32 s7, s9;
	[dreg:$0x0] =	wrdreg $0x0  }
0xac: {  	s9 =	sshll.u32 s28, $0x1;
	[dreg:$0x2] =	wrdreg s7  }
0xad: {  	[dreg:$0x3] =	wrdreg s9  }
0xae: {  	[dreg:$0x4] =	wrdreg $0xC0  }
0xaf: {  	_ =	task [dreg:s11], $0x5FFFF  }
0xb0: {  	[dreg:$0x1] =	wrdreg $0xFFFFFFFF  }
0xb1: {  	[dreg:$0x0] =	wrdreg $0x60  }
0xb2: {  	[dreg:$0x2] =	wrdreg s24  }
0xb3: {  	[dreg:$0x3] =	wrdreg s2  }
0xb4: {  	[dreg:$0x4] =	wrdreg s4  }
0xb5: {  	[dreg:$0x5] =	wrdreg s18  }
0xb6: {  	[dreg:$0x6] =	wrdreg s5  }
0xb7: {  	[dreg:$0x7] =	wrdreg s6  }
0xb8: {  	[dreg:$0x8] =	wrdreg $0x9  }
0xb9: {  	_ =	task.clear_ibuf [dreg:s11], $0x9FFFF;
	_ =	strace $0x90000046  }
0xba: {  	s29 =	simm.s32 $0x9;
	_ =	strace $0x80000048  }
0xbb: {  	_ =	swait.ge [sflag:s29], $0x1  }
0xbc: {  	[sflag:s29] =	ssyncadd.s32 $0xFFFFFFFF  }
0xbd: {  	_ =	strace $0x90000048  }
0xbe: {  	_ =	sfence  }
0xbf: {  	s30 =	sld [smem:$0x0];
	_ =	sdelay $0x2  }
0xc0: {  	s31 =	sshll.u32 s1, $0xD;
	s1 =	sshrl.u32 s1, $0x2  }
0xc1: {  	s3 =	sand.u32 $0x4000, s31;
	s1 =	sadd.s32 s1, s30  }
0xc2: {  	s0 =	sor.u32 s3, s0;
	s1 =	sshll.u32 s1, $0x11  }
0xc3: {  	s0 =	sor.u32 s1, s0  }
0xc4: {  	s0 =	sadd.s32 $0x8F2B, s0  }
0xc5: {  	[sflag:s0] =	ssyncadd.remote.s32 $0x1  }
0xc6: {  	_ =	sfence.sel $0xFFFF  }
0xc7: {  	[dreg:$0x0] =	wrdreg $0xFFFFFFFF;
	(pc) =	sbr.abs _section_cstart, $3  }
0xc8: {  	[dreg:$0x1] =	wrdreg $0xFFFFFFFF  }
0xc9: {  	_ =	task.clear_ibuf [dreg:s11], $0x2FFFF;
	_ =	strace $0x9FFFFFFF  }
0xca: {  	(tm) =	ssettm $0x7FFFFFFF  }
0xcb: {  	_ =	shalt  }
tec
execute0_lowered:
.L_overlay_start_1:
0x0: {  	(tag) =	ssettag $0x1  }
0x1: {  	s0 =	rddreg [dreg:$0x0]  }
0x2: {  	s1 =	rddreg [dreg:$0x5];
	s5 =	simm.s32 $0x0  }
0x3: {  	s2 =	srdreg.scid;
	s8 =	stileid.u32;
	s18 =	simm.s32 $0xBA80  }
0x4: {  	s22 =	simm.s32 $0x80;
	s28 =	simm.s32 $0x1;
	s29 =	simm.s32 $0xC700  }
0x5: {  	s30 =	simm.s32 $0xC800;
	s31 =	simm.s32 $0xC980;
	s14 =	simm.s32 $0xCC00  }
0x6: {  	s15 =	simm.s32 $0xCC80;
	[smem:$0x7FF] =	sst s5;
	s7 =	sadd.s32 $0xF43200, s0  }
0x7: {  	s2 =	sand.u32 $0x1, s2;
	s3 =	sadd.s32 $0xAE00, s0;
	s9 =	sadd.s32 $0xE00, s0  }
0x8: {  	s6 =	smul.u32 $0xF430, s8;
	s10 =	sadd.s32 $0x5E00, s0;
	s12 =	sadd.s32 $0xB000, s0  }
0x9: {  	s23 =	sshll.u32 s8, $0x6;
	s8 =	simm.s32 $0xCA00;
	_ =	strace $0x80000047  }
0xa: {  	[dreg:$0x7] =	wrdreg s3;
	s19 =	ssub.s32 $0x2, s2;
	s2 =	sshll.u32 s2, $0xA  }
0xb: {  	[dreg:$0x8] =	wrdreg s12;
	s3 =	simm.s32 $0x0;
	s4 =	sshrl.u32 s19, $0x1  }
0xc: {  	s21 =	sadd.s32 $0x7A18, s6;
	s24 =	sshrl.u32 s6, $0x3;
	s2 =	sor.u32 s23, s2  }
0xd: {  	v0 =	vlaneseq.u32;
	v2 =	vmov s6;
	s6 =	simm.s32 $0x20;
	s23 =	simm.s32 $0xCE00;
	s20 =	ssub.s32 s19, s4  }
0xe: {  	v1 =	vmul.u32 $0xA, v0;
	s11 =	sshrl.u32 s21, $0x3;
	s25 =	sadd.s32 s12, s24;
	[dreg:$0x9] =	wrdreg s2  }
0xf: {  	v4 =	vimm.s32 $0x0;
	v5 =	vor.u32 $0x80, v0;
	s1 =	sadd.s32 s1, s2;
	s4 =	simm.s32 $0x4000;
	[dreg:$0xa] =	wrdreg s25  }
0x10: {  	v10 =	vmul.u32 $0x80, v0;
	v6 =	vor.u32 $0x1, v1;
	v7 =	vadd.s32 $0x2, v1;
	s24 =	simm.s32 $0x11E00;
	s26 =	sadd.s32 s12, s11;
	[dreg:$0xc] =	wrdreg s1  }
0x11: {  	v8 =	vadd.s32 $0x3, v1;
	v9 =	vadd.s32 $0x4, v1;
	v11 =	vadd.s32 $0x5, v1;
	s0 =	smax.u32 s20, $0x1;
	s11 =	simm.s32 $0x2;
	s20 =	simm.s32 $0xC280  }
0x12: {  	v12 =	vadd.s32 $0x6, v1;
	v13 =	vadd.s32 $0x7, v1;
	v14 =	vadd.s32 $0x8, v1;
	s1 =	simm.s32 $0xCD00;
	s12 =	simm.s32 $0xC300;
	[dreg:$0xb] =	wrdreg s26  }
0x13: {  	v15 =	vadd.s32 $0x9, v1;
	v16 =	vor.u32 $0x800, v10;
	v3 =	vmov s21;
	[dreg:$0xd] =	wrdreg s0;
	s26 =	simm.s32 $0x15E00;
	s0 =	simm.s32 $0xCA80  }
.LBB2_1:
0x14: {  	[dreg:$0xe] =	wrdreg s3  }
0x15: {  	s2 =	rddreg [dreg:$0x1]  }
0x16: {  	[tilespmem:s5], [sflag:$0x2] =	stream.linear.gather [hbm4b:s2+s5], $0x4000, $0x38;
	[tilespmem:$0x1A000] =	vst v63  }
0x17: {  	_ =	swait.ge [sflag:s11], $0x4000  }
0x18: {  	[sflag:s11] =	ssyncset.done $0x0  }
0x19: {  	s25 =	rddreg [dreg:$0x7];
	[sflag:s11] =	ssyncadd.s32 $0xFFFFC000  }
0x1a: {  	[tilespmem:s18], [sflag:$0x2] =	stream.linear.gather [hbm4b:s25+s5], $0x800, $0x38;
	[tilespmem:$0x1A000] =	vst v63  }
0x1b: {  	_ =	swait.ge [sflag:s11], $0x800  }
0x1c: {  	[sflag:s11] =	ssyncset.done $0x0  }
0x1d: {  	s3 =	simm.s32 $0x0;
	s2 =	simm.s32 $0x0;
	[sflag:s11] =	ssyncadd.s32 $0xFFFFF800  }
.LBB2_2:
0x1e: {  	v17 =	vld [tilespmem:s2+$0x0];
	_ =	sdelay $0x4  }
0x1f: {  	v17 =	vsub.s32 v17, v2  }
0x20: {  	vm0 =	vgt.s32 v17, $0x0  }
0x21: {  	vm1 =	vlt.u32 v17, $0x7A18;
	v17 =	vnsel vm0, $0x0, v17  }
0x22: {  	v17 =	vmin.u32 v17, $0x7A17;
	_ =	sdelay $0x3  }
0x23: {  	v18 =	vor.u32 s3, v0  }
0x24: {  	[tilespmem:v17+s4+$0x0] =	vst.idx.msk vm1, v18  }
0x25: {  	v19 =	vld.idx.msk [tilespmem:v17+s4+$0x0], vm1;
	_ =	sdelay $0x4  }
0x26: {  	vm14 =	vlt.s32 v19, v18  }
0x27: {  	vm0 =	vmand vm1, vm14;
	_ =	sdelay $0x5  }
0x28: {  	[tilespmem:v17+s4+$0x0] =	vst.idx.msk vm0, v18  }
0x29: {  	v19 =	vld.idx.msk [tilespmem:v17+s4+$0x0], vm1;
	_ =	sdelay $0x4  }
0x2a: {  	vm15 =	vlt.s32 v19, v18  }
0x2b: {  	vm0 =	vmand vm1, vm15  }
0x2c: {  	p0 =	sne.s32 s3, $0x3FF0  }
.Ltmp0:
0x2d: {  	_ = 	snop;
	(pc) =	sbr.rel @p0 .LBB2_2-.Ltmp0, $2  }
0x2e: {  	_ =	sdelay $0x2  }
0x2f: {  	s2 =	sadd.s32 $0x10, s2;
	s3 =	sadd.s32 $0x10, s3;
	[tilespmem:v17+s4+$0x0] =	vst.idx.msk vm0, v18  }
0x30: {  	s2 =	simm.s32 $0x0;
	s3 =	rddreg [dreg:$0xa]  }
0x31: {  	[hbm4b:s3+s2] =	stream.linear.scatter [tilespmem:s4], [sflag:$0x2], $0x7A18, $0x38;
	[tilespmem:$0x1A000] =	vst v63  }
0x32: {  	_ =	swait.ge [sflag:s11], $0x7A18  }
0x33: {  	[sflag:s11] =	ssyncset.done $0x0  }
0x34: {  	s3 =	simm.s32 $0x0;
	[sflag:s11] =	ssyncadd.s32 $0xFFFF85E8  }
.LBB2_4:
0x35: {  	v17 =	vld [tilespmem:s2+$0x0];
	_ =	sdelay $0x4  }
0x36: {  	v17 =	vsub.s32 v17, v3  }
0x37: {  	vm0 =	vgt.s32 v17, $0x0  }
0x38: {  	vm1 =	vlt.u32 v17, $0x7A18;
	v17 =	vnsel vm0, $0x0, v17  }
0x39: {  	v17 =	vmin.u32 v17, $0x7A17;
	_ =	sdelay $0x3  }
0x3a: {  	v18 =	vor.u32 s3, v0  }
0x3b: {  	[tilespmem:v17+s4+$0x0] =	vst.idx.msk vm1, v18  }
0x3c: {  	v19 =	vld.idx.msk [tilespmem:v17+s4+$0x0], vm1;
	_ =	sdelay $0x4  }
0x3d: {  	vm14 =	vlt.s32 v19, v18  }
0x3e: {  	vm0 =	vmand vm1, vm14;
	_ =	sdelay $0x5  }
0x3f: {  	[tilespmem:v17+s4+$0x0] =	vst.idx.msk vm0, v18  }
0x40: {  	v19 =	vld.idx.msk [tilespmem:v17+s4+$0x0], vm1;
	_ =	sdelay $0x4  }
0x41: {  	vm15 =	vlt.s32 v19, v18  }
0x42: {  	vm0 =	vmand vm1, vm15  }
0x43: {  	p0 =	sne.s32 s3, $0x3FF0  }
.Ltmp1:
0x44: {  	_ = 	snop;
	(pc) =	sbr.rel @p0 .LBB2_4-.Ltmp1, $2  }
0x45: {  	_ =	sdelay $0x2  }
0x46: {  	s2 =	sadd.s32 $0x10, s2;
	s3 =	sadd.s32 $0x10, s3;
	[tilespmem:v17+s4+$0x0] =	vst.idx.msk vm0, v18  }
0x47: {  	s3 =	simm.s32 $0x0;
	s2 =	rddreg [dreg:$0xb]  }
0x48: {  	[hbm4b:s2+s3] =	stream.linear.scatter [tilespmem:s4], [sflag:$0x2], $0x7A18, $0x38;
	[tilespmem:$0x1A000] =	vst v63  }
0x49: {  	_ =	swait.ge [sflag:s11], $0x7A18  }
0x4a: {  	[sflag:s11] =	ssyncset.done $0x0  }
0x4b: {  	[sflag:s11] =	ssyncadd.s32 $0xFFFF85E8  }
0x4c: {  	s13 =	simm.s32 $0x0;
	[bflag:$0x0] =	sbarrier.arrive $0xFFFF  }
.LBB2_6:
0x4d: {  	s2 =	sshll.u32 s13, $0x4;
	s3 =	rddreg [dreg:$0x9]  }
0x4e: {  	s16 =	rddreg [dreg:$0x1];
	s2 =	sadd.s32 s3, s2  }
0x4f: {  	[dreg:$0xf] =	wrdreg s13;
	s3 =	sadd.s32 s16, s2;
	s16 =	simm.s32 $0x0  }
0x50: {  	[tilespmem:s20], [sflag:$0x2] =	stream.linear.gather [hbm4b:s3+s16], $0x80, $0x38;
	[tilespmem:$0x1A000] =	vst v63  }
0x51: {  	_ =	swait.ge [sflag:s11], $0x80  }
0x52: {  	[sflag:s11] =	ssyncset.done $0x0  }
0x53: {  	[sflag:s11] =	ssyncadd.s32 $0xFFFFFF80  }
0x54: {  	s17 =	rddreg [dreg:$0x2]  }
0x55: {  	s4 =	simm.s32 $0xC300;
	s3 =	sadd.s32 s17, s2  }
0x56: {  	[tilespmem:s4], [sflag:$0x2] =	stream.linear.gather [hbm4b:s3+s16], $0x80, $0x38;
	[tilespmem:$0x1A000] =	vst v63  }
0x57: {  	_ =	swait.ge [sflag:s11], $0x80  }
0x58: {  	[sflag:s11] =	ssyncset.done $0x0  }
0x59: {  	[sflag:s11] =	ssyncadd.s32 $0xFFFFFF80  }
0x5a: {  	s13 =	rddreg [dreg:$0x3]  }
0x5b: {  	s19 =	simm.s32 $0xC480;
	s2 =	sadd.s32 s13, s2  }
0x5c: {  	[tilespmem:s19], [sflag:$0x2] =	stream.linear.gather [hbm4b:s2+s16], $0x80, $0x38;
	[tilespmem:$0x1A000] =	vst v63  }
0x5d: {  	_ =	swait.ge [sflag:s11], $0x80  }
0x5e: {  	[sflag:s11] =	ssyncset.done $0x0  }
0x5f: {  	[sflag:s11] =	ssyncadd.s32 $0xFFFFFF80  }
0x60: {  	v17 =	vld [tilespmem:$0xC280]  }
0x61: {  	v18 =	vld [tilespmem:$0xC300]  }
0x62: {  	v19 =	vld [tilespmem:$0xC290]  }
0x63: {  	v20 =	vld [tilespmem:$0xC310]  }
0x64: {  	v21 =	vld [tilespmem:$0xC2A0]  }
0x65: {  	v22 =	vld [tilespmem:$0xC320];
	v17 =	vshra.s32 v17, $0x1  }
0x66: {  	[tilespmem:$0xC380] =	vst v17;
	v17 =	vshra.s32 v18, $0x1;
	v18 =	vld [tilespmem:$0xC2B0]  }
0x67: {  	[tilespmem:$0xC400] =	vst v17;
	v17 =	vshra.s32 v19, $0x1;
	v19 =	vld [tilespmem:$0xC330]  }
0x68: {  	v54 =	vld [tilespmem:$0xC2C0];
	[tilespmem:$0xC390] =	vst v17;
	v17 =	vshra.s32 v20, $0x1  }
0x69: {  	v55 =	vld [tilespmem:$0xC340];
	[tilespmem:$0xC410] =	vst v17;
	v17 =	vshra.s32 v21, $0x1  }
0x6a: {  	v56 =	vld [tilespmem:$0xC2D0];
	[tilespmem:$0xC3A0] =	vst v17;
	v17 =	vshra.s32 v22, $0x1  }
0x6b: {  	[tilespmem:$0xC420] =	vst v17;
	v17 =	vshra.s32 v18, $0x1;
	v18 =	vld [tilespmem:$0xC350]  }
0x6c: {  	[tilespmem:$0xC3B0] =	vst v17;
	v17 =	vshra.s32 v19, $0x1;
	v19 =	vld [tilespmem:$0xC2E0]  }
0x6d: {  	v57 =	vld [tilespmem:$0xC360];
	[tilespmem:$0xC430] =	vst v17;
	v17 =	vshra.s32 v54, $0x1  }
0x6e: {  	v58 =	vld [tilespmem:$0xC2F0];
	[tilespmem:$0xC3C0] =	vst v17;
	v17 =	vshra.s32 v55, $0x1  }
0x6f: {  	v59 =	vld [tilespmem:$0xC370];
	[tilespmem:$0xC440] =	vst v17;
	v17 =	vshra.s32 v56, $0x1  }
0x70: {  	[tilespmem:$0xC3D0] =	vst v17;
	v17 =	vshra.s32 v18, $0x1  }
0x71: {  	[tilespmem:$0xC450] =	vst v17;
	v17 =	vshra.s32 v19, $0x1  }
0x72: {  	[tilespmem:$0xC3E0] =	vst v17;
	v17 =	vshra.s32 v57, $0x1  }
0x73: {  	[tilespmem:$0xC460] =	vst v17;
	v17 =	vshra.s32 v58, $0x1  }
0x74: {  	[tilespmem:$0xC3F0] =	vst v17;
	v17 =	vshra.s32 v59, $0x1  }
0x75: {  	s3 =	simm.s32 $0xC500;
	s21 =	rddreg [dreg:$0x8];
	[tilespmem:$0xC470] =	vst v17  }
0x76: {  	[tilespmem:s3], [sflag:$0x1] =	stream.indirect.gather [hbm4b:s21+s22], $0x1, s20, s22, $0xb8;
	[tilespmem:$0x1A000] =	vst v63  }
0x77: {  	s25 =	simm.s32 $0xC580  }
0x78: {  	[tilespmem:s25], [sflag:$0x1] =	stream.indirect.gather [hbm4b:s21+s22], $0x1, s4, s22, $0xb8;
	[tilespmem:$0x1A000] =	vst v63  }
0x79: {  	s17 =	simm.s32 $0xC380  }
0x7a: {  	[tilespmem:s24], [sflag:$0x1] =	stream.indirect.gather [hbm4b:s7+s22], $0x80, s17, s22, $0xb8;
	[tilespmem:$0x1A000] =	vst v63  }
0x7b: {  	s19 =	simm.s32 $0xC400  }
0x7c: {  	[tilespmem:s26], [sflag:$0x1] =	stream.indirect.gather [hbm4b:s7+s22], $0x80, s19, s22, $0xb8;
	[tilespmem:$0x1A000] =	vst v63  }
0x7d: {  	_ =	swait.ge [sflag:s28], $0x80  }
0x7e: {  	[sflag:s28] =	ssyncset.done $0x0  }
0x7f: {  	[sflag:s28] =	ssyncadd.s32 $0xFFFFFF80  }
0x80: {  	_ =	swait.ge [sflag:s28], $0x80  }
0x81: {  	[sflag:s28] =	ssyncset.done $0x0  }
0x82: {  	[sflag:s28] =	ssyncadd.s32 $0xFFFFFF80  }
0x83: {  	_ =	swait.ge [sflag:s28], $0x4000  }
0x84: {  	[sflag:s28] =	ssyncset.done $0x0  }
0x85: {  	[sflag:s28] =	ssyncadd.s32 $0xFFFFC000  }
0x86: {  	_ =	swait.ge [sflag:s28], $0x4000  }
0x87: {  	[sflag:s28] =	ssyncset.done $0x0  }
0x88: {  	[sflag:s28] =	ssyncadd.s32 $0xFFFFC000  }
0x89: {  	v17 =	vld [tilespmem:$0xC580]  }
0x8a: {  	v18 =	vld [tilespmem:$0xC590]  }
0x8b: {  	v19 =	vld [tilespmem:$0xC5A0]  }
0x8c: {  	v60 =	vld [tilespmem:$0xC5B0]  }
0x8d: {  	v61 =	vld [tilespmem:$0xC5C0]  }
0x8e: {  	v62 =	vld [tilespmem:$0xC5D0];
	vm0 =	vgt.s32 v17, $0x0  }
0x8f: {  	v23 =	vld [tilespmem:$0xC5E0];
	v17 =	vnsel vm0, $0x0, v17;
	vm0 =	vgt.s32 v18, $0x0  }
0x90: {  	v24 =	vld [tilespmem:$0xC5F0];
	v17 =	vmin.u32 v17, $0x3FFF;
	v18 =	vnsel vm0, $0x0, v18;
	vm0 =	vgt.s32 v19, $0x0  }
0x91: {  	[tilespmem:$0xC600] =	vst v17;
	v17 =	vmin.u32 v18, $0x3FFF;
	v18 =	vnsel vm0, $0x0, v19;
	vm0 =	vgt.s32 v60, $0x0  }
0x92: {  	[tilespmem:$0xC610] =	vst v17;
	v17 =	vmin.u32 v18, $0x3FFF;
	v18 =	vnsel vm0, $0x0, v60;
	vm0 =	vgt.s32 v61, $0x0  }
0x93: {  	[tilespmem:$0xC620] =	vst v17;
	v17 =	vmin.u32 v18, $0x3FFF;
	v18 =	vnsel vm0, $0x0, v61;
	vm0 =	vgt.s32 v62, $0x0  }
0x94: {  	[tilespmem:$0xC630] =	vst v17;
	v17 =	vmin.u32 v18, $0x3FFF;
	v18 =	vnsel vm0, $0x0, v62;
	vm0 =	vgt.s32 v23, $0x0  }
0x95: {  	[tilespmem:$0xC640] =	vst v17;
	v17 =	vmin.u32 v18, $0x3FFF;
	v18 =	vnsel vm0, $0x0, v23;
	vm0 =	vgt.s32 v24, $0x0  }
0x96: {  	[tilespmem:$0xC650] =	vst v17;
	v17 =	vmin.u32 v18, $0x3FFF;
	v18 =	vnsel vm0, $0x0, v24  }
0x97: {  	[tilespmem:$0xC660] =	vst v17;
	v17 =	vmin.u32 v18, $0x3FFF  }
0x98: {  	s21 =	simm.s32 $0xC680;
	[tilespmem:$0xC670] =	vst v17  }
0x99: {  	[tilespmem:s21], [sflag:$0x1] =	stream.indirect.gather [hbm4b:s13+s22], $0x1, s3, s22, $0xb8;
	[tilespmem:$0x1A000] =	vst v63  }
0x9a: {  	s17 =	simm.s32 $0xC600  }
0x9b: {  	[tilespmem:s25], [sflag:$0x1] =	stream.indirect.gather [hbm4b:s13+s22], $0x1, s17, s22, $0xb8;
	[tilespmem:$0x1A000] =	vst v63  }
0x9c: {  	_ =	swait.ge [sflag:s28], $0x80  }
0x9d: {  	[sflag:s28] =	ssyncset.done $0x0  }
0x9e: {  	[sflag:s28] =	ssyncadd.s32 $0xFFFFFF80  }
0x9f: {  	_ =	swait.ge [sflag:s28], $0x80  }
0xa0: {  	[sflag:s28] =	ssyncset.done $0x0  }
0xa1: {  	[sflag:s28] =	ssyncadd.s32 $0xFFFFFF80  }
0xa2: {  	v17 =	vld [tilespmem:s21+$0x0];
	_ =	sdelay $0x4  }
0xa3: {  	v17 =	vadd.s32 $0xFFFFFFFE, v17  }
0xa4: {  	vm0 =	vlt.u32 v17, $0x3  }
0xa5: {  	v17 =	vsel vm0, $0x1, v4  }
0xa6: {  	(xrf0) =	vadd.scan.msk.s32 $0xffff, v17;
	_ =	sdelay $0x2  }
0xa7: {  	v17 =	vmov s16  }
0xa8: {  	v17 =	vadd.s32 $0xFFFFFFFF, v17  }
0xa9: {  	v17 =	vbroadcast v17, $0x0  }
0xaa: {  	v18, _, _ =	vpop (xrf0)  }
0xab: {  	v19 =	vld [tilespmem:s3+$0x0];
	v17 =	vadd.s32 v18, v17;
	_ =	sdelay $0x4  }
0xac: {  	[tilespmem:v17+s29+$0x0] =	vst.idx.msk vm0, v19;
	v19 =	vor.u32 s16, v0  }
0xad: {  	[tilespmem:v17+s30+$0x0] =	vst.idx.msk vm0, v19  }
0xae: {  	v17 =	vld [tilespmem:s17+$0x0];
	_ =	sdelay $0x1  }
0xaf: {  	(v2sf) =	vpush v18, $0xF;
	_ =	sdelay $0x3  }
0xb0: {  	v18 =	vld [tilespmem:s25+$0x0]  }
0xb1: {  	v63 =	vld [tilespmem:s4+$0x0]  }
0xb2: {  	v19 =	vld.idx.msk [tilespmem:v17+s5+$0x0], $0xffff;
	_ =	sdelay $0x3  }
0xb3: {  	v18 =	vadd.s32 $0xFFFFFFFE, v18  }
0xb4: {  	vm0 =	vlt.u32 v18, $0x3;
	vm1 =	veq.s32 v19, v63  }
0xb5: {  	vm0 =	vmand vm0, vm1  }
0xb6: {  	v18 =	vsel vm0, $0x1, v4  }
0xb7: {  	(xrf0) =	vadd.scan.msk.s32 $0xffff, v18  }
0xb8: {  	s25 =	spop (v2sf)  }
0xb9: {  	s21 =	sadd.s32 $0x0, s25  }
0xba: {  	v18 =	vmov s21  }
0xbb: {  	v18 =	vadd.s32 $0xFFFFFFFF, v18  }
0xbc: {  	v18 =	vbroadcast v18, $0x0  }
0xbd: {  	v19, _, _ =	vpop (xrf0)  }
0xbe: {  	v18 =	vadd.s32 v19, v18;
	(v2sf) =	vpush v19, $0xF;
	_ =	sdelay $0x4  }
0xbf: {  	[tilespmem:v18+s29+$0x0] =	vst.idx.msk vm0, v17;
	v17 =	vor.u32 s16, v5  }
0xc0: {  	s13 =	simm.s32 $0xC690;
	[tilespmem:v18+s30+$0x0] =	vst.idx.msk vm0, v17  }
0xc1: {  	v17 =	vld [tilespmem:s13+$0x0];
	_ =	sdelay $0x4  }
0xc2: {  	v17 =	vadd.s32 $0xFFFFFFFE, v17  }
0xc3: {  	vm0 =	vlt.u32 v17, $0x3  }
0xc4: {  	s11 =	simm.s32 $0xC590;
	s19 =	simm.s32 $0x10;
	v17 =	vsel vm0, $0x1, v4  }
0xc5: {  	s4 =	simm.s32 $0xC310;
	s16 =	simm.s32 $0x20;
	(xrf0) =	vadd.scan.msk.s32 $0xffff, v17;
	s2 =	spop (v2sf)  }
.LBB2_7:
0xc6: {  	s21 =	sadd.s32 s21, s2;
	s3 =	sadd.s32 $0x10, s3;
	s17 =	sadd.s32 $0x10, s17  }
0xc7: {  	p0 =	sne.s32 s16, $0x70;
	s2 =	smov.u32 s16;
	s16 =	sadd.s32 $0x10, s16;
	v17 =	vmov s21  }
0xc8: {  	v17 =	vadd.s32 $0xFFFFFFFF, v17;
	_ =	sdelay $0x1  }
0xc9: {  	v17 =	vbroadcast v17, $0x0  }
0xca: {  	v18, _, _ =	vpop (xrf0)  }
0xcb: {  	v17 =	vadd.s32 v18, v17;
	v19 =	vld [tilespmem:s3+$0x0];
	(v2sf) =	vpush v18, $0xF;
	_ =	sdelay $0x4  }
0xcc: {  	v18 =	vor.u32 s19, v0;
	[tilespmem:v17+s29+$0x0] =	vst.idx.msk vm0, v19  }
0xcd: {  	[tilespmem:v17+s30+$0x0] =	vst.idx.msk vm0, v18  }
0xce: {  	v17 =	vld [tilespmem:s17+$0x0];
	_ =	sdelay $0x6  }
0xcf: {  	v18 =	vld [tilespmem:s11+$0x0]  }
0xd0: {  	v19 =	vld.idx.msk [tilespmem:v17+s5+$0x0], $0xffff;
	s25 =	spop (v2sf)  }
0xd1: {  	v20 =	vld [tilespmem:s4+$0x0];
	_ =	sdelay $0x2  }
0xd2: {  	v18 =	vadd.s32 $0xFFFFFFFE, v18;
	_ =	sdelay $0x1  }
0xd3: {  	vm0 =	vlt.u32 v18, $0x3;
	vm1 =	veq.s32 v19, v20  }
0xd4: {  	vm0 =	vmand vm0, vm1  }
0xd5: {  	v18 =	vsel vm0, $0x1, v4  }
0xd6: {  	(xrf0) =	vadd.scan.msk.s32 $0xffff, v18;
	_ =	sdelay $0x1  }
0xd7: {  	s21 =	sadd.s32 s21, s25  }
0xd8: {  	v18 =	vmov s21  }
0xd9: {  	v18 =	vadd.s32 $0xFFFFFFFF, v18  }
0xda: {  	v18 =	vbroadcast v18, $0x0  }
0xdb: {  	v19, _, _ =	vpop (xrf0)  }
0xdc: {  	v18 =	vadd.s32 v19, v18;
	(v2sf) =	vpush v19, $0xF;
	_ =	sdelay $0x4  }
0xdd: {  	[tilespmem:v18+s29+$0x0] =	vst.idx.msk vm0, v17;
	v17 =	vor.u32 s19, v5;
	s19 =	smov.u32 s2  }
0xde: {  	s13 =	sadd.s32 $0x10, s13;
	[tilespmem:v18+s30+$0x0] =	vst.idx.msk vm0, v17  }
0xdf: {  	v17 =	vld [tilespmem:s13+$0x0];
	_ =	sdelay $0x3  }
.Ltmp2:
0xe0: {  	(pc) =	sbr.rel @p0 .LBB2_7-.Ltmp2, $4  }
0xe1: {  	v17 =	vadd.s32 $0xFFFFFFFE, v17  }
0xe2: {  	vm0 =	vlt.u32 v17, $0x3  }
0xe3: {  	v17 =	vsel vm0, $0x1, v4  }
0xe4: {  	s11 =	sadd.s32 $0x10, s11;
	s4 =	sadd.s32 $0x10, s4;
	(xrf0) =	vadd.scan.msk.s32 $0xffff, v17;
	s2 =	spop (v2sf)  }
0xe5: {  	_ = 	snop  }
0xe6: {  	s2 =	sadd.s32 s21, s2  }
0xe7: {  	v17 =	vmov s2  }
0xe8: {  	v17 =	vadd.s32 $0xFFFFFFFF, v17  }
0xe9: {  	v17 =	vbroadcast v17, $0x0  }
0xea: {  	s3 =	sadd.s32 $0x10, s3;
	v18, _, _ =	vpop (xrf0)  }
0xeb: {  	v19 =	vld [tilespmem:s3+$0x0];
	v17 =	vadd.s32 v18, v17;
	_ =	sdelay $0x4  }
0xec: {  	v20 =	vor.u32 s19, v0;
	[tilespmem:v17+s29+$0x0] =	vst.idx.msk vm0, v19  }
0xed: {  	s25 =	sadd.s32 $0x10, s17;
	[tilespmem:v17+s30+$0x0] =	vst.idx.msk vm0, v20  }
0xee: {  	v17 =	vld [tilespmem:s25+$0x0];
	_ =	sdelay $0x5  }
0xef: {  	v19 =	vld [tilespmem:s11+$0x0]  }
0xf0: {  	v21 =	vld [tilespmem:s4+$0x0]  }
0xf1: {  	v20 =	vld.idx.msk [tilespmem:v17+s5+$0x0], $0xffff;
	_ =	sdelay $0x3  }
0xf2: {  	v19 =	vadd.s32 $0xFFFFFFFE, v19  }
0xf3: {  	vm1 =	vlt.u32 v19, $0x3;
	vm15 =	veq.s32 v20, v21  }
0xf4: {  	vm0 =	vmand vm1, vm15  }
0xf5: {  	v19 =	vsel vm0, $0x1, v4  }
0xf6: {  	(xrf0) =	vadd.scan.msk.s32 $0xffff, v19;
	_ =	sdelay $0x5  }
0xf7: {  	(v2sf) =	vpush v18, $0xF;
	v18, _, _ =	vpop (xrf0)  }
0xf8: {  	(v2sf) =	vpush v18, $0xF;
	_ =	sdelay $0xd  }
0xf9: {  	s13 =	spop (v2sf)  }
0xfa: {  	s2 =	sadd.s32 s2, s13;
	s16 =	spop (v2sf)  }
0xfb: {  	v19 =	vmov s2;
	s2 =	sadd.s32 s2, s16  }
0xfc: {  	s3 =	sadd.s32 $0xF, s2  }
0xfd: {  	s17 =	sand.u32 $0xF, s3  }
0xfe: {  	s21 =	sshra.s32 s3, $0x1F;
	p0 =	slt.s32 s3, $0x1;
	p1 =	sne.s32 s17, $0x0  }
0xff: {  	v19 =	vadd.s32 $0xFFFFFFFF, v19;
	s25 =	sshrl.u32 s21, $0x1C;
	p0 =	por !p0, !p1  }
0x100: {  	s4 =	simm.s32 $0x1;
	v19 =	vbroadcast v19, $0x0;
	s3 =	sadd.s32 s25, s3;
	p0 =	por !p0, !p0  }
0x101: {  	s3 =	sshra.s32 s3, $0x4;
	s4 =	simm.s32 @!p0 $0x0  }
0x102: {  	v18 =	vadd.s32 v18, v19;
	s3 =	ssub.s32 s3, s4  }
0x103: {  	p0 =	slt.s32 s3, $0x1  }
.Ltmp3:
0x104: {  	_ = 	snop;
	(pc) =	sbr.rel @p0 .LBB2_13-.Ltmp3, $3  }
0x105: {  	_ =	sdelay $0x1  }
0x106: {  	s13 =	rddreg [dreg:$0x4];
	[tilespmem:v18+s29+$0x0] =	vst.idx.msk vm0, v17;
	v17 =	vor.u32 s19, v5  }
0x107: {  	[tilespmem:v18+s30+$0x0] =	vst.idx.msk vm0, v17;
	s16 =	simm.s32 $0xCB00;
	s21 =	simm.s32 $0x10;
	s25 =	simm.s32 $0xC900  }
0x108: {  	v17 =	vmov s2;
	s17 =	simm.s32 $0x0;
	s19 =	simm.s32 $0x0  }
.LBB2_10:
0x109: {  	s2 =	sshll.u32 s19, $0x4  }
0x10a: {  	v18 =	vor.u32 s2, v0  }
0x10b: {  	vm1 =	vlt.s32 v18, v17;
	vm0 =	vlt.s32 v18, $0xFF  }
0x10c: {  	v18 =	vnsel vm0, $0xFF, v18;
	_ =	sdelay $0x4  }
0x10d: {  	v19 =	vld.idx.msk [tilespmem:v18+s29+$0x0], vm1;
	_ =	sdelay $0x4  }
0x10e: {  	v19 =	vsel vm1, v19, v0  }
0x10f: {  	v20 =	vmul.u32 $0xA, v19  }
0x110: {  	v18 =	vld.idx.msk [tilespmem:v18+s30+$0x0], vm1;
	[tilespmem:$0xC900] =	vst v19  }
0x111: {  	[tilespmem:v1+s31+$0x0] =	vst.idx.msk $0xffff, v20;
	v19 =	vor.u32 $0x1, v20  }
0x112: {  	[tilespmem:v6+s31+$0x0] =	vst.idx.msk $0xffff, v19;
	v19 =	vadd.s32 $0x2, v20  }
0x113: {  	[tilespmem:v7+s31+$0x0] =	vst.idx.msk $0xffff, v19;
	v19 =	vadd.s32 $0x3, v20  }
0x114: {  	[tilespmem:v8+s31+$0x0] =	vst.idx.msk $0xffff, v19;
	v19 =	vadd.s32 $0x4, v20  }
0x115: {  	[tilespmem:v9+s31+$0x0] =	vst.idx.msk $0xffff, v19;
	v19 =	vadd.s32 $0x5, v20  }
0x116: {  	[tilespmem:v11+s31+$0x0] =	vst.idx.msk $0xffff, v19;
	v19 =	vadd.s32 $0x6, v20  }
0x117: {  	[tilespmem:v12+s31+$0x0] =	vst.idx.msk $0xffff, v19;
	v19 =	vadd.s32 $0x7, v20  }
0x118: {  	[tilespmem:v13+s31+$0x0] =	vst.idx.msk $0xffff, v19;
	v19 =	vadd.s32 $0x8, v20  }
0x119: {  	[tilespmem:v14+s31+$0x0] =	vst.idx.msk $0xffff, v19;
	v19 =	vadd.s32 $0x9, v20  }
0x11a: {  	[tilespmem:v15+s31+$0x0] =	vst.idx.msk $0xffff, v19  }
0x11b: {  	[tilespmem:s0], [sflag:$0x1] =	stream.indirect.gather [hbm4b:s9+s22], $0x1, s31, s22, $0xb8;
	[tilespmem:$0x1A000] =	vst v63  }
0x11c: {  	_ = 	snop  }
0x11d: {  	[tilespmem:s16], [sflag:$0x1] =	stream.indirect.gather [hbm4b:s9+s6], $0x1, s8, s6, $0xb8;
	[tilespmem:$0x1A000] =	vst v63  }
0x11e: {  	_ = 	snop  }
0x11f: {  	[tilespmem:s14], [sflag:$0x1] =	stream.indirect.gather [hbm4b:s10+s22], $0x1, s31, s22, $0xb8;
	[tilespmem:$0x1A000] =	vst v63  }
0x120: {  	_ = 	snop  }
0x121: {  	[tilespmem:s15], [sflag:$0x1] =	stream.indirect.gather [hbm4b:s10+s6], $0x1, s8, s6, $0xb8;
	[tilespmem:$0x1A000] =	vst v63  }
0x122: {  	s4 =	simm.s32 $0xCB80  }
0x123: {  	[tilespmem:s4], [sflag:$0x1] =	stream.indirect.gather [hbm4b:s13+s21], $0x1, s25, s21, $0xb8;
	[tilespmem:$0x1A000] =	vst v63  }
0x124: {  	_ =	swait.ge [sflag:s28], $0x80  }
0x125: {  	[sflag:s28] =	ssyncset.done $0x0  }
0x126: {  	[sflag:s28] =	ssyncadd.s32 $0xFFFFFF80  }
0x127: {  	_ =	swait.ge [sflag:s28], $0x20  }
0x128: {  	[sflag:s28] =	ssyncset.done $0x0  }
0x129: {  	[sflag:s28] =	ssyncadd.s32 $0xFFFFFFE0  }
0x12a: {  	_ =	swait.ge [sflag:s28], $0x80  }
0x12b: {  	[sflag:s28] =	ssyncset.done $0x0  }
0x12c: {  	[sflag:s28] =	ssyncadd.s32 $0xFFFFFF80  }
0x12d: {  	_ =	swait.ge [sflag:s28], $0x20  }
0x12e: {  	[sflag:s28] =	ssyncset.done $0x0  }
0x12f: {  	[sflag:s28] =	ssyncadd.s32 $0xFFFFFFE0  }
0x130: {  	_ =	swait.ge [sflag:s28], $0x10  }
0x131: {  	[sflag:s28] =	ssyncset.done $0x0  }
0x132: {  	[sflag:s28] =	ssyncadd.s32 $0xFFFFFFF0  }
0x133: {  	v19 =	vld [tilespmem:$0xCC00];
	_ =	sdelay $0x1  }
0x134: {  	v20 =	vld [tilespmem:$0xCC10];
	_ =	sdelay $0x1  }
0x135: {  	v21 =	vld [tilespmem:$0xCC20]  }
0x136: {  	v22 =	vshll.u32 v19, $0x6  }
0x137: {  	v23 =	vld [tilespmem:$0xCC30];
	v22 =	vand.u32 $0x40, v22  }
0x138: {  	v19 =	vshra.s32 v19, $0x1;
	[tilespmem:$0xCD00] =	vst v22;
	v22 =	vshll.u32 v20, $0x6  }
0x139: {  	[tilespmem:$0xCC00] =	vst v19;
	v19 =	vand.u32 $0x40, v22;
	v22 =	vld [tilespmem:$0xCC40]  }
0x13a: {  	[tilespmem:$0xCD10] =	vst v19;
	v19 =	vshra.s32 v20, $0x1;
	v20 =	vshll.u32 v21, $0x6  }
0x13b: {  	[tilespmem:$0xCC10] =	vst v19;
	v19 =	vand.u32 $0x40, v20;
	v20 =	vld [tilespmem:$0xCC50]  }
0x13c: {  	[tilespmem:$0xCD20] =	vst v19;
	v19 =	vshra.s32 v21, $0x1;
	v21 =	vshll.u32 v23, $0x6  }
0x13d: {  	[tilespmem:$0xCC20] =	vst v19;
	v19 =	vand.u32 $0x40, v21;
	v21 =	vld [tilespmem:$0xCC60]  }
0x13e: {  	[tilespmem:$0xCD30] =	vst v19;
	v19 =	vshra.s32 v23, $0x1;
	v23 =	vshll.u32 v22, $0x6  }
0x13f: {  	[tilespmem:$0xCC30] =	vst v19;
	v19 =	vand.u32 $0x40, v23;
	v23 =	vld [tilespmem:$0xCC70]  }
0x140: {  	[tilespmem:$0xCD40] =	vst v19;
	v19 =	vshra.s32 v22, $0x1;
	v22 =	vshll.u32 v20, $0x6  }
0x141: {  	[tilespmem:$0xCC40] =	vst v19;
	v19 =	vand.u32 $0x40, v22;
	v22 =	vld [tilespmem:$0xCC80]  }
0x142: {  	[tilespmem:$0xCD50] =	vst v19;
	v19 =	vshra.s32 v20, $0x1;
	v20 =	vshll.u32 v21, $0x6  }
0x143: {  	[tilespmem:$0xCC50] =	vst v19;
	v19 =	vand.u32 $0x40, v20;
	v20 =	vld [tilespmem:$0xCC90]  }
0x144: {  	[tilespmem:$0xCD60] =	vst v19;
	v19 =	vshra.s32 v21, $0x1;
	v21 =	vshll.u32 v23, $0x6  }
0x145: {  	[tilespmem:$0xCC60] =	vst v19;
	v19 =	vand.u32 $0x40, v21  }
0x146: {  	[tilespmem:$0xCD70] =	vst v19;
	v19 =	vshra.s32 v23, $0x1;
	v21 =	vshll.u32 v22, $0x6  }
0x147: {  	[tilespmem:$0xCC70] =	vst v19;
	v19 =	vand.u32 $0x40, v21  }
0x148: {  	[tilespmem:$0xCD80] =	vst v19;
	v19 =	vshra.s32 v22, $0x1;
	v21 =	vshll.u32 v20, $0x6  }
0x149: {  	[tilespmem:$0xCC80] =	vst v19;
	v19 =	vand.u32 $0x40, v21  }
0x14a: {  	[tilespmem:$0xCD90] =	vst v19;
	v19 =	vshra.s32 v20, $0x1  }
0x14b: {  	[tilespmem:$0xCC90] =	vst v19  }
0x14c: {  	[tilespmem:s23], [sflag:$0x1] =	stream.indirect.gather [hbm4b:s7+s22], $0x80, s14, s22, $0xb8;
	[tilespmem:$0x1A000] =	vst v63  }
0x14d: {  	s11 =	simm.s32 $0x10E00  }
0x14e: {  	[tilespmem:s11], [sflag:$0x1] =	stream.indirect.gather [hbm4b:s7+s6], $0x80, s15, s6, $0xb8;
	[tilespmem:$0x1A000] =	vst v63  }
0x14f: {  	v19 =	vld [tilespmem:$0xCB80];
	_ =	sdelay $0x4  }
0x150: {  	v19 =	vcvt.s32.f32 v19;
	_ =	sdelay $0x1  }
0x151: {  	v19 =	vmul.f32 $-6.999999880e-01, v19;
	_ =	sdelay $0x1  }
0x152: {  	v19 =	vmul.f32 $1.442695020e+00, v19;
	_ =	sdelay $0x1  }
0x153: {  	(erf) = vpow2.f32 v19;
	_ =	sdelay $0x8  }
0x154: {  	v51 =	vpop (erf)  }
0x155: {  	_ =	swait.ge [sflag:s28], $0x4000  }
0x156: {  	[sflag:s28] =	ssyncset.done $0x0  }
0x157: {  	[sflag:s28] =	ssyncadd.s32 $0xFFFFC000  }
0x158: {  	_ =	swait.ge [sflag:s28], $0x1000  }
0x159: {  	[sflag:s28] =	ssyncset.done $0x0  }
0x15a: {  	[sflag:s28] =	ssyncadd.s32 $0xFFFFF000  }
0x15b: {  	v22 =	vld.idx.msk [tilespmem:v1+s0+$0x0], $0xffff  }
0x15c: {  	v21 =	vld.idx.msk [tilespmem:v6+s0+$0x0], $0xffff  }
0x15d: {  	v26 =	vld.idx.msk [tilespmem:v1+s1+$0x0], $0xffff  }
0x15e: {  	v20 =	vld.idx.msk [tilespmem:v7+s0+$0x0], $0xffff  }
0x15f: {  	v52 =	vnsel vm1, $0x0, v18;
	v23 =	vld.idx.msk [tilespmem:v6+s1+$0x0], $0xffff  }
0x160: {  	vm0 =	vlt.s32 v52, $0x7F;
	v28 =	vadd.s32 $0xFFFFFF80, v52;
	v19 =	vld.idx.msk [tilespmem:v8+s0+$0x0], $0xffff  }
0x161: {  	v42 =	vnsel vm0, $0x7F, v52;
	vm0 =	vgt.s32 v28, $0x0;
	v24 =	vld.idx.msk [tilespmem:v7+s1+$0x0], $0xffff  }
0x162: {  	v31 =	vmul.u32 $0x500, v0;
	v33 =	vnsel vm0, $0x0, v28;
	v18 =	vld.idx.msk [tilespmem:v9+s0+$0x0], $0xffff  }
0x163: {  	v46 =	vmin.u32 v33, $0x7F;
	v25 =	vld.idx.msk [tilespmem:v8+s1+$0x0], $0xffff;
	v27 =	vadd.s32 s17, v26  }
0x164: {  	v30 =	vld.idx.msk [tilespmem:v11+s1+$0x0], $0xffff;
	v32 =	vadd.s32 v31, v27  }
0x165: {  	v35 =	vor.u32 $0x80, v31;
	v28 =	vld.idx.msk [tilespmem:v12+s1+$0x0], $0xffff;
	v29 =	vadd.s32 s17, v23  }
0x166: {  	v37 =	vadd.s32 $0x100, v31;
	v54 =	vadd.s32 s17, v24;
	v27 =	vld.idx.msk [tilespmem:v9+s1+$0x0], $0xffff;
	v34 =	vadd.s32 v35, v29  }
0x167: {  	v40 =	vld.idx.msk [tilespmem:v42+s20+$0x0], $0xffff;
	v33 =	vadd.s32 v37, v54  }
0x168: {  	v38 =	vadd.s32 $0x180, v31;
	v45 =	vld.idx.msk [tilespmem:v46+s12+$0x0], $0xffff;
	v55 =	vadd.s32 s17, v25  }
0x169: {  	v43 =	vadd.s32 v38, v55;
	v36 =	vld.idx.msk [tilespmem:v32+s23+$0x0], $0xffff  }
0x16a: {  	v29 =	vld.idx.msk [tilespmem:v13+s1+$0x0], $0xffff  }
0x16b: {  	v39 =	vadd.s32 $0x200, v31;
	v44 =	vld.idx.msk [tilespmem:v34+s23+$0x0], $0xffff;
	v56 =	vadd.s32 s17, v27  }
0x16c: {  	v41 =	vadd.s32 $0x280, v31;
	v57 =	vadd.s32 s17, v30;
	v48 =	vld.idx.msk [tilespmem:v33+s23+$0x0], $0xffff;
	v47 =	vadd.s32 v39, v56  }
0x16d: {  	vm0 =	vlt.s32 v52, $0x80;
	v49 =	vadd.s32 v41, v57;
	v32 =	vld.idx.msk [tilespmem:v14+s1+$0x0], $0xffff  }
0x16e: {  	v59 =	vadd.s32 s17, v28;
	v40 =	vsel vm0, v40, v45;
	v50 =	vld.idx.msk [tilespmem:v43+s23+$0x0], $0xffff;
	v58 =	vmul.f32 v36, v22  }
0x16f: {  	v45 =	vadd.s32 $0x380, v31;
	v43 =	vadd.s32 $0x300, v31;
	v34 =	vld.idx.msk [tilespmem:v15+s1+$0x0], $0xffff;
	v54 =	vadd.s32 s17, v29  }
0x170: {  	v33 =	vld.idx.msk [tilespmem:v11+s0+$0x0], $0xffff;
	v53 =	vadd.s32 v43, v59;
	v44 =	vmul.f32 v44, v21;
	v60 =	vadd.f32 $0.0e+00, v58  }
0x171: {  	v54 =	vadd.s32 v45, v54;
	v47 =	vld.idx.msk [tilespmem:v47+s23+$0x0], $0xffff  }
0x172: {  	v57 =	vld.idx.msk [tilespmem:v49+s23+$0x0], $0xffff;
	v55 =	vmul.f32 v48, v20;
	v56 =	vadd.s32 s17, v32;
	v44 =	vadd.f32 v44, v60  }
0x173: {  	v48 =	vadd.s32 $0x400, v31;
	v62 =	vmul.f32 v50, v19;
	v50 =	vadd.s32 $0x480, v31  }
0x174: {  	v36 =	vld.idx.msk [tilespmem:v12+s0+$0x0], $0xffff;
	v56 =	vadd.s32 v48, v56;
	v58 =	vadd.s32 s17, v34;
	v61 =	vadd.f32 v55, v44  }
0x175: {  	v40 =	vshll.u32 v40, $0x6;
	v59 =	vld.idx.msk [tilespmem:v53+s23+$0x0], $0xffff;
	v58 =	vadd.s32 v50, v58  }
0x176: {  	v44 =	vand.u32 $0x40, v40;
	v40 =	vld.idx.msk [tilespmem:v13+s0+$0x0], $0xffff;
	v60 =	vmul.f32 v47, v18;
	v55 =	vadd.f32 v62, v61  }
0x177: {  	v49 =	vshll.u32 v42, $0x7;
	v57 =	vmul.f32 v57, v33;
	v63 =	vor.u32 s17, v44;
	v61 =	vld.idx.msk [tilespmem:v54+s23+$0x0], $0xffff  }
0x178: {  	v42 =	vld.idx.msk [tilespmem:v14+s0+$0x0], $0xffff;
	v47 =	vshll.u32 v46, $0x7;
	v53 =	vadd.s32 v49, v63;
	v55 =	vadd.f32 v60, v55  }
0x179: {  	v56 =	vld.idx.msk [tilespmem:v56+s23+$0x0], $0xffff;
	v54 =	vadd.s32 v47, v63  }
0x17a: {  	v46 =	vld.idx.msk [tilespmem:v15+s0+$0x0], $0xffff;
	v60 =	vmul.f32 v59, v36;
	v55 =	vadd.f32 v57, v55  }
0x17b: {  	v58 =	vld.idx.msk [tilespmem:v58+s23+$0x0], $0xffff  }
0x17c: {  	v57 =	vmul.f32 v61, v40;
	v55 =	vadd.f32 v60, v55  }
0x17d: {  	v59 =	vld.idx.msk [tilespmem:v53+s24+$0x0], $0xffff  }
0x17e: {  	v51 =	vmul.f32 $6.999999880e-01, v51;
	v56 =	vmul.f32 v56, v42;
	v60 =	vld.idx.msk [tilespmem:v54+s26+$0x0], $0xffff;
	v55 =	vadd.f32 v57, v55;
	_ =	sdelay $0x1  }
0x17f: {  	v51 =	vadd.f32 $2.000000030e-01, v51;
	v62 =	vmul.f32 v58, v46;
	v55 =	vadd.f32 v56, v55  }
0x180: {  	vm3 =	vge.s32 v52, $0x80  }
0x181: {  	vm2 =	vmand vm1, vm0;
	v52 =	vsub.f32 $1.000000000e+00, v51;
	v55 =	vadd.f32 v62, v55  }
0x182: {  	vm1 =	vmand vm1, vm3;
	s4 =	simm.s32 $0x1;
	v63 =	vsel vm0, v59, v60  }
0x183: {  	s11 =	simm.s32 $0x2;
	v56 =	vadd.s32 s4, v26;
	v57 =	vmul.f32 v63, v52;
	v55 =	vmul.f32 v55, v51  }
.LBB2_11:
0x184: {  	p0 =	sne.s32 s11, $0x3F;
	v56 =	vadd.s32 v31, v56  }
0x185: {  	v58 =	vadd.s32 s4, v23;
	v59 =	vor.u32 $0x80, v31;
	v55 =	vadd.f32 v57, v55  }
0x186: {  	v57 =	vadd.s32 v59, v58  }
0x187: {  	v58 =	vadd.s32 s4, v24;
	v59 =	vadd.s32 $0x100, v31;
	[tilespmem:v53+s24+$0x0] =	vst.idx.msk vm2, v55  }
0x188: {  	v53 =	vadd.s32 v59, v58;
	[tilespmem:v54+s26+$0x0] =	vst.idx.msk vm1, v55  }
0x189: {  	v55 =	vadd.s32 s4, v25;
	v54 =	vld.idx.msk [tilespmem:v56+s23+$0x0], $0xffff;
	v56 =	vadd.s32 $0x180, v31  }
0x18a: {  	v55 =	vadd.s32 v56, v55  }
0x18b: {  	v58 =	vadd.s32 $0x200, v31;
	v56 =	vld.idx.msk [tilespmem:v57+s23+$0x0], $0xffff;
	v57 =	vadd.s32 s4, v27  }
0x18c: {  	v57 =	vadd.s32 v58, v57  }
0x18d: {  	v59 =	vadd.s32 $0x280, v31;
	v58 =	vadd.s32 s4, v30;
	v53 =	vld.idx.msk [tilespmem:v53+s23+$0x0], $0xffff  }
0x18e: {  	v58 =	vadd.s32 v59, v58  }
0x18f: {  	v60 =	vadd.s32 $0x300, v31;
	v59 =	vadd.s32 s4, v28;
	v54 =	vmul.f32 v54, v22;
	v55 =	vld.idx.msk [tilespmem:v55+s23+$0x0], $0xffff  }
0x190: {  	v59 =	vadd.s32 v60, v59;
	v60 =	vadd.s32 s4, v29  }
0x191: {  	v61 =	vadd.s32 $0x380, v31;
	v54 =	vadd.f32 $0.0e+00, v54;
	v56 =	vmul.f32 v56, v21;
	v57 =	vld.idx.msk [tilespmem:v57+s23+$0x0], $0xffff  }
0x192: {  	v60 =	vadd.s32 v61, v60;
	v61 =	vadd.s32 s4, v32  }
0x193: {  	v54 =	vadd.f32 v56, v54;
	v53 =	vmul.f32 v53, v20;
	v56 =	vld.idx.msk [tilespmem:v58+s23+$0x0], $0xffff;
	v58 =	vadd.s32 $0x400, v31  }
0x194: {  	v58 =	vadd.s32 v58, v61;
	v61 =	vadd.s32 s4, v34  }
0x195: {  	v53 =	vadd.f32 v53, v54;
	v54 =	vmul.f32 v55, v19;
	v55 =	vld.idx.msk [tilespmem:v59+s23+$0x0], $0xffff;
	v59 =	vadd.s32 $0x480, v31  }
0x196: {  	v59 =	vadd.s32 v59, v61  }
0x197: {  	v54 =	vadd.f32 v54, v53;
	v57 =	vmul.f32 v57, v18;
	v61 =	vor.u32 s4, v44;
	s4 =	smov.u32 s11;
	v60 =	vld.idx.msk [tilespmem:v60+s23+$0x0], $0xffff  }
0x198: {  	v53 =	vadd.s32 v49, v61  }
0x199: {  	v57 =	vadd.f32 v57, v54;
	v56 =	vmul.f32 v56, v33;
	v54 =	vadd.s32 v47, v61;
	v58 =	vld.idx.msk [tilespmem:v58+s23+$0x0], $0xffff;
	_ =	sdelay $0x1  }
0x19a: {  	v56 =	vadd.f32 v56, v57;
	v55 =	vmul.f32 v55, v36;
	v57 =	vld.idx.msk [tilespmem:v59+s23+$0x0], $0xffff;
	_ =	sdelay $0x1  }
0x19b: {  	v55 =	vadd.f32 v55, v56;
	v56 =	vmul.f32 v60, v40;
	v59 =	vld.idx.msk [tilespmem:v53+s24+$0x0], $0xffff  }
0x19c: {  	v60 =	vld.idx.msk [tilespmem:v54+s26+$0x0], $0xffff  }
0x19d: {  	v55 =	vadd.f32 v56, v55;
	v56 =	vmul.f32 v58, v42;
	_ =	sdelay $0x1  }
.Ltmp4:
0x19e: {  	v55 =	vadd.f32 v56, v55;
	v56 =	vmul.f32 v57, v46;
	(pc) =	sbr.rel @p0 .LBB2_11-.Ltmp4, $4  }
0x19f: {  	_ = 	snop  }
0x1a0: {  	v55 =	vadd.f32 v56, v55  }
0x1a1: {  	v57 =	vsel vm0, v59, v60  }
0x1a2: {  	s11 =	sadd.s32 $0x1, s11;
	v56 =	vadd.s32 s4, v26;
	v55 =	vmul.f32 v55, v51;
	v57 =	vmul.f32 v57, v52  }
0x1a3: {  	_ =	sdelay $0x1  }
0x1a4: {  	v26 =	vadd.s32 v31, v56  }
0x1a5: {  	v23 =	vadd.s32 s4, v23;
	v63 =	vadd.f32 v57, v55  }
0x1a6: {  	v23 =	vadd.s32 v35, v23  }
0x1a7: {  	v24 =	vadd.s32 s4, v24;
	[tilespmem:v53+s24+$0x0] =	vst.idx.msk vm2, v63  }
0x1a8: {  	v24 =	vadd.s32 v37, v24;
	[tilespmem:v54+s26+$0x0] =	vst.idx.msk vm1, v63  }
0x1a9: {  	v25 =	vadd.s32 s4, v25;
	v26 =	vld.idx.msk [tilespmem:v26+s23+$0x0], $0xffff  }
0x1aa: {  	v25 =	vadd.s32 v38, v25  }
0x1ab: {  	v27 =	vadd.s32 s4, v27;
	v23 =	vld.idx.msk [tilespmem:v23+s23+$0x0], $0xffff  }
0x1ac: {  	v27 =	vadd.s32 v39, v27  }
0x1ad: {  	v30 =	vadd.s32 s4, v30;
	v24 =	vld.idx.msk [tilespmem:v24+s23+$0x0], $0xffff  }
0x1ae: {  	v30 =	vadd.s32 v41, v30;
	v22 =	vmul.f32 v26, v22  }
0x1af: {  	v53 =	vadd.s32 s4, v28;
	v25 =	vld.idx.msk [tilespmem:v25+s23+$0x0], $0xffff  }
0x1b0: {  	v26 =	vadd.s32 v43, v53;
	v21 =	vmul.f32 v23, v21;
	v22 =	vadd.f32 $0.0e+00, v22  }
0x1b1: {  	v54 =	vadd.s32 s4, v29;
	v27 =	vld.idx.msk [tilespmem:v27+s23+$0x0], $0xffff  }
0x1b2: {  	v23 =	vadd.s32 v45, v54;
	v20 =	vmul.f32 v24, v20;
	v21 =	vadd.f32 v21, v22  }
0x1b3: {  	v55 =	vadd.s32 s4, v32;
	v56 =	vld.idx.msk [tilespmem:v30+s23+$0x0], $0xffff  }
0x1b4: {  	v19 =	vmul.f32 v25, v19;
	v22 =	vadd.s32 v48, v55;
	v20 =	vadd.f32 v20, v21  }
0x1b5: {  	v57 =	vadd.s32 s4, v34;
	v58 =	vld.idx.msk [tilespmem:v26+s23+$0x0], $0xffff  }
0x1b6: {  	v18 =	vmul.f32 v27, v18;
	v21 =	vadd.s32 v50, v57;
	v19 =	vadd.f32 v19, v20  }
0x1b7: {  	v60 =	vor.u32 s4, v44;
	v59 =	vld.idx.msk [tilespmem:v23+s23+$0x0], $0xffff  }
0x1b8: {  	v61 =	vadd.s32 v49, v60;
	v18 =	vadd.f32 v18, v19;
	v19 =	vmul.f32 v56, v33  }
0x1b9: {  	v23 =	vadd.s32 v47, v60;
	v22 =	vld.idx.msk [tilespmem:v22+s23+$0x0], $0xffff  }
0x1ba: {  	v18 =	vadd.f32 v19, v18;
	v19 =	vmul.f32 v58, v36  }
0x1bb: {  	v21 =	vld.idx.msk [tilespmem:v21+s23+$0x0], $0xffff  }
0x1bc: {  	v18 =	vadd.f32 v19, v18;
	v19 =	vmul.f32 v59, v40  }
0x1bd: {  	v62 =	vld.idx.msk [tilespmem:v61+s24+$0x0], $0xffff  }
0x1be: {  	v63 =	vld.idx.msk [tilespmem:v23+s26+$0x0], $0xffff;
	v18 =	vadd.f32 v19, v18;
	v19 =	vmul.f32 v22, v42;
	_ =	sdelay $0x1  }
0x1bf: {  	v18 =	vadd.f32 v19, v18;
	v19 =	vmul.f32 v21, v46;
	_ =	sdelay $0x1  }
0x1c0: {  	v18 =	vadd.f32 v19, v18  }
0x1c1: {  	s19 =	sadd.s32 $0x1, s19;
	v19 =	vsel vm0, v62, v63  }
0x1c2: {  	p0 =	sne.s32 s19, s3;
	v19 =	vmul.f32 v19, v52;
	v18 =	vmul.f32 v18, v51  }
.Ltmp5:
0x1c3: {  	_ = 	snop;
	(pc) =	sbr.rel @p0 .LBB2_10-.Ltmp5, $3  }
0x1c4: {  	v18 =	vadd.f32 v19, v18;
	_ =	sdelay $0x1  }
0x1c5: {  	[tilespmem:v61+s24+$0x0] =	vst.idx.msk vm2, v18  }
0x1c6: {  	[tilespmem:v23+s26+$0x0] =	vst.idx.msk vm1, v18  }
.LBB2_13:
0x1c7: {  	v17 =	vld [tilespmem:$0xC280];
	_ =	sdelay $0x2  }
0x1c8: {  	v18 =	vld [tilespmem:$0xC300]  }
0x1c9: {  	v19 =	vld [tilespmem:$0xC480]  }
0x1ca: {  	v17 =	vshll.u32 v17, $0x6  }
0x1cb: {  	v17 =	vand.u32 $0x40, v17  }
0x1cc: {  	s4 =	simm.s32 $0x0;
	v17 =	vor.u32 v10, v17  }
0x1cd: {  	v18 =	vshll.u32 v18, $0x6;
	v20 =	vor.u32 s4, v17  }
0x1ce: {  	v19 =	vshll.u32 v19, $0x6;
	v18 =	vand.u32 $0x40, v18  }
0x1cf: {  	v18 =	vor.u32 v10, v18  }
0x1d0: {  	v21 =	vor.u32 s4, v18  }
0x1d1: {  	s2 =	simm.s32 $0x1  }
0x1d2: {  	v22 =	vor.u32 $0x1, v19;
	v23 =	vor.u32 s2, v17;
	v26 =	vld.idx.msk [tilespmem:v20+s24+$0x0], $0xffff  }
0x1d3: {  	v25 =	vadd.s32 s4, v22;
	v20 =	vld.idx.msk [tilespmem:v19+s18+$0x0], $0xffff;
	_ =	sdelay $0x1  }
0x1d4: {  	v24 =	vor.u32 s2, v18;
	v21 =	vld.idx.msk [tilespmem:v21+s26+$0x0], $0xffff;
	_ =	sdelay $0x1  }
0x1d5: {  	s3 =	simm.s32 $0x2;
	v19 =	vimm.f32 $0.0e+00;
	v23 =	vld.idx.msk [tilespmem:v23+s24+$0x0], $0xffff  }
.LBB2_14:
0x1d6: {  	v27 =	vor.u32 s3, v17;
	v26 =	vmul.f32 v20, v26;
	v20 =	vld.idx.msk [tilespmem:v25+s18+$0x0], $0xffff;
	s4 =	smov.u32 s3;
	p0 =	sne.s32 s3, $0x3F  }
.Ltmp6:
0x1d7: {  	s3 =	sadd.s32 $0x1, s3;
	v25 =	vadd.s32 s2, v22;
	(pc) =	sbr.rel @p0 .LBB2_14-.Ltmp6, $4  }
0x1d8: {  	s2 =	smov.u32 s4;
	v28 =	vmul.f32 v26, v21;
	v21 =	vld.idx.msk [tilespmem:v24+s26+$0x0], $0xffff  }
0x1d9: {  	v24 =	vor.u32 s2, v18  }
0x1da: {  	v19 =	vadd.f32 v28, v19  }
0x1db: {  	v26 =	vmov v23;
	v23 =	vld.idx.msk [tilespmem:v27+s24+$0x0], $0xffff  }
0x1dc: {  	_ =	sdelay $0x3  }
0x1dd: {  	v17 =	vld.idx.msk [tilespmem:v25+s18+$0x0], $0xffff;
	_ =	sdelay $0x1  }
0x1de: {  	v18 =	vld.idx.msk [tilespmem:v24+s26+$0x0], $0xffff  }
0x1df: {  	v20 =	vmul.f32 v20, v26;
	_ =	sdelay $0x1  }
0x1e0: {  	v20 =	vmul.f32 v20, v21;
	v17 =	vmul.f32 v17, v23;
	_ =	sdelay $0x1  }
0x1e1: {  	v19 =	vadd.f32 v20, v19;
	v17 =	vmul.f32 v17, v18;
	_ =	sdelay $0x1  }
0x1e2: {  	v17 =	vadd.f32 v17, v19;
	_ =	sdelay $0x1  }
0x1e3: {  	v17 =	vsub.f32 $0.0e+00, v17;
	_ =	sdelay $0x1  }
0x1e4: {  	v17 =	vmul.f32 $1.442695020e+00, v17;
	_ =	sdelay $0x1  }
0x1e5: {  	(erf) = vpow2.f32 v17;
	_ =	sdelay $0x8  }
0x1e6: {  	v17 =	vpop (erf)  }
0x1e7: {  	v17 =	vadd.f32 $1.000000000e+00, v17;
	_ =	sdelay $0x1  }
0x1e8: {  	(erf) = vrcp.f32 v17;
	_ =	sdelay $0x6  }
0x1e9: {  	s13 =	rddreg [dreg:$0xf]  }
0x1ea: {  	s2 =	sshll.u32 s13, $0x7  }
0x1eb: {  	s3 =	sand.u32 $0x3FFFFF80, s2;
	v17 =	vpop (erf)  }
0x1ec: {  	[tilespmem:s3+$0x19E00] =	vst v17  }
0x1ed: {  	v17 =	vld [tilespmem:$0xC290];
	_ =	sdelay $0x2  }
0x1ee: {  	v18 =	vld [tilespmem:$0xC310]  }
0x1ef: {  	v19 =	vld [tilespmem:$0xC490]  }
0x1f0: {  	v17 =	vshll.u32 v17, $0x6  }
0x1f1: {  	v17 =	vand.u32 $0x40, v17  }
0x1f2: {  	s11 =	simm.s32 $0x0;
	v17 =	vor.u32 v16, v17  }
0x1f3: {  	v18 =	vshll.u32 v18, $0x6;
	v20 =	vor.u32 s11, v17  }
0x1f4: {  	v19 =	vshll.u32 v19, $0x6;
	v18 =	vand.u32 $0x40, v18  }
0x1f5: {  	v18 =	vor.u32 v16, v18  }
0x1f6: {  	v21 =	vor.u32 s11, v18  }
0x1f7: {  	s2 =	simm.s32 $0x1  }
0x1f8: {  	v22 =	vor.u32 $0x1, v19;
	v23 =	vor.u32 s2, v17;
	v26 =	vld.idx.msk [tilespmem:v20+s24+$0x0], $0xffff  }
0x1f9: {  	v25 =	vadd.s32 s11, v22;
	v20 =	vld.idx.msk [tilespmem:v19+s18+$0x0], $0xffff;
	_ =	sdelay $0x1  }
0x1fa: {  	v24 =	vor.u32 s2, v18;
	v21 =	vld.idx.msk [tilespmem:v21+s26+$0x0], $0xffff;
	_ =	sdelay $0x1  }
0x1fb: {  	s4 =	simm.s32 $0x2;
	v19 =	vimm.f32 $0.0e+00;
	v23 =	vld.idx.msk [tilespmem:v23+s24+$0x0], $0xffff  }
.LBB2_16:
0x1fc: {  	v27 =	vor.u32 s4, v17;
	v26 =	vmul.f32 v20, v26;
	v20 =	vld.idx.msk [tilespmem:v25+s18+$0x0], $0xffff;
	s11 =	smov.u32 s4;
	p0 =	sne.s32 s4, $0x3F  }
.Ltmp7:
0x1fd: {  	s4 =	sadd.s32 $0x1, s4;
	v25 =	vadd.s32 s2, v22;
	(pc) =	sbr.rel @p0 .LBB2_16-.Ltmp7, $4  }
0x1fe: {  	s2 =	smov.u32 s11;
	v28 =	vmul.f32 v26, v21;
	v21 =	vld.idx.msk [tilespmem:v24+s26+$0x0], $0xffff  }
0x1ff: {  	v24 =	vor.u32 s2, v18  }
0x200: {  	v19 =	vadd.f32 v28, v19  }
0x201: {  	v26 =	vmov v23;
	v23 =	vld.idx.msk [tilespmem:v27+s24+$0x0], $0xffff  }
0x202: {  	_ =	sdelay $0x3  }
0x203: {  	v17 =	vld.idx.msk [tilespmem:v25+s18+$0x0], $0xffff;
	_ =	sdelay $0x1  }
0x204: {  	v18 =	vld.idx.msk [tilespmem:v24+s26+$0x0], $0xffff  }
0x205: {  	v20 =	vmul.f32 v20, v26;
	_ =	sdelay $0x1  }
0x206: {  	v20 =	vmul.f32 v20, v21;
	v17 =	vmul.f32 v17, v23;
	_ =	sdelay $0x1  }
0x207: {  	v19 =	vadd.f32 v20, v19;
	v17 =	vmul.f32 v17, v18;
	_ =	sdelay $0x1  }
0x208: {  	v17 =	vadd.f32 v17, v19;
	_ =	sdelay $0x1  }
0x209: {  	v17 =	vsub.f32 $0.0e+00, v17;
	_ =	sdelay $0x1  }
0x20a: {  	v17 =	vmul.f32 $1.442695020e+00, v17;
	_ =	sdelay $0x1  }
0x20b: {  	(erf) = vpow2.f32 v17;
	_ =	sdelay $0x8  }
0x20c: {  	v17 =	vpop (erf)  }
0x20d: {  	v17 =	vadd.f32 $1.000000000e+00, v17;
	_ =	sdelay $0x1  }
0x20e: {  	(erf) = vrcp.f32 v17;
	_ =	sdelay $0x8  }
0x20f: {  	v17 =	vpop (erf)  }
0x210: {  	[tilespmem:s3+$0x19E10] =	vst v17  }
0x211: {  	v17 =	vld [tilespmem:$0xC2A0]  }
0x212: {  	v18 =	vld [tilespmem:$0xC320]  }
0x213: {  	v19 =	vld [tilespmem:$0xC4A0];
	_ =	sdelay $0x2  }
0x214: {  	v17 =	vshll.u32 v17, $0x6  }
0x215: {  	v20 =	vor.u32 $0x1000, v10;
	v17 =	vand.u32 $0x40, v17  }
0x216: {  	s11 =	simm.s32 $0x0;
	v18 =	vshll.u32 v18, $0x6;
	v19 =	vshll.u32 v19, $0x6;
	v17 =	vor.u32 v20, v17  }
0x217: {  	v18 =	vand.u32 $0x40, v18;
	v21 =	vor.u32 s11, v17  }
0x218: {  	v18 =	vor.u32 v20, v18  }
0x219: {  	v23 =	vor.u32 s11, v18  }
0x21a: {  	s2 =	simm.s32 $0x1  }
0x21b: {  	v22 =	vor.u32 $0x1, v19;
	v27 =	vor.u32 s2, v17;
	v20 =	vld.idx.msk [tilespmem:v19+s18+$0x0], $0xffff  }
0x21c: {  	v25 =	vadd.s32 s11, v22;
	v26 =	vld.idx.msk [tilespmem:v21+s24+$0x0], $0xffff;
	_ =	sdelay $0x1  }
0x21d: {  	v24 =	vor.u32 s2, v18;
	v21 =	vld.idx.msk [tilespmem:v23+s26+$0x0], $0xffff;
	_ =	sdelay $0x1  }
0x21e: {  	s4 =	simm.s32 $0x2;
	v19 =	vimm.f32 $0.0e+00;
	v23 =	vld.idx.msk [tilespmem:v27+s24+$0x0], $0xffff  }
.LBB2_18:
0x21f: {  	v27 =	vor.u32 s4, v17;
	v26 =	vmul.f32 v20, v26;
	v20 =	vld.idx.msk [tilespmem:v25+s18+$0x0], $0xffff;
	s11 =	smov.u32 s4;
	p0 =	sne.s32 s4, $0x3F  }
.Ltmp8:
0x220: {  	s4 =	sadd.s32 $0x1, s4;
	v25 =	vadd.s32 s2, v22;
	(pc) =	sbr.rel @p0 .LBB2_18-.Ltmp8, $4  }
0x221: {  	s2 =	smov.u32 s11;
	v28 =	vmul.f32 v26, v21;
	v21 =	vld.idx.msk [tilespmem:v24+s26+$0x0], $0xffff  }
0x222: {  	v24 =	vor.u32 s2, v18  }
0x223: {  	v19 =	vadd.f32 v28, v19  }
0x224: {  	v26 =	vmov v23;
	v23 =	vld.idx.msk [tilespmem:v27+s24+$0x0], $0xffff  }
0x225: {  	_ =	sdelay $0x3  }
0x226: {  	v17 =	vld.idx.msk [tilespmem:v25+s18+$0x0], $0xffff;
	_ =	sdelay $0x1  }
0x227: {  	v18 =	vld.idx.msk [tilespmem:v24+s26+$0x0], $0xffff  }
0x228: {  	v20 =	vmul.f32 v20, v26;
	_ =	sdelay $0x1  }
0x229: {  	v20 =	vmul.f32 v20, v21;
	v17 =	vmul.f32 v17, v23;
	_ =	sdelay $0x1  }
0x22a: {  	v19 =	vadd.f32 v20, v19;
	v17 =	vmul.f32 v17, v18;
	_ =	sdelay $0x1  }
0x22b: {  	v17 =	vadd.f32 v17, v19;
	_ =	sdelay $0x1  }
0x22c: {  	v17 =	vsub.f32 $0.0e+00, v17;
	_ =	sdelay $0x1  }
0x22d: {  	v17 =	vmul.f32 $1.442695020e+00, v17;
	_ =	sdelay $0x1  }
0x22e: {  	(erf) = vpow2.f32 v17;
	_ =	sdelay $0x8  }
0x22f: {  	v17 =	vpop (erf)  }
0x230: {  	v17 =	vadd.f32 $1.000000000e+00, v17;
	_ =	sdelay $0x1  }
0x231: {  	(erf) = vrcp.f32 v17;
	_ =	sdelay $0x8  }
0x232: {  	v17 =	vpop (erf)  }
0x233: {  	[tilespmem:s3+$0x19E20] =	vst v17  }
0x234: {  	v17 =	vld [tilespmem:$0xC2B0]  }
0x235: {  	v18 =	vld [tilespmem:$0xC330]  }
0x236: {  	v19 =	vld [tilespmem:$0xC4B0];
	_ =	sdelay $0x2  }
0x237: {  	v17 =	vshll.u32 v17, $0x6  }
0x238: {  	v20 =	vor.u32 $0x1800, v10;
	v17 =	vand.u32 $0x40, v17  }
0x239: {  	s11 =	simm.s32 $0x0;
	v18 =	vshll.u32 v18, $0x6;
	v19 =	vshll.u32 v19, $0x6;
	v17 =	vor.u32 v20, v17  }
0x23a: {  	v18 =	vand.u32 $0x40, v18;
	v21 =	vor.u32 s11, v17  }
0x23b: {  	v18 =	vor.u32 v20, v18  }
0x23c: {  	v23 =	vor.u32 s11, v18  }
0x23d: {  	s2 =	simm.s32 $0x1  }
0x23e: {  	v22 =	vor.u32 $0x1, v19;
	v27 =	vor.u32 s2, v17;
	v20 =	vld.idx.msk [tilespmem:v19+s18+$0x0], $0xffff  }
0x23f: {  	v25 =	vadd.s32 s11, v22;
	v26 =	vld.idx.msk [tilespmem:v21+s24+$0x0], $0xffff;
	_ =	sdelay $0x1  }
0x240: {  	v24 =	vor.u32 s2, v18;
	v21 =	vld.idx.msk [tilespmem:v23+s26+$0x0], $0xffff;
	_ =	sdelay $0x1  }
0x241: {  	s4 =	simm.s32 $0x2;
	v19 =	vimm.f32 $0.0e+00;
	v23 =	vld.idx.msk [tilespmem:v27+s24+$0x0], $0xffff  }
.LBB2_20:
0x242: {  	v27 =	vor.u32 s4, v17;
	v26 =	vmul.f32 v20, v26;
	v20 =	vld.idx.msk [tilespmem:v25+s18+$0x0], $0xffff;
	s11 =	smov.u32 s4;
	p0 =	sne.s32 s4, $0x3F  }
.Ltmp9:
0x243: {  	s4 =	sadd.s32 $0x1, s4;
	v25 =	vadd.s32 s2, v22;
	(pc) =	sbr.rel @p0 .LBB2_20-.Ltmp9, $4  }
0x244: {  	s2 =	smov.u32 s11;
	v28 =	vmul.f32 v26, v21;
	v21 =	vld.idx.msk [tilespmem:v24+s26+$0x0], $0xffff  }
0x245: {  	v24 =	vor.u32 s2, v18  }
0x246: {  	v19 =	vadd.f32 v28, v19  }
0x247: {  	v26 =	vmov v23;
	v23 =	vld.idx.msk [tilespmem:v27+s24+$0x0], $0xffff  }
0x248: {  	_ =	sdelay $0x3  }
0x249: {  	v17 =	vld.idx.msk [tilespmem:v25+s18+$0x0], $0xffff;
	_ =	sdelay $0x1  }
0x24a: {  	v18 =	vld.idx.msk [tilespmem:v24+s26+$0x0], $0xffff  }
0x24b: {  	v20 =	vmul.f32 v20, v26;
	_ =	sdelay $0x1  }
0x24c: {  	v20 =	vmul.f32 v20, v21;
	v17 =	vmul.f32 v17, v23;
	_ =	sdelay $0x1  }
0x24d: {  	v19 =	vadd.f32 v20, v19;
	v17 =	vmul.f32 v17, v18;
	_ =	sdelay $0x1  }
0x24e: {  	v17 =	vadd.f32 v17, v19;
	_ =	sdelay $0x1  }
0x24f: {  	v17 =	vsub.f32 $0.0e+00, v17;
	_ =	sdelay $0x1  }
0x250: {  	v17 =	vmul.f32 $1.442695020e+00, v17;
	_ =	sdelay $0x1  }
0x251: {  	(erf) = vpow2.f32 v17;
	_ =	sdelay $0x8  }
0x252: {  	v17 =	vpop (erf)  }
0x253: {  	v17 =	vadd.f32 $1.000000000e+00, v17;
	_ =	sdelay $0x1  }
0x254: {  	(erf) = vrcp.f32 v17;
	_ =	sdelay $0x8  }
0x255: {  	v17 =	vpop (erf)  }
0x256: {  	[tilespmem:s3+$0x19E30] =	vst v17  }
0x257: {  	v17 =	vld [tilespmem:$0xC2C0]  }
0x258: {  	v18 =	vld [tilespmem:$0xC340]  }
0x259: {  	v19 =	vld [tilespmem:$0xC4C0];
	_ =	sdelay $0x2  }
0x25a: {  	v17 =	vshll.u32 v17, $0x6  }
0x25b: {  	v20 =	vor.u32 $0x2000, v10;
	v17 =	vand.u32 $0x40, v17  }
0x25c: {  	s11 =	simm.s32 $0x0;
	v18 =	vshll.u32 v18, $0x6;
	v19 =	vshll.u32 v19, $0x6;
	v17 =	vor.u32 v20, v17  }
0x25d: {  	v18 =	vand.u32 $0x40, v18;
	v21 =	vor.u32 s11, v17  }
0x25e: {  	v18 =	vor.u32 v20, v18  }
0x25f: {  	v23 =	vor.u32 s11, v18  }
0x260: {  	s2 =	simm.s32 $0x1  }
0x261: {  	v22 =	vor.u32 $0x1, v19;
	v27 =	vor.u32 s2, v17;
	v20 =	vld.idx.msk [tilespmem:v19+s18+$0x0], $0xffff  }
0x262: {  	v25 =	vadd.s32 s11, v22;
	v26 =	vld.idx.msk [tilespmem:v21+s24+$0x0], $0xffff;
	_ =	sdelay $0x1  }
0x263: {  	v24 =	vor.u32 s2, v18;
	v21 =	vld.idx.msk [tilespmem:v23+s26+$0x0], $0xffff;
	_ =	sdelay $0x1  }
0x264: {  	s4 =	simm.s32 $0x2;
	v19 =	vimm.f32 $0.0e+00;
	v23 =	vld.idx.msk [tilespmem:v27+s24+$0x0], $0xffff  }
.LBB2_22:
0x265: {  	v27 =	vor.u32 s4, v17;
	v26 =	vmul.f32 v20, v26;
	v20 =	vld.idx.msk [tilespmem:v25+s18+$0x0], $0xffff;
	s11 =	smov.u32 s4;
	p0 =	sne.s32 s4, $0x3F  }
.Ltmp10:
0x266: {  	s4 =	sadd.s32 $0x1, s4;
	v25 =	vadd.s32 s2, v22;
	(pc) =	sbr.rel @p0 .LBB2_22-.Ltmp10, $4  }
0x267: {  	s2 =	smov.u32 s11;
	v28 =	vmul.f32 v26, v21;
	v21 =	vld.idx.msk [tilespmem:v24+s26+$0x0], $0xffff  }
0x268: {  	v24 =	vor.u32 s2, v18  }
0x269: {  	v19 =	vadd.f32 v28, v19  }
0x26a: {  	v26 =	vmov v23;
	v23 =	vld.idx.msk [tilespmem:v27+s24+$0x0], $0xffff  }
0x26b: {  	_ =	sdelay $0x3  }
0x26c: {  	v17 =	vld.idx.msk [tilespmem:v25+s18+$0x0], $0xffff;
	_ =	sdelay $0x1  }
0x26d: {  	v18 =	vld.idx.msk [tilespmem:v24+s26+$0x0], $0xffff  }
0x26e: {  	v20 =	vmul.f32 v20, v26;
	_ =	sdelay $0x1  }
0x26f: {  	v20 =	vmul.f32 v20, v21;
	v17 =	vmul.f32 v17, v23;
	_ =	sdelay $0x1  }
0x270: {  	v19 =	vadd.f32 v20, v19;
	v17 =	vmul.f32 v17, v18;
	_ =	sdelay $0x1  }
0x271: {  	v17 =	vadd.f32 v17, v19;
	_ =	sdelay $0x1  }
0x272: {  	v17 =	vsub.f32 $0.0e+00, v17;
	_ =	sdelay $0x1  }
0x273: {  	v17 =	vmul.f32 $1.442695020e+00, v17;
	_ =	sdelay $0x1  }
0x274: {  	(erf) = vpow2.f32 v17;
	_ =	sdelay $0x8  }
0x275: {  	v17 =	vpop (erf)  }
0x276: {  	v17 =	vadd.f32 $1.000000000e+00, v17;
	_ =	sdelay $0x1  }
0x277: {  	(erf) = vrcp.f32 v17;
	_ =	sdelay $0x8  }
0x278: {  	v17 =	vpop (erf)  }
0x279: {  	[tilespmem:s3+$0x19E40] =	vst v17  }
0x27a: {  	v17 =	vld [tilespmem:$0xC2D0]  }
0x27b: {  	v18 =	vld [tilespmem:$0xC350]  }
0x27c: {  	v19 =	vld [tilespmem:$0xC4D0];
	_ =	sdelay $0x2  }
0x27d: {  	v17 =	vshll.u32 v17, $0x6  }
0x27e: {  	v20 =	vor.u32 $0x2800, v10;
	v17 =	vand.u32 $0x40, v17  }
0x27f: {  	s11 =	simm.s32 $0x0;
	v18 =	vshll.u32 v18, $0x6;
	v19 =	vshll.u32 v19, $0x6;
	v17 =	vor.u32 v20, v17  }
0x280: {  	v18 =	vand.u32 $0x40, v18;
	v21 =	vor.u32 s11, v17  }
0x281: {  	v18 =	vor.u32 v20, v18  }
0x282: {  	v23 =	vor.u32 s11, v18  }
0x283: {  	s2 =	simm.s32 $0x1  }
0x284: {  	v22 =	vor.u32 $0x1, v19;
	v27 =	vor.u32 s2, v17;
	v20 =	vld.idx.msk [tilespmem:v19+s18+$0x0], $0xffff  }
0x285: {  	v25 =	vadd.s32 s11, v22;
	v26 =	vld.idx.msk [tilespmem:v21+s24+$0x0], $0xffff;
	_ =	sdelay $0x1  }
0x286: {  	v24 =	vor.u32 s2, v18;
	v21 =	vld.idx.msk [tilespmem:v23+s26+$0x0], $0xffff;
	_ =	sdelay $0x1  }
0x287: {  	s4 =	simm.s32 $0x2;
	v19 =	vimm.f32 $0.0e+00;
	v23 =	vld.idx.msk [tilespmem:v27+s24+$0x0], $0xffff  }
.LBB2_24:
0x288: {  	v27 =	vor.u32 s4, v17;
	v26 =	vmul.f32 v20, v26;
	v20 =	vld.idx.msk [tilespmem:v25+s18+$0x0], $0xffff;
	s11 =	smov.u32 s4;
	p0 =	sne.s32 s4, $0x3F  }
.Ltmp11:
0x289: {  	s4 =	sadd.s32 $0x1, s4;
	v25 =	vadd.s32 s2, v22;
	(pc) =	sbr.rel @p0 .LBB2_24-.Ltmp11, $4  }
0x28a: {  	s2 =	smov.u32 s11;
	v28 =	vmul.f32 v26, v21;
	v21 =	vld.idx.msk [tilespmem:v24+s26+$0x0], $0xffff  }
0x28b: {  	v24 =	vor.u32 s2, v18  }
0x28c: {  	v19 =	vadd.f32 v28, v19  }
0x28d: {  	v26 =	vmov v23;
	v23 =	vld.idx.msk [tilespmem:v27+s24+$0x0], $0xffff  }
0x28e: {  	_ =	sdelay $0x3  }
0x28f: {  	v17 =	vld.idx.msk [tilespmem:v25+s18+$0x0], $0xffff;
	_ =	sdelay $0x1  }
0x290: {  	v18 =	vld.idx.msk [tilespmem:v24+s26+$0x0], $0xffff  }
0x291: {  	v20 =	vmul.f32 v20, v26;
	_ =	sdelay $0x1  }
0x292: {  	v20 =	vmul.f32 v20, v21;
	v17 =	vmul.f32 v17, v23;
	_ =	sdelay $0x1  }
0x293: {  	v19 =	vadd.f32 v20, v19;
	v17 =	vmul.f32 v17, v18;
	_ =	sdelay $0x1  }
0x294: {  	v17 =	vadd.f32 v17, v19;
	_ =	sdelay $0x1  }
0x295: {  	v17 =	vsub.f32 $0.0e+00, v17;
	_ =	sdelay $0x1  }
0x296: {  	v17 =	vmul.f32 $1.442695020e+00, v17;
	_ =	sdelay $0x1  }
0x297: {  	(erf) = vpow2.f32 v17;
	_ =	sdelay $0x8  }
0x298: {  	v17 =	vpop (erf)  }
0x299: {  	v17 =	vadd.f32 $1.000000000e+00, v17;
	_ =	sdelay $0x1  }
0x29a: {  	(erf) = vrcp.f32 v17;
	_ =	sdelay $0x8  }
0x29b: {  	v17 =	vpop (erf)  }
0x29c: {  	[tilespmem:s3+$0x19E50] =	vst v17  }
0x29d: {  	v17 =	vld [tilespmem:$0xC2E0]  }
0x29e: {  	v18 =	vld [tilespmem:$0xC360]  }
0x29f: {  	v19 =	vld [tilespmem:$0xC4E0];
	_ =	sdelay $0x2  }
0x2a0: {  	v17 =	vshll.u32 v17, $0x6  }
0x2a1: {  	v20 =	vor.u32 $0x3000, v10;
	v17 =	vand.u32 $0x40, v17  }
0x2a2: {  	s11 =	simm.s32 $0x0;
	v18 =	vshll.u32 v18, $0x6;
	v19 =	vshll.u32 v19, $0x6;
	v17 =	vor.u32 v20, v17  }
0x2a3: {  	v18 =	vand.u32 $0x40, v18;
	v21 =	vor.u32 s11, v17  }
0x2a4: {  	v18 =	vor.u32 v20, v18  }
0x2a5: {  	v23 =	vor.u32 s11, v18  }
0x2a6: {  	s2 =	simm.s32 $0x1  }
0x2a7: {  	v22 =	vor.u32 $0x1, v19;
	v27 =	vor.u32 s2, v17;
	v20 =	vld.idx.msk [tilespmem:v19+s18+$0x0], $0xffff  }
0x2a8: {  	v25 =	vadd.s32 s11, v22;
	v26 =	vld.idx.msk [tilespmem:v21+s24+$0x0], $0xffff;
	_ =	sdelay $0x1  }
0x2a9: {  	v24 =	vor.u32 s2, v18;
	v21 =	vld.idx.msk [tilespmem:v23+s26+$0x0], $0xffff;
	_ =	sdelay $0x1  }
0x2aa: {  	s4 =	simm.s32 $0x2;
	v19 =	vimm.f32 $0.0e+00;
	v23 =	vld.idx.msk [tilespmem:v27+s24+$0x0], $0xffff  }
.LBB2_26:
0x2ab: {  	v27 =	vor.u32 s4, v17;
	v26 =	vmul.f32 v20, v26;
	v20 =	vld.idx.msk [tilespmem:v25+s18+$0x0], $0xffff;
	s11 =	smov.u32 s4;
	p0 =	sne.s32 s4, $0x3F  }
.Ltmp12:
0x2ac: {  	s4 =	sadd.s32 $0x1, s4;
	v25 =	vadd.s32 s2, v22;
	(pc) =	sbr.rel @p0 .LBB2_26-.Ltmp12, $4  }
0x2ad: {  	s2 =	smov.u32 s11;
	v28 =	vmul.f32 v26, v21;
	v21 =	vld.idx.msk [tilespmem:v24+s26+$0x0], $0xffff  }
0x2ae: {  	v24 =	vor.u32 s2, v18  }
0x2af: {  	v19 =	vadd.f32 v28, v19  }
0x2b0: {  	v26 =	vmov v23;
	v23 =	vld.idx.msk [tilespmem:v27+s24+$0x0], $0xffff  }
0x2b1: {  	_ =	sdelay $0x3  }
0x2b2: {  	v17 =	vld.idx.msk [tilespmem:v25+s18+$0x0], $0xffff;
	_ =	sdelay $0x1  }
0x2b3: {  	v18 =	vld.idx.msk [tilespmem:v24+s26+$0x0], $0xffff  }
0x2b4: {  	v20 =	vmul.f32 v20, v26;
	_ =	sdelay $0x1  }
0x2b5: {  	v20 =	vmul.f32 v20, v21;
	v17 =	vmul.f32 v17, v23;
	_ =	sdelay $0x1  }
0x2b6: {  	v19 =	vadd.f32 v20, v19;
	v17 =	vmul.f32 v17, v18;
	_ =	sdelay $0x1  }
0x2b7: {  	v17 =	vadd.f32 v17, v19;
	_ =	sdelay $0x1  }
0x2b8: {  	v17 =	vsub.f32 $0.0e+00, v17;
	_ =	sdelay $0x1  }
0x2b9: {  	v17 =	vmul.f32 $1.442695020e+00, v17;
	_ =	sdelay $0x1  }
0x2ba: {  	(erf) = vpow2.f32 v17;
	_ =	sdelay $0x8  }
0x2bb: {  	v17 =	vpop (erf)  }
0x2bc: {  	v17 =	vadd.f32 $1.000000000e+00, v17;
	_ =	sdelay $0x1  }
0x2bd: {  	(erf) = vrcp.f32 v17;
	_ =	sdelay $0x8  }
0x2be: {  	v17 =	vpop (erf)  }
0x2bf: {  	[tilespmem:s3+$0x19E60] =	vst v17  }
0x2c0: {  	v17 =	vld [tilespmem:$0xC2F0]  }
0x2c1: {  	v18 =	vld [tilespmem:$0xC370]  }
0x2c2: {  	v19 =	vld [tilespmem:$0xC4F0];
	_ =	sdelay $0x2  }
0x2c3: {  	v17 =	vshll.u32 v17, $0x6  }
0x2c4: {  	v20 =	vor.u32 $0x3800, v10;
	v17 =	vand.u32 $0x40, v17  }
0x2c5: {  	s11 =	simm.s32 $0x0;
	v18 =	vshll.u32 v18, $0x6;
	v19 =	vshll.u32 v19, $0x6;
	v17 =	vor.u32 v20, v17  }
0x2c6: {  	v18 =	vand.u32 $0x40, v18;
	v21 =	vor.u32 s11, v17  }
0x2c7: {  	v18 =	vor.u32 v20, v18  }
0x2c8: {  	v23 =	vor.u32 s11, v18  }
0x2c9: {  	s2 =	simm.s32 $0x1  }
0x2ca: {  	v22 =	vor.u32 $0x1, v19;
	v27 =	vor.u32 s2, v17;
	v20 =	vld.idx.msk [tilespmem:v19+s18+$0x0], $0xffff  }
0x2cb: {  	v25 =	vadd.s32 s11, v22;
	v26 =	vld.idx.msk [tilespmem:v21+s24+$0x0], $0xffff;
	_ =	sdelay $0x1  }
0x2cc: {  	v24 =	vor.u32 s2, v18;
	v21 =	vld.idx.msk [tilespmem:v23+s26+$0x0], $0xffff;
	_ =	sdelay $0x1  }
0x2cd: {  	s4 =	simm.s32 $0x2;
	v19 =	vimm.f32 $0.0e+00;
	v23 =	vld.idx.msk [tilespmem:v27+s24+$0x0], $0xffff  }
.LBB2_28:
0x2ce: {  	v27 =	vor.u32 s4, v17;
	v26 =	vmul.f32 v20, v26;
	v20 =	vld.idx.msk [tilespmem:v25+s18+$0x0], $0xffff;
	s11 =	smov.u32 s4;
	p0 =	sne.s32 s4, $0x3F  }
.Ltmp13:
0x2cf: {  	s4 =	sadd.s32 $0x1, s4;
	v25 =	vadd.s32 s2, v22;
	(pc) =	sbr.rel @p0 .LBB2_28-.Ltmp13, $4  }
0x2d0: {  	s2 =	smov.u32 s11;
	v28 =	vmul.f32 v26, v21;
	v21 =	vld.idx.msk [tilespmem:v24+s26+$0x0], $0xffff  }
0x2d1: {  	v24 =	vor.u32 s2, v18  }
0x2d2: {  	v19 =	vadd.f32 v28, v19  }
0x2d3: {  	v26 =	vmov v23;
	v23 =	vld.idx.msk [tilespmem:v27+s24+$0x0], $0xffff  }
0x2d4: {  	_ =	sdelay $0x3  }
0x2d5: {  	v17 =	vld.idx.msk [tilespmem:v25+s18+$0x0], $0xffff;
	_ =	sdelay $0x1  }
0x2d6: {  	v18 =	vld.idx.msk [tilespmem:v24+s26+$0x0], $0xffff  }
0x2d7: {  	v20 =	vmul.f32 v20, v26;
	_ =	sdelay $0x1  }
0x2d8: {  	v20 =	vmul.f32 v20, v21;
	v17 =	vmul.f32 v17, v23;
	_ =	sdelay $0x1  }
0x2d9: {  	v19 =	vadd.f32 v20, v19;
	v17 =	vmul.f32 v17, v18;
	_ =	sdelay $0x1  }
0x2da: {  	v17 =	vadd.f32 v17, v19;
	_ =	sdelay $0x1  }
0x2db: {  	v17 =	vsub.f32 $0.0e+00, v17;
	_ =	sdelay $0x1  }
0x2dc: {  	v17 =	vmul.f32 $1.442695020e+00, v17;
	_ =	sdelay $0x1  }
0x2dd: {  	(erf) = vpow2.f32 v17;
	_ =	sdelay $0x8  }
0x2de: {  	v17 =	vpop (erf)  }
0x2df: {  	v17 =	vadd.f32 $1.000000000e+00, v17;
	_ =	sdelay $0x1  }
0x2e0: {  	(erf) = vrcp.f32 v17;
	_ =	sdelay $0x3  }
0x2e1: {  	s13 =	sadd.s32 $0x1, s13  }
0x2e2: {  	p0 =	sne.s32 s13, $0x4  }
.Ltmp14:
0x2e3: {  	_ = 	snop;
	(pc) =	sbr.rel @p0 .LBB2_6-.Ltmp14, $3  }
0x2e4: {  	_ =	sdelay $0x1  }
0x2e5: {  	v17 =	vpop (erf)  }
0x2e6: {  	s11 =	simm.s32 $0x2;
	[tilespmem:s3+$0x19E70] =	vst v17  }
0x2e7: {  	s2 =	rddreg [dreg:$0xc];
	s3 =	simm.s32 $0x19E00  }
0x2e8: {  	[hbm4b:s2+s5] =	stream.linear.scatter [tilespmem:s3], [sflag:$0x2], $0x200, $0x38;
	[tilespmem:$0x1A000] =	vst v63  }
0x2e9: {  	_ =	swait.ge [sflag:s11], $0x200  }
0x2ea: {  	s21 =	rddreg [dreg:$0xe]  }
0x2eb: {  	s25 =	rddreg [dreg:$0xd];
	s3 =	sadd.s32 $0x1, s21  }
0x2ec: {  	p0 =	sne.s32 s3, s25  }
.Ltmp15:
0x2ed: {  	_ = 	snop;
	(pc) =	sbr.rel @p0 .LBB2_1-.Ltmp15, $3  }
0x2ee: {  	_ =	sdelay $0x1  }
0x2ef: {  	[sflag:s11] =	ssyncset.done $0x0  }
0x2f0: {  	s4 =	simm.s32 $0x4000;
	[sflag:s11] =	ssyncadd.s32 $0xFFFFFE00  }
0x2f1: {  	_ =	sfence.sel $0x180000  }
0x2f2: {  	[bflag:$0x0] =	sbarrier.arrive $0xFFFF  }
0x2f3: {  	_ =	strace $0x90000047  }
0x2f4: {  	s0 =	stileid.u32;
	[bflag:$0x2] =	sbarrier.arrive $0xFFFF  }
0x2f5: {  	p0 =	sne.s32 s0, $0x0;
	s0 =	rddreg [dreg:$0x6]  }
0x2f6: {  	s0 =	sadd.s32 @!p0 $0x100000, s0  }
0x2f7: {  	[sflag:s0] =	ssyncadd.tile.s32 @!p0 $0x1;
	_ =	shalt  }
.Lfunc_end2:
_tile_overlayer_lowered:
.L_overlay_start_2:
0x2f8: {  	(tag) =	ssettag $0x2  }
0x2f9: {  	s0 =	rddreg [dreg:$0x0];
	s2 =	stileid.u32  }
0x2fa: {  	s1 =	rddreg [dreg:$0x1];
	p0 =	sne.s32 s2, $0x0  }
0x2fb: {  	s3 =	rddreg [dreg:$0x2];
	[bflag:$0x3] =	sbarrier.arrive $0xFFFF;
	s2 =	simm.s32 @!p0 $0x1C02  }
0x2fc: {  	[timem:s3], [sflag:s2] =	dma.local @!p0 [hbm:s0], s1  }
0x2fd: {  	s0 =	simm.s32 @!p0 $0x2  }
0x2fe: {  	_ =	swait.ge @!p0 [sflag:s0], s1  }
0x2ff: {  	s1 =	ssub.s32 @!p0 $0x0, s1;
	[sflag:s0] =	ssyncset.done @!p0 $0x0  }
0x300: {  	[sflag:s0] =	ssyncadd.s32 @!p0 s1  }
0x301: {  	[bflag:$0x3] =	sbarrier.arrive $0xFFFF  }
0x302: {  	_ =	shalt  }

</sc_bundles>
